<compile_context>
chip_gen: v7x
topology: tpu7x:2x2x1
jax: 0.10.2.dev20260603
libtpu: 0.0.44.dev20260713+nightly
codegen_flags: <defaults>
</compile_context>

<pallas_src>
import functools

import jax
import jax.numpy as jnp
from jax import lax
from jax.experimental import pallas as pl
from jax.experimental.pallas import tpu as pltpu
from jax.experimental.pallas import tpu_sc as plsc

FIELDS = 26
EMB = 16
NC = 2
NS = 16
NW = NC * NS
L = 16
CHUNK = 128


@functools.partial(jax.jit, static_argnames=("B",))
def _deepfm_sc(fm2flat, fm1flat, idx_g, xv_s, xv_f, w_eff, *, B):
    b_per_w = B // NW
    FV = b_per_w * FIELDS

    mesh = plsc.VectorSubcoreMesh(
        core_axis_name="c", subcore_axis_name="s",
        num_cores=NC, num_subcores=NS)

    @functools.partial(
        pl.kernel,
        out_type=jax.ShapeDtypeStruct((B,), jnp.float32),
        mesh=mesh,
        scratch_types=[
            pltpu.VMEM((FV,), jnp.int32),
            pltpu.VMEM((FV + L,), jnp.float32),
            pltpu.VMEM((FV,), jnp.float32),
            pltpu.VMEM((FV, EMB), jnp.float32),
            pltpu.VMEM((FV,), jnp.float32),
            pltpu.VMEM((FIELDS * EMB,), jnp.float32),
            pltpu.VMEM((b_per_w,), jnp.float32),
            pltpu.VMEM((b_per_w,), jnp.float32),
            pltpu.SemaphoreType.DMA,
        ],
        compiler_params=pltpu.CompilerParams(
            use_tc_tiling_on_sc=False, needs_layout_passes=False),
    )
    def k(fm2_hbm, fm1_hbm, idx_hbm, xvs_hbm, xvf_hbm, w_hbm, out_hbm,
          idx_v, xvs_v, xvf_v, rows_v, f1_v, w_v, s1_v, out_v, sem):
        wid = lax.axis_index("s") * NC + lax.axis_index("c")

        pltpu.sync_copy(idx_hbm.at[pl.ds(wid * FV, FV)], idx_v)
        pltpu.sync_copy(xvs_hbm.at[pl.ds(wid * FV, FV)],
                        xvs_v.at[pl.ds(0, FV)])
        pltpu.sync_copy(xvf_hbm.at[pl.ds(wid * FV, FV)], xvf_v)
        pltpu.sync_copy(w_hbm, w_v)

        copies = []
        for f in range(FIELDS):
            isl = idx_v.at[pl.ds(f * CHUNK, CHUNK)]
            copies.append(pltpu.async_copy(
                fm2_hbm.at[isl],
                rows_v.at[pl.ds(f * b_per_w, b_per_w)], sem))
            copies.append(pltpu.async_copy(
                fm1_hbm.at[isl],
                f1_v.at[pl.ds(f * b_per_w, b_per_w)], sem))
        for cp in copies:
            cp.wait()

        lanes = lax.iota(jnp.int32, L)
        zero = jnp.zeros((L,), jnp.float32)

        def s1_body(g, _):
            off = g * L
            s1 = zero
            for f in range(FIELDS):
                p = pl.ds(f * b_per_w + off, L)
                s1 = s1 + f1_v[p] * xvf_v[p]
            s1_v[pl.ds(off, L)] = s1
            return 0
        lax.fori_loop(0, b_per_w // L, s1_body, 0)

        def sample_body(s, ovec):
            base = s * FIELDS
            acc = zero
            sq = zero
            dp = zero
            xa = xvs_v[pl.ds(base, L)]
            xb = xvs_v[pl.ds(base + L, L)]
            for f in range(FIELDS):
                row = rows_v[f * b_per_w + s, :]
                xf = xa[f] if f < L else xb[f - L]
                v = jnp.full((L,), xf, jnp.float32)
                sr = row * v
                acc = acc + sr
                sq = sq + sr * sr
                dp = dp + sr * w_v[pl.ds(f * EMB, EMB)]
            res = dp + 0.5 * (acc * acc - sq)
            total = jnp.sum(res)
            ovec = jnp.where(lanes == (s % L), jnp.full((L,), total), ovec)

            @pl.when(s % L == L - 1)
            def _flush():
                g0 = s - (L - 1)
                out_v[pl.ds(g0, L)] = ovec + s1_v[pl.ds(g0, L)]
            return ovec
        lax.fori_loop(0, b_per_w, sample_body, zero)

        pltpu.sync_copy(out_v, out_hbm.at[pl.ds(wid * b_per_w, b_per_w)])

    return k(fm2flat, fm1flat, idx_g, xv_s, xv_f, w_eff)


def kernel(Xi, Xv, fm1, fm2, W1, b1, g1, be1, W2, b2, g2, be2, bias):
    B = Xv.shape[0]
    vocab = fm2.shape[1]
    b_per_w = B // NW
    FV = b_per_w * FIELDS

    idxs = Xi[:, :, 0] + (jnp.arange(FIELDS, dtype=jnp.int32) * vocab)[None]
    idx_g = idxs.reshape(NW, b_per_w, FIELDS).transpose(0, 2, 1).reshape(-1)
    xv_s = Xv.reshape(-1)
    xv_f = Xv.reshape(NW, b_per_w, FIELDS).transpose(0, 2, 1).reshape(-1)
    fm2flat = fm2.reshape(FIELDS * vocab, EMB)
    fm1flat = fm1.reshape(-1)

    c = 1.0 / jnp.sqrt(jnp.float32(1.0 + 1e-5))
    u = W2.T @ g2
    gu = g1 * u
    w_eff = (c * c) * (W1.T @ gu)
    const = ((c * c) * jnp.dot(b1, gu) + c * jnp.dot(be1, u)
             + c * jnp.dot(b2, g2) + jnp.sum(be2) + bias[0])

    out = _deepfm_sc(fm2flat, fm1flat, idx_g, xv_s, xv_f, w_eff, B=B)
    return out + const

# --- scband reference (transcript-rebuilt; emitter-appended) ---
"""Pipeline reference for scband-deep-fm-20822001451169 (READ-ONLY COPY).

The authoritative reference and input builder live on the scoring server;
editing this copy changes nothing except your own understanding.
"""

import jax, jax.numpy as jnp
import numpy as np

FIELDS = 26
VOCAB = 100000
EMB = 16
B = 4096
H1 = 32
H2 = 32
EPS = 1e-5


def setup_inputs(seed: int = 0) -> dict:
    key = jax.random.key(seed)
    ks = jax.random.split(key, 12)
    Xi = jax.random.randint(ks[0], (B, FIELDS, 1), 0, VOCAB, dtype=jnp.int32)
    Xv = jax.random.uniform(ks[1], (B, FIELDS), dtype=jnp.float32)
    fm1 = jax.random.normal(ks[2], (FIELDS, VOCAB, 1), dtype=jnp.float32) * 0.02
    fm2 = jax.random.normal(ks[3], (FIELDS, VOCAB, EMB), dtype=jnp.float32) * 0.02
    W1 = jax.random.normal(ks[4], (H1, FIELDS * EMB), dtype=jnp.float32) * 0.05
    b1 = jax.random.normal(ks[5], (H1,), dtype=jnp.float32) * 0.01
    g1 = jnp.ones((H1,), dtype=jnp.float32)
    be1 = jnp.zeros((H1,), dtype=jnp.float32)
    W2 = jax.random.normal(ks[6], (H2, H1), dtype=jnp.float32) * 0.05
    b2 = jax.random.normal(ks[7], (H2,), dtype=jnp.float32) * 0.01
    g2 = jnp.ones((H2,), dtype=jnp.float32)
    be2 = jnp.zeros((H2,), dtype=jnp.float32)
    bias = jax.random.normal(ks[8], (1,), dtype=jnp.float32)
    return dict(Xi=Xi, Xv=Xv, fm1=fm1, fm2=fm2, W1=W1, b1=b1, g1=g1, be1=be1,
                W2=W2, b2=b2, g2=g2, be2=be2, bias=bias)


def reference(Xi, Xv, fm1, fm2, W1, b1, g1, be1, W2, b2, g2, be2, bias):
    # Xi: (B, FIELDS, 1) int; Xv: (B, FIELDS) float
    idx = Xi[:, :, 0]  # (B, FIELDS)

    # FM first-order: per-field 1-dim embedding lookup scaled by feature value
    # emb(Xi[:, i, :]) -> (B, 1, 1); sum over dim 1 -> (B, 1); .t()*Xv[:,i] then .t() -> (B, 1)
    emb1 = jax.vmap(lambda tbl, ids, v: tbl[ids][:, 0] * v, in_axes=(0, 1, 1))(fm1, idx, Xv)  # (FIELDS, B)
    fm_first_order = emb1.T  # (B, FIELDS)  == torch.cat of (B,1) slices

    # FM second-order: per-field EMB-dim embedding lookup scaled by feature value
    emb2 = jax.vmap(lambda tbl, ids, v: tbl[ids] * v[:, None], in_axes=(0, 1, 1))(fm2, idx, Xv)  # (FIELDS, B, EMB)
    fm_sum = emb2.sum(axis=0)                      # (B, EMB)
    fm_sum_sq = fm_sum * fm_sum
    fm_sq_sum = (emb2 * emb2).sum(axis=0)
    fm_second_order = (fm_sum_sq - fm_sq_sum) * 0.5  # (B, EMB)

    # Deep part: concat per-field second-order embeddings -> (B, FIELDS*EMB)
    deep = jnp.transpose(emb2, (1, 0, 2)).reshape(B, FIELDS * EMB)
    # linear_1 + batchNorm_1 (eval mode: running_mean=0, running_var=1) + dropout (eval = identity)
    h = deep @ W1.T + b1
    h = (h - 0.0) / jnp.sqrt(1.0 + EPS) * g1 + be1
    # linear_2 + batchNorm_2 + dropout
    h = h @ W2.T + b2
    h = (h - 0.0) / jnp.sqrt(1.0 + EPS) * g2 + be2

    total_sum = fm_first_order.sum(axis=1) + fm_second_order.sum(axis=1) + h.sum(axis=1) + bias
    return total_sum

if __name__ == "__main__":
    import jax
    _d = setup_inputs()
    print(jax.jit(kernel)(*tuple(_d.values())))

</pallas_src>

<mosaic_0001>
#map = affine_map<(d0, d1) -> (0, 0)>
#map1 = affine_map<(d0, d1) -> (0)>
module attributes {stable_mosaic.version = 14 : i64} {
  func.func @k(%arg0: i32, %arg1: i32, %arg2: memref<2600000x16xf32, #tpu.memory_space<hbm>>, %arg3: memref<2600000xf32, #tpu.memory_space<hbm>>, %arg4: memref<106496xi32, #tpu.memory_space<hbm>>, %arg5: memref<106496xf32, #tpu.memory_space<hbm>>, %arg6: memref<106496xf32, #tpu.memory_space<hbm>>, %arg7: memref<416xf32, #tpu.memory_space<hbm>>, %arg8: memref<4096xf32, #tpu.memory_space<hbm>>, %arg9: memref<3328xi32, #tpu.memory_space<vmem>>, %arg10: memref<3344xf32, #tpu.memory_space<vmem>>, %arg11: memref<3328xf32, #tpu.memory_space<vmem>>, %arg12: memref<3328x16xf32, #tpu.memory_space<vmem>>, %arg13: memref<3328xf32, #tpu.memory_space<vmem>>, %arg14: memref<416xf32, #tpu.memory_space<vmem>>, %arg15: memref<128xf32, #tpu.memory_space<vmem>>, %arg16: memref<128xf32, #tpu.memory_space<vmem>>, %arg17: memref<!tpu.dma_semaphore, #tpu.memory_space<semaphore_mem>>) attributes {dimension_semantics = [#tpu.dimension_semantics<core_parallel>, #tpu.dimension_semantics<subcore_parallel>], iteration_bounds = array<i64: 2, 16>, scalar_prefetch = 0 : i64, scratch_operands = 9 : i64, tpu.core_type = #tpu.core_type<sc_vector_subcore>, window_params = [{transform_indices = #map}, {transform_indices = #map1}, {transform_indices = #map1}, {transform_indices = #map1}, {transform_indices = #map1}, {transform_indices = #map1}, {transform_indices = #map1}]} {
    %mul3A = arith.constant 2 : i32
    %mul3A_0 = arith.muli %arg1, %mul3A : i32
    %add3A = arith.addi %mul3A_0, %arg0 : i32
    %mul3A_1 = arith.constant 3328 : i32
    %mul3A_2 = arith.muli %add3A, %mul3A_1 : i32
    "tpu.region"() ({
      %run_scoped3A = tpu.sem_alloc : memref<!tpu.dma_semaphore, #tpu.memory_space<semaphore_mem>>
      %dma_start3A_748 = tpu.memref_slice %arg4[%mul3A_2] : memref<106496xi32, #tpu.memory_space<hbm>> -> memref<3328xi32, #tpu.memory_space<hbm>>
      %dma_start3A_749 = tpu.memref_slice %arg4[%mul3A_2] : memref<106496xi32, #tpu.memory_space<hbm>> -> memref<3328xi32, #tpu.memory_space<hbm>>
      tpu.enqueue_dma source(%dma_start3A_749 : memref<3328xi32, #tpu.memory_space<hbm>>) target(%arg9 : memref<3328xi32, #tpu.memory_space<vmem>>) target_semaphore(%run_scoped3A : memref<!tpu.dma_semaphore, #tpu.memory_space<semaphore_mem>>)
      %dma_wait3A_750 = tpu.memref_slice %arg4[%mul3A_2] : memref<106496xi32, #tpu.memory_space<hbm>> -> memref<3328xi32, #tpu.memory_space<hbm>>
      %dma_wait3A_751 = tpu.memref_slice %arg4[%mul3A_2] : memref<106496xi32, #tpu.memory_space<hbm>> -> memref<3328xi32, #tpu.memory_space<hbm>>
      tpu.wait_dma2 semaphore(%run_scoped3A : memref<!tpu.dma_semaphore, #tpu.memory_space<semaphore_mem>>) src(%dma_wait3A_751 : memref<3328xi32, #tpu.memory_space<hbm>>) dst(%arg9 : memref<3328xi32, #tpu.memory_space<vmem>>)
      tpu.yield
    }) : () -> ()
    %mul3A_3 = arith.constant 3328 : i32
    %mul3A_4 = arith.muli %add3A, %mul3A_3 : i32
    "tpu.region"() ({
      %run_scoped3A = tpu.sem_alloc : memref<!tpu.dma_semaphore, #tpu.memory_space<semaphore_mem>>
      %dma_start3A_748 = arith.constant 0 : i32
      %dma_start3A_749 = tpu.memref_slice %arg10[%dma_start3A_748] : memref<3344xf32, #tpu.memory_space<vmem>> -> memref<3328xf32, #tpu.memory_space<vmem>>
      %dma_start3A_750 = tpu.memref_slice %arg5[%mul3A_4] : memref<106496xf32, #tpu.memory_space<hbm>> -> memref<3328xf32, #tpu.memory_space<hbm>>
      %dma_start3A_751 = arith.constant 0 : i32
      %dma_start3A_752 = tpu.memref_slice %arg10[%dma_start3A_751] : memref<3344xf32, #tpu.memory_space<vmem>> -> memref<3328xf32, #tpu.memory_space<vmem>>
      %dma_start3A_753 = tpu.memref_slice %arg5[%mul3A_4] : memref<106496xf32, #tpu.memory_space<hbm>> -> memref<3328xf32, #tpu.memory_space<hbm>>
      tpu.enqueue_dma source(%dma_start3A_753 : memref<3328xf32, #tpu.memory_space<hbm>>) target(%dma_start3A_752 : memref<3328xf32, #tpu.memory_space<vmem>>) target_semaphore(%run_scoped3A : memref<!tpu.dma_semaphore, #tpu.memory_space<semaphore_mem>>)
      %dma_wait3A_754 = arith.constant 0 : i32
      %dma_wait3A_755 = tpu.memref_slice %arg10[%dma_wait3A_754] : memref<3344xf32, #tpu.memory_space<vmem>> -> memref<3328xf32, #tpu.memory_space<vmem>>
      %dma_wait3A_756 = tpu.memref_slice %arg5[%mul3A_4] : memref<106496xf32, #tpu.memory_space<hbm>> -> memref<3328xf32, #tpu.memory_space<hbm>>
      %dma_wait3A_757 = arith.constant 0 : i32
      %dma_wait3A_758 = tpu.memref_slice %arg10[%dma_wait3A_757] : memref<3344xf32, #tpu.memory_space<vmem>> -> memref<3328xf32, #tpu.memory_space<vmem>>
      %dma_wait3A_759 = tpu.memref_slice %arg5[%mul3A_4] : memref<106496xf32, #tpu.memory_space<hbm>> -> memref<3328xf32, #tpu.memory_space<hbm>>
      tpu.wait_dma2 semaphore(%run_scoped3A : memref<!tpu.dma_semaphore, #tpu.memory_space<semaphore_mem>>) src(%dma_wait3A_759 : memref<3328xf32, #tpu.memory_space<hbm>>) dst(%dma_wait3A_758 : memref<3328xf32, #tpu.memory_space<vmem>>)
      tpu.yield
    }) : () -> ()
    %mul3A_5 = arith.constant 3328 : i32
    %mul3A_6 = arith.muli %add3A, %mul3A_5 : i32
    "tpu.region"() ({
      %run_scoped3A = tpu.sem_alloc : memref<!tpu.dma_semaphore, #tpu.memory_space<semaphore_mem>>
      %dma_start3A_748 = tpu.memref_slice %arg6[%mul3A_6] : memref<106496xf32, #tpu.memory_space<hbm>> -> memref<3328xf32, #tpu.memory_space<hbm>>
      %dma_start3A_749 = tpu.memref_slice %arg6[%mul3A_6] : memref<106496xf32, #tpu.memory_space<hbm>> -> memref<3328xf32, #tpu.memory_space<hbm>>
      tpu.enqueue_dma source(%dma_start3A_749 : memref<3328xf32, #tpu.memory_space<hbm>>) target(%arg11 : memref<3328xf32, #tpu.memory_space<vmem>>) target_semaphore(%run_scoped3A : memref<!tpu.dma_semaphore, #tpu.memory_space<semaphore_mem>>)
      %dma_wait3A_750 = tpu.memref_slice %arg6[%mul3A_6] : memref<106496xf32, #tpu.memory_space<hbm>> -> memref<3328xf32, #tpu.memory_space<hbm>>
      %dma_wait3A_751 = tpu.memref_slice %arg6[%mul3A_6] : memref<106496xf32, #tpu.memory_space<hbm>> -> memref<3328xf32, #tpu.memory_space<hbm>>
      tpu.wait_dma2 semaphore(%run_scoped3A : memref<!tpu.dma_semaphore, #tpu.memory_space<semaphore_mem>>) src(%dma_wait3A_751 : memref<3328xf32, #tpu.memory_space<hbm>>) dst(%arg11 : memref<3328xf32, #tpu.memory_space<vmem>>)
      tpu.yield
    }) : () -> ()
    "tpu.region"() ({
      %run_scoped3A = tpu.sem_alloc : memref<!tpu.dma_semaphore, #tpu.memory_space<semaphore_mem>>
      tpu.enqueue_dma source(%arg7 : memref<416xf32, #tpu.memory_space<hbm>>) target(%arg14 : memref<416xf32, #tpu.memory_space<vmem>>) target_semaphore(%run_scoped3A : memref<!tpu.dma_semaphore, #tpu.memory_space<semaphore_mem>>)
      tpu.wait_dma2 semaphore(%run_scoped3A : memref<!tpu.dma_semaphore, #tpu.memory_space<semaphore_mem>>) src(%arg7 : memref<416xf32, #tpu.memory_space<hbm>>) dst(%arg14 : memref<416xf32, #tpu.memory_space<vmem>>)
      tpu.yield
    }) : () -> ()
    %dma_start3A = arith.constant 0 : i32
    %dma_start3A_7 = arith.constant 0 : i32
    %dma_start3A_8 = tpu.memref_slice %arg12[%dma_start3A, %dma_start3A_7] : memref<3328x16xf32, #tpu.memory_space<vmem>> -> memref<128x16xf32, #tpu.memory_space<vmem>>
    %dma_start3A_9 = arith.constant 0 : i32
    %dma_start3A_10 = tpu.memref_slice %arg9[%dma_start3A_9] : memref<3328xi32, #tpu.memory_space<vmem>> -> memref<128xi32, #tpu.memory_space<vmem>>
    %dma_start3A_11 = arith.constant 0 : i32
    %dma_start3A_12 = arith.constant 0 : i32
    %dma_start3A_13 = tpu.memref_slice %arg2[%dma_start3A_11, %dma_start3A_12] : memref<2600000x16xf32, #tpu.memory_space<hbm>> -> memref<2600000x16xf32, #tpu.memory_space<hbm>>
    tpu.enqueue_indirect_dma source(%dma_start3A_13 : memref<2600000x16xf32, #tpu.memory_space<hbm>>) target(%dma_start3A_8 : memref<128x16xf32, #tpu.memory_space<vmem>>) offsets(%dma_start3A_10 : memref<128xi32, #tpu.memory_space<vmem>>) semaphore(%arg17 : memref<!tpu.dma_semaphore, #tpu.memory_space<semaphore_mem>>)
    %dma_start3A_14 = arith.constant 0 : i32
    %dma_start3A_15 = tpu.memref_slice %arg13[%dma_start3A_14] : memref<3328xf32, #tpu.memory_space<vmem>> -> memref<128xf32, #tpu.memory_space<vmem>>
    %dma_start3A_16 = arith.constant 0 : i32
    %dma_start3A_17 = tpu.memref_slice %arg9[%dma_start3A_16] : memref<3328xi32, #tpu.memory_space<vmem>> -> memref<128xi32, #tpu.memory_space<vmem>>
    %dma_start3A_18 = arith.constant 0 : i32
    %dma_start3A_19 = tpu.memref_slice %arg3[%dma_start3A_18] : memref<2600000xf32, #tpu.memory_space<hbm>> -> memref<2600000xf32, #tpu.memory_space<hbm>>
    tpu.enqueue_indirect_dma source(%dma_start3A_19 : memref<2600000xf32, #tpu.memory_space<hbm>>) target(%dma_start3A_15 : memref<128xf32, #tpu.memory_space<vmem>>) offsets(%dma_start3A_17 : memref<128xi32, #tpu.memory_space<vmem>>) semaphore(%arg17 : memref<!tpu.dma_semaphore, #tpu.memory_space<semaphore_mem>>)
    %dma_start3A_20 = arith.constant 128 : i32
    %dma_start3A_21 = arith.constant 0 : i32
    %dma_start3A_22 = tpu.memref_slice %arg12[%dma_start3A_20, %dma_start3A_21] : memref<3328x16xf32, #tpu.memory_space<vmem>> -> memref<128x16xf32, #tpu.memory_space<vmem>>
    %dma_start3A_23 = arith.constant 128 : i32
    %dma_start3A_24 = tpu.memref_slice %arg9[%dma_start3A_23] : memref<3328xi32, #tpu.memory_space<vmem>> -> memref<128xi32, #tpu.memory_space<vmem>>
    %dma_start3A_25 = arith.constant 0 : i32
    %dma_start3A_26 = arith.constant 0 : i32
    %dma_start3A_27 = tpu.memref_slice %arg2[%dma_start3A_25, %dma_start3A_26] : memref<2600000x16xf32, #tpu.memory_space<hbm>> -> memref<2600000x16xf32, #tpu.memory_space<hbm>>
    tpu.enqueue_indirect_dma source(%dma_start3A_27 : memref<2600000x16xf32, #tpu.memory_space<hbm>>) target(%dma_start3A_22 : memref<128x16xf32, #tpu.memory_space<vmem>>) offsets(%dma_start3A_24 : memref<128xi32, #tpu.memory_space<vmem>>) semaphore(%arg17 : memref<!tpu.dma_semaphore, #tpu.memory_space<semaphore_mem>>)
    %dma_start3A_28 = arith.constant 128 : i32
    %dma_start3A_29 = tpu.memref_slice %arg13[%dma_start3A_28] : memref<3328xf32, #tpu.memory_space<vmem>> -> memref<128xf32, #tpu.memory_space<vmem>>
    %dma_start3A_30 = arith.constant 128 : i32
    %dma_start3A_31 = tpu.memref_slice %arg9[%dma_start3A_30] : memref<3328xi32, #tpu.memory_space<vmem>> -> memref<128xi32, #tpu.memory_space<vmem>>
    %dma_start3A_32 = arith.constant 0 : i32
    %dma_start3A_33 = tpu.memref_slice %arg3[%dma_start3A_32] : memref<2600000xf32, #tpu.memory_space<hbm>> -> memref<2600000xf32, #tpu.memory_space<hbm>>
    tpu.enqueue_indirect_dma source(%dma_start3A_33 : memref<2600000xf32, #tpu.memory_space<hbm>>) target(%dma_start3A_29 : memref<128xf32, #tpu.memory_space<vmem>>) offsets(%dma_start3A_31 : memref<128xi32, #tpu.memory_space<vmem>>) semaphore(%arg17 : memref<!tpu.dma_semaphore, #tpu.memory_space<semaphore_mem>>)
    %dma_start3A_34 = arith.constant 256 : i32
    %dma_start3A_35 = arith.constant 0 : i32
    %dma_start3A_36 = tpu.memref_slice %arg12[%dma_start3A_34, %dma_start3A_35] : memref<3328x16xf32, #tpu.memory_space<vmem>> -> memref<128x16xf32, #tpu.memory_space<vmem>>
    %dma_start3A_37 = arith.constant 256 : i32
    %dma_start3A_38 = tpu.memref_slice %arg9[%dma_start3A_37] : memref<3328xi32, #tpu.memory_space<vmem>> -> memref<128xi32, #tpu.memory_space<vmem>>
    %dma_start3A_39 = arith.constant 0 : i32
    %dma_start3A_40 = arith.constant 0 : i32
    %dma_start3A_41 = tpu.memref_slice %arg2[%dma_start3A_39, %dma_start3A_40] : memref<2600000x16xf32, #tpu.memory_space<hbm>> -> memref<2600000x16xf32, #tpu.memory_space<hbm>>
    tpu.enqueue_indirect_dma source(%dma_start3A_41 : memref<2600000x16xf32, #tpu.memory_space<hbm>>) target(%dma_start3A_36 : memref<128x16xf32, #tpu.memory_space<vmem>>) offsets(%dma_start3A_38 : memref<128xi32, #tpu.memory_space<vmem>>) semaphore(%arg17 : memref<!tpu.dma_semaphore, #tpu.memory_space<semaphore_mem>>)
    %dma_start3A_42 = arith.constant 256 : i32
    %dma_start3A_43 = tpu.memref_slice %arg13[%dma_start3A_42] : memref<3328xf32, #tpu.memory_space<vmem>> -> memref<128xf32, #tpu.memory_space<vmem>>
    %dma_start3A_44 = arith.constant 256 : i32
    %dma_start3A_45 = tpu.memref_slice %arg9[%dma_start3A_44] : memref<3328xi32, #tpu.memory_space<vmem>> -> memref<128xi32, #tpu.memory_space<vmem>>
    %dma_start3A_46 = arith.constant 0 : i32
    %dma_start3A_47 = tpu.memref_slice %arg3[%dma_start3A_46] : memref<2600000xf32, #tpu.memory_space<hbm>> -> memref<2600000xf32, #tpu.memory_space<hbm>>
    tpu.enqueue_indirect_dma source(%dma_start3A_47 : memref<2600000xf32, #tpu.memory_space<hbm>>) target(%dma_start3A_43 : memref<128xf32, #tpu.memory_space<vmem>>) offsets(%dma_start3A_45 : memref<128xi32, #tpu.memory_space<vmem>>) semaphore(%arg17 : memref<!tpu.dma_semaphore, #tpu.memory_space<semaphore_mem>>)
    %dma_start3A_48 = arith.constant 384 : i32
    %dma_start3A_49 = arith.constant 0 : i32
    %dma_start3A_50 = tpu.memref_slice %arg12[%dma_start3A_48, %dma_start3A_49] : memref<3328x16xf32, #tpu.memory_space<vmem>> -> memref<128x16xf32, #tpu.memory_space<vmem>>
    %dma_start3A_51 = arith.constant 384 : i32
    %dma_start3A_52 = tpu.memref_slice %arg9[%dma_start3A_51] : memref<3328xi32, #tpu.memory_space<vmem>> -> memref<128xi32, #tpu.memory_space<vmem>>
    %dma_start3A_53 = arith.constant 0 : i32
    %dma_start3A_54 = arith.constant 0 : i32
    %dma_start3A_55 = tpu.memref_slice %arg2[%dma_start3A_53, %dma_start3A_54] : memref<2600000x16xf32, #tpu.memory_space<hbm>> -> memref<2600000x16xf32, #tpu.memory_space<hbm>>
    tpu.enqueue_indirect_dma source(%dma_start3A_55 : memref<2600000x16xf32, #tpu.memory_space<hbm>>) target(%dma_start3A_50 : memref<128x16xf32, #tpu.memory_space<vmem>>) offsets(%dma_start3A_52 : memref<128xi32, #tpu.memory_space<vmem>>) semaphore(%arg17 : memref<!tpu.dma_semaphore, #tpu.memory_space<semaphore_mem>>)
    %dma_start3A_56 = arith.constant 384 : i32
    %dma_start3A_57 = tpu.memref_slice %arg13[%dma_start3A_56] : memref<3328xf32, #tpu.memory_space<vmem>> -> memref<128xf32, #tpu.memory_space<vmem>>
    %dma_start3A_58 = arith.constant 384 : i32
    %dma_start3A_59 = tpu.memref_slice %arg9[%dma_start3A_58] : memref<3328xi32, #tpu.memory_space<vmem>> -> memref<128xi32, #tpu.memory_space<vmem>>
    %dma_start3A_60 = arith.constant 0 : i32
    %dma_start3A_61 = tpu.memref_slice %arg3[%dma_start3A_60] : memref<2600000xf32, #tpu.memory_space<hbm>> -> memref<2600000xf32, #tpu.memory_space<hbm>>
    tpu.enqueue_indirect_dma source(%dma_start3A_61 : memref<2600000xf32, #tpu.memory_space<hbm>>) target(%dma_start3A_57 : memref<128xf32, #tpu.memory_space<vmem>>) offsets(%dma_start3A_59 : memref<128xi32, #tpu.memory_space<vmem>>) semaphore(%arg17 : memref<!tpu.dma_semaphore, #tpu.memory_space<semaphore_mem>>)
    %dma_start3A_62 = arith.constant 512 : i32
    %dma_start3A_63 = arith.constant 0 : i32
    %dma_start3A_64 = tpu.memref_slice %arg12[%dma_start3A_62, %dma_start3A_63] : memref<3328x16xf32, #tpu.memory_space<vmem>> -> memref<128x16xf32, #tpu.memory_space<vmem>>
    %dma_start3A_65 = arith.constant 512 : i32
    %dma_start3A_66 = tpu.memref_slice %arg9[%dma_start3A_65] : memref<3328xi32, #tpu.memory_space<vmem>> -> memref<128xi32, #tpu.memory_space<vmem>>
    %dma_start3A_67 = arith.constant 0 : i32
    %dma_start3A_68 = arith.constant 0 : i32
    %dma_start3A_69 = tpu.memref_slice %arg2[%dma_start3A_67, %dma_start3A_68] : memref<2600000x16xf32, #tpu.memory_space<hbm>> -> memref<2600000x16xf32, #tpu.memory_space<hbm>>
    tpu.enqueue_indirect_dma source(%dma_start3A_69 : memref<2600000x16xf32, #tpu.memory_space<hbm>>) target(%dma_start3A_64 : memref<128x16xf32, #tpu.memory_space<vmem>>) offsets(%dma_start3A_66 : memref<128xi32, #tpu.memory_space<vmem>>) semaphore(%arg17 : memref<!tpu.dma_semaphore, #tpu.memory_space<semaphore_mem>>)
    %dma_start3A_70 = arith.constant 512 : i32
    %dma_start3A_71 = tpu.memref_slice %arg13[%dma_start3A_70] : memref<3328xf32, #tpu.memory_space<vmem>> -> memref<128xf32, #tpu.memory_space<vmem>>
    %dma_start3A_72 = arith.constant 512 : i32
    %dma_start3A_73 = tpu.memref_slice %arg9[%dma_start3A_72] : memref<3328xi32, #tpu.memory_space<vmem>> -> memref<128xi32, #tpu.memory_space<vmem>>
    %dma_start3A_74 = arith.constant 0 : i32
    %dma_start3A_75 = tpu.memref_slice %arg3[%dma_start3A_74] : memref<2600000xf32, #tpu.memory_space<hbm>> -> memref<2600000xf32, #tpu.memory_space<hbm>>
    tpu.enqueue_indirect_dma source(%dma_start3A_75 : memref<2600000xf32, #tpu.memory_space<hbm>>) target(%dma_start3A_71 : memref<128xf32, #tpu.memory_space<vmem>>) offsets(%dma_start3A_73 : memref<128xi32, #tpu.memory_space<vmem>>) semaphore(%arg17 : memref<!tpu.dma_semaphore, #tpu.memory_space<semaphore_mem>>)
    %dma_start3A_76 = arith.constant 640 : i32
    %dma_start3A_77 = arith.constant 0 : i32
    %dma_start3A_78 = tpu.memref_slice %arg12[%dma_start3A_76, %dma_start3A_77] : memref<3328x16xf32, #tpu.memory_space<vmem>> -> memref<128x16xf32, #tpu.memory_space<vmem>>
    %dma_start3A_79 = arith.constant 640 : i32
    %dma_start3A_80 = tpu.memref_slice %arg9[%dma_start3A_79] : memref<3328xi32, #tpu.memory_space<vmem>> -> memref<128xi32, #tpu.memory_space<vmem>>
    %dma_start3A_81 = arith.constant 0 : i32
    %dma_start3A_82 = arith.constant 0 : i32
    %dma_start3A_83 = tpu.memref_slice %arg2[%dma_start3A_81, %dma_start3A_82] : memref<2600000x16xf32, #tpu.memory_space<hbm>> -> memref<2600000x16xf32, #tpu.memory_space<hbm>>
    tpu.enqueue_indirect_dma source(%dma_start3A_83 : memref<2600000x16xf32, #tpu.memory_space<hbm>>) target(%dma_start3A_78 : memref<128x16xf32, #tpu.memory_space<vmem>>) offsets(%dma_start3A_80 : memref<128xi32, #tpu.memory_space<vmem>>) semaphore(%arg17 : memref<!tpu.dma_semaphore, #tpu.memory_space<semaphore_mem>>)
    %dma_start3A_84 = arith.constant 640 : i32
    %dma_start3A_85 = tpu.memref_slice %arg13[%dma_start3A_84] : memref<3328xf32, #tpu.memory_space<vmem>> -> memref<128xf32, #tpu.memory_space<vmem>>
    %dma_start3A_86 = arith.constant 640 : i32
    %dma_start3A_87 = tpu.memref_slice %arg9[%dma_start3A_86] : memref<3328xi32, #tpu.memory_space<vmem>> -> memref<128xi32, #tpu.memory_space<vmem>>
    %dma_start3A_88 = arith.constant 0 : i32
    %dma_start3A_89 = tpu.memref_slice %arg3[%dma_start3A_88] : memref<2600000xf32, #tpu.memory_space<hbm>> -> memref<2600000xf32, #tpu.memory_space<hbm>>
    tpu.enqueue_indirect_dma source(%dma_start3A_89 : memref<2600000xf32, #tpu.memory_space<hbm>>) target(%dma_start3A_85 : memref<128xf32, #tpu.memory_space<vmem>>) offsets(%dma_start3A_87 : memref<128xi32, #tpu.memory_space<vmem>>) semaphore(%arg17 : memref<!tpu.dma_semaphore, #tpu.memory_space<semaphore_mem>>)
    %dma_start3A_90 = arith.constant 768 : i32
    %dma_start3A_91 = arith.constant 0 : i32
    %dma_start3A_92 = tpu.memref_slice %arg12[%dma_start3A_90, %dma_start3A_91] : memref<3328x16xf32, #tpu.memory_space<vmem>> -> memref<128x16xf32, #tpu.memory_space<vmem>>
    %dma_start3A_93 = arith.constant 768 : i32
    %dma_start3A_94 = tpu.memref_slice %arg9[%dma_start3A_93] : memref<3328xi32, #tpu.memory_space<vmem>> -> memref<128xi32, #tpu.memory_space<vmem>>
    %dma_start3A_95 = arith.constant 0 : i32
    %dma_start3A_96 = arith.constant 0 : i32
    %dma_start3A_97 = tpu.memref_slice %arg2[%dma_start3A_95, %dma_start3A_96] : memref<2600000x16xf32, #tpu.memory_space<hbm>> -> memref<2600000x16xf32, #tpu.memory_space<hbm>>
    tpu.enqueue_indirect_dma source(%dma_start3A_97 : memref<2600000x16xf32, #tpu.memory_space<hbm>>) target(%dma_start3A_92 : memref<128x16xf32, #tpu.memory_space<vmem>>) offsets(%dma_start3A_94 : memref<128xi32, #tpu.memory_space<vmem>>) semaphore(%arg17 : memref<!tpu.dma_semaphore, #tpu.memory_space<semaphore_mem>>)
    %dma_start3A_98 = arith.constant 768 : i32
    %dma_start3A_99 = tpu.memref_slice %arg13[%dma_start3A_98] : memref<3328xf32, #tpu.memory_space<vmem>> -> memref<128xf32, #tpu.memory_space<vmem>>
    %dma_start3A_100 = arith.constant 768 : i32
    %dma_start3A_101 = tpu.memref_slice %arg9[%dma_start3A_100] : memref<3328xi32, #tpu.memory_space<vmem>> -> memref<128xi32, #tpu.memory_space<vmem>>
    %dma_start3A_102 = arith.constant 0 : i32
    %dma_start3A_103 = tpu.memref_slice %arg3[%dma_start3A_102] : memref<2600000xf32, #tpu.memory_space<hbm>> -> memref<2600000xf32, #tpu.memory_space<hbm>>
    tpu.enqueue_indirect_dma source(%dma_start3A_103 : memref<2600000xf32, #tpu.memory_space<hbm>>) target(%dma_start3A_99 : memref<128xf32, #tpu.memory_space<vmem>>) offsets(%dma_start3A_101 : memref<128xi32, #tpu.memory_space<vmem>>) semaphore(%arg17 : memref<!tpu.dma_semaphore, #tpu.memory_space<semaphore_mem>>)
    %dma_start3A_104 = arith.constant 896 : i32
    %dma_start3A_105 = arith.constant 0 : i32
    %dma_start3A_106 = tpu.memref_slice %arg12[%dma_start3A_104, %dma_start3A_105] : memref<3328x16xf32, #tpu.memory_space<vmem>> -> memref<128x16xf32, #tpu.memory_space<vmem>>
    %dma_start3A_107 = arith.constant 896 : i32
    %dma_start3A_108 = tpu.memref_slice %arg9[%dma_start3A_107] : memref<3328xi32, #tpu.memory_space<vmem>> -> memref<128xi32, #tpu.memory_space<vmem>>
    %dma_start3A_109 = arith.constant 0 : i32
    %dma_start3A_110 = arith.constant 0 : i32
    %dma_start3A_111 = tpu.memref_slice %arg2[%dma_start3A_109, %dma_start3A_110] : memref<2600000x16xf32, #tpu.memory_space<hbm>> -> memref<2600000x16xf32, #tpu.memory_space<hbm>>
    tpu.enqueue_indirect_dma source(%dma_start3A_111 : memref<2600000x16xf32, #tpu.memory_space<hbm>>) target(%dma_start3A_106 : memref<128x16xf32, #tpu.memory_space<vmem>>) offsets(%dma_start3A_108 : memref<128xi32, #tpu.memory_space<vmem>>) semaphore(%arg17 : memref<!tpu.dma_semaphore, #tpu.memory_space<semaphore_mem>>)
    %dma_start3A_112 = arith.constant 896 : i32
    %dma_start3A_113 = tpu.memref_slice %arg13[%dma_start3A_112] : memref<3328xf32, #tpu.memory_space<vmem>> -> memref<128xf32, #tpu.memory_space<vmem>>
    %dma_start3A_114 = arith.constant 896 : i32
    %dma_start3A_115 = tpu.memref_slice %arg9[%dma_start3A_114] : memref<3328xi32, #tpu.memory_space<vmem>> -> memref<128xi32, #tpu.memory_space<vmem>>
    %dma_start3A_116 = arith.constant 0 : i32
    %dma_start3A_117 = tpu.memref_slice %arg3[%dma_start3A_116] : memref<2600000xf32, #tpu.memory_space<hbm>> -> memref<2600000xf32, #tpu.memory_space<hbm>>
    tpu.enqueue_indirect_dma source(%dma_start3A_117 : memref<2600000xf32, #tpu.memory_space<hbm>>) target(%dma_start3A_113 : memref<128xf32, #tpu.memory_space<vmem>>) offsets(%dma_start3A_115 : memref<128xi32, #tpu.memory_space<vmem>>) semaphore(%arg17 : memref<!tpu.dma_semaphore, #tpu.memory_space<semaphore_mem>>)
    %dma_start3A_118 = arith.constant 1024 : i32
    %dma_start3A_119 = arith.constant 0 : i32
    %dma_start3A_120 = tpu.memref_slice %arg12[%dma_start3A_118, %dma_start3A_119] : memref<3328x16xf32, #tpu.memory_space<vmem>> -> memref<128x16xf32, #tpu.memory_space<vmem>>
    %dma_start3A_121 = arith.constant 1024 : i32
    %dma_start3A_122 = tpu.memref_slice %arg9[%dma_start3A_121] : memref<3328xi32, #tpu.memory_space<vmem>> -> memref<128xi32, #tpu.memory_space<vmem>>
    %dma_start3A_123 = arith.constant 0 : i32
    %dma_start3A_124 = arith.constant 0 : i32
    %dma_start3A_125 = tpu.memref_slice %arg2[%dma_start3A_123, %dma_start3A_124] : memref<2600000x16xf32, #tpu.memory_space<hbm>> -> memref<2600000x16xf32, #tpu.memory_space<hbm>>
    tpu.enqueue_indirect_dma source(%dma_start3A_125 : memref<2600000x16xf32, #tpu.memory_space<hbm>>) target(%dma_start3A_120 : memref<128x16xf32, #tpu.memory_space<vmem>>) offsets(%dma_start3A_122 : memref<128xi32, #tpu.memory_space<vmem>>) semaphore(%arg17 : memref<!tpu.dma_semaphore, #tpu.memory_space<semaphore_mem>>)
    %dma_start3A_126 = arith.constant 1024 : i32
    %dma_start3A_127 = tpu.memref_slice %arg13[%dma_start3A_126] : memref<3328xf32, #tpu.memory_space<vmem>> -> memref<128xf32, #tpu.memory_space<vmem>>
    %dma_start3A_128 = arith.constant 1024 : i32
    %dma_start3A_129 = tpu.memref_slice %arg9[%dma_start3A_128] : memref<3328xi32, #tpu.memory_space<vmem>> -> memref<128xi32, #tpu.memory_space<vmem>>
    %dma_start3A_130 = arith.constant 0 : i32
    %dma_start3A_131 = tpu.memref_slice %arg3[%dma_start3A_130] : memref<2600000xf32, #tpu.memory_space<hbm>> -> memref<2600000xf32, #tpu.memory_space<hbm>>
    tpu.enqueue_indirect_dma source(%dma_start3A_131 : memref<2600000xf32, #tpu.memory_space<hbm>>) target(%dma_start3A_127 : memref<128xf32, #tpu.memory_space<vmem>>) offsets(%dma_start3A_129 : memref<128xi32, #tpu.memory_space<vmem>>) semaphore(%arg17 : memref<!tpu.dma_semaphore, #tpu.memory_space<semaphore_mem>>)
    %dma_start3A_132 = arith.constant 1152 : i32
    %dma_start3A_133 = arith.constant 0 : i32
    %dma_start3A_134 = tpu.memref_slice %arg12[%dma_start3A_132, %dma_start3A_133] : memref<3328x16xf32, #tpu.memory_space<vmem>> -> memref<128x16xf32, #tpu.memory_space<vmem>>
    %dma_start3A_135 = arith.constant 1152 : i32
    %dma_start3A_136 = tpu.memref_slice %arg9[%dma_start3A_135] : memref<3328xi32, #tpu.memory_space<vmem>> -> memref<128xi32, #tpu.memory_space<vmem>>
    %dma_start3A_137 = arith.constant 0 : i32
    %dma_start3A_138 = arith.constant 0 : i32
    %dma_start3A_139 = tpu.memref_slice %arg2[%dma_start3A_137, %dma_start3A_138] : memref<2600000x16xf32, #tpu.memory_space<hbm>> -> memref<2600000x16xf32, #tpu.memory_space<hbm>>
    tpu.enqueue_indirect_dma source(%dma_start3A_139 : memref<2600000x16xf32, #tpu.memory_space<hbm>>) target(%dma_start3A_134 : memref<128x16xf32, #tpu.memory_space<vmem>>) offsets(%dma_start3A_136 : memref<128xi32, #tpu.memory_space<vmem>>) semaphore(%arg17 : memref<!tpu.dma_semaphore, #tpu.memory_space<semaphore_mem>>)
    %dma_start3A_140 = arith.constant 1152 : i32
    %dma_start3A_141 = tpu.memref_slice %arg13[%dma_start3A_140] : memref<3328xf32, #tpu.memory_space<vmem>> -> memref<128xf32, #tpu.memory_space<vmem>>
    %dma_start3A_142 = arith.constant 1152 : i32
    %dma_start3A_143 = tpu.memref_slice %arg9[%dma_start3A_142] : memref<3328xi32, #tpu.memory_space<vmem>> -> memref<128xi32, #tpu.memory_space<vmem>>
    %dma_start3A_144 = arith.constant 0 : i32
    %dma_start3A_145 = tpu.memref_slice %arg3[%dma_start3A_144] : memref<2600000xf32, #tpu.memory_space<hbm>> -> memref<2600000xf32, #tpu.memory_space<hbm>>
    tpu.enqueue_indirect_dma source(%dma_start3A_145 : memref<2600000xf32, #tpu.memory_space<hbm>>) target(%dma_start3A_141 : memref<128xf32, #tpu.memory_space<vmem>>) offsets(%dma_start3A_143 : memref<128xi32, #tpu.memory_space<vmem>>) semaphore(%arg17 : memref<!tpu.dma_semaphore, #tpu.memory_space<semaphore_mem>>)
    %dma_start3A_146 = arith.constant 1280 : i32
    %dma_start3A_147 = arith.constant 0 : i32
    %dma_start3A_148 = tpu.memref_slice %arg12[%dma_start3A_146, %dma_start3A_147] : memref<3328x16xf32, #tpu.memory_space<vmem>> -> memref<128x16xf32, #tpu.memory_space<vmem>>
    %dma_start3A_149 = arith.constant 1280 : i32
    %dma_start3A_150 = tpu.memref_slice %arg9[%dma_start3A_149] : memref<3328xi32, #tpu.memory_space<vmem>> -> memref<128xi32, #tpu.memory_space<vmem>>
    %dma_start3A_151 = arith.constant 0 : i32
    %dma_start3A_152 = arith.constant 0 : i32
    %dma_start3A_153 = tpu.memref_slice %arg2[%dma_start3A_151, %dma_start3A_152] : memref<2600000x16xf32, #tpu.memory_space<hbm>> -> memref<2600000x16xf32, #tpu.memory_space<hbm>>
    tpu.enqueue_indirect_dma source(%dma_start3A_153 : memref<2600000x16xf32, #tpu.memory_space<hbm>>) target(%dma_start3A_148 : memref<128x16xf32, #tpu.memory_space<vmem>>) offsets(%dma_start3A_150 : memref<128xi32, #tpu.memory_space<vmem>>) semaphore(%arg17 : memref<!tpu.dma_semaphore, #tpu.memory_space<semaphore_mem>>)
    %dma_start3A_154 = arith.constant 1280 : i32
    %dma_start3A_155 = tpu.memref_slice %arg13[%dma_start3A_154] : memref<3328xf32, #tpu.memory_space<vmem>> -> memref<128xf32, #tpu.memory_space<vmem>>
    %dma_start3A_156 = arith.constant 1280 : i32
    %dma_start3A_157 = tpu.memref_slice %arg9[%dma_start3A_156] : memref<3328xi32, #tpu.memory_space<vmem>> -> memref<128xi32, #tpu.memory_space<vmem>>
    %dma_start3A_158 = arith.constant 0 : i32
    %dma_start3A_159 = tpu.memref_slice %arg3[%dma_start3A_158] : memref<2600000xf32, #tpu.memory_space<hbm>> -> memref<2600000xf32, #tpu.memory_space<hbm>>
    tpu.enqueue_indirect_dma source(%dma_start3A_159 : memref<2600000xf32, #tpu.memory_space<hbm>>) target(%dma_start3A_155 : memref<128xf32, #tpu.memory_space<vmem>>) offsets(%dma_start3A_157 : memref<128xi32, #tpu.memory_space<vmem>>) semaphore(%arg17 : memref<!tpu.dma_semaphore, #tpu.memory_space<semaphore_mem>>)
    %dma_start3A_160 = arith.constant 1408 : i32
    %dma_start3A_161 = arith.constant 0 : i32
    %dma_start3A_162 = tpu.memref_slice %arg12[%dma_start3A_160, %dma_start3A_161] : memref<3328x16xf32, #tpu.memory_space<vmem>> -> memref<128x16xf32, #tpu.memory_space<vmem>>
    %dma_start3A_163 = arith.constant 1408 : i32
    %dma_start3A_164 = tpu.memref_slice %arg9[%dma_start3A_163] : memref<3328xi32, #tpu.memory_space<vmem>> -> memref<128xi32, #tpu.memory_space<vmem>>
    %dma_start3A_165 = arith.constant 0 : i32
    %dma_start3A_166 = arith.constant 0 : i32
    %dma_start3A_167 = tpu.memref_slice %arg2[%dma_start3A_165, %dma_start3A_166] : memref<2600000x16xf32, #tpu.memory_space<hbm>> -> memref<2600000x16xf32, #tpu.memory_space<hbm>>
    tpu.enqueue_indirect_dma source(%dma_start3A_167 : memref<2600000x16xf32, #tpu.memory_space<hbm>>) target(%dma_start3A_162 : memref<128x16xf32, #tpu.memory_space<vmem>>) offsets(%dma_start3A_164 : memref<128xi32, #tpu.memory_space<vmem>>) semaphore(%arg17 : memref<!tpu.dma_semaphore, #tpu.memory_space<semaphore_mem>>)
    %dma_start3A_168 = arith.constant 1408 : i32
    %dma_start3A_169 = tpu.memref_slice %arg13[%dma_start3A_168] : memref<3328xf32, #tpu.memory_space<vmem>> -> memref<128xf32, #tpu.memory_space<vmem>>
    %dma_start3A_170 = arith.constant 1408 : i32
    %dma_start3A_171 = tpu.memref_slice %arg9[%dma_start3A_170] : memref<3328xi32, #tpu.memory_space<vmem>> -> memref<128xi32, #tpu.memory_space<vmem>>
    %dma_start3A_172 = arith.constant 0 : i32
    %dma_start3A_173 = tpu.memref_slice %arg3[%dma_start3A_172] : memref<2600000xf32, #tpu.memory_space<hbm>> -> memref<2600000xf32, #tpu.memory_space<hbm>>
    tpu.enqueue_indirect_dma source(%dma_start3A_173 : memref<2600000xf32, #tpu.memory_space<hbm>>) target(%dma_start3A_169 : memref<128xf32, #tpu.memory_space<vmem>>) offsets(%dma_start3A_171 : memref<128xi32, #tpu.memory_space<vmem>>) semaphore(%arg17 : memref<!tpu.dma_semaphore, #tpu.memory_space<semaphore_mem>>)
    %dma_start3A_174 = arith.constant 1536 : i32
    %dma_start3A_175 = arith.constant 0 : i32
    %dma_start3A_176 = tpu.memref_slice %arg12[%dma_start3A_174, %dma_start3A_175] : memref<3328x16xf32, #tpu.memory_space<vmem>> -> memref<128x16xf32, #tpu.memory_space<vmem>>
    %dma_start3A_177 = arith.constant 1536 : i32
    %dma_start3A_178 = tpu.memref_slice %arg9[%dma_start3A_177] : memref<3328xi32, #tpu.memory_space<vmem>> -> memref<128xi32, #tpu.memory_space<vmem>>
    %dma_start3A_179 = arith.constant 0 : i32
    %dma_start3A_180 = arith.constant 0 : i32
    %dma_start3A_181 = tpu.memref_slice %arg2[%dma_start3A_179, %dma_start3A_180] : memref<2600000x16xf32, #tpu.memory_space<hbm>> -> memref<2600000x16xf32, #tpu.memory_space<hbm>>
    tpu.enqueue_indirect_dma source(%dma_start3A_181 : memref<2600000x16xf32, #tpu.memory_space<hbm>>) target(%dma_start3A_176 : memref<128x16xf32, #tpu.memory_space<vmem>>) offsets(%dma_start3A_178 : memref<128xi32, #tpu.memory_space<vmem>>) semaphore(%arg17 : memref<!tpu.dma_semaphore, #tpu.memory_space<semaphore_mem>>)
    %dma_start3A_182 = arith.constant 1536 : i32
    %dma_start3A_183 = tpu.memref_slice %arg13[%dma_start3A_182] : memref<3328xf32, #tpu.memory_space<vmem>> -> memref<128xf32, #tpu.memory_space<vmem>>
    %dma_start3A_184 = arith.constant 1536 : i32
    %dma_start3A_185 = tpu.memref_slice %arg9[%dma_start3A_184] : memref<3328xi32, #tpu.memory_space<vmem>> -> memref<128xi32, #tpu.memory_space<vmem>>
    %dma_start3A_186 = arith.constant 0 : i32
    %dma_start3A_187 = tpu.memref_slice %arg3[%dma_start3A_186] : memref<2600000xf32, #tpu.memory_space<hbm>> -> memref<2600000xf32, #tpu.memory_space<hbm>>
    tpu.enqueue_indirect_dma source(%dma_start3A_187 : memref<2600000xf32, #tpu.memory_space<hbm>>) target(%dma_start3A_183 : memref<128xf32, #tpu.memory_space<vmem>>) offsets(%dma_start3A_185 : memref<128xi32, #tpu.memory_space<vmem>>) semaphore(%arg17 : memref<!tpu.dma_semaphore, #tpu.memory_space<semaphore_mem>>)
    %dma_start3A_188 = arith.constant 1664 : i32
    %dma_start3A_189 = arith.constant 0 : i32
    %dma_start3A_190 = tpu.memref_slice %arg12[%dma_start3A_188, %dma_start3A_189] : memref<3328x16xf32, #tpu.memory_space<vmem>> -> memref<128x16xf32, #tpu.memory_space<vmem>>
    %dma_start3A_191 = arith.constant 1664 : i32
    %dma_start3A_192 = tpu.memref_slice %arg9[%dma_start3A_191] : memref<3328xi32, #tpu.memory_space<vmem>> -> memref<128xi32, #tpu.memory_space<vmem>>
    %dma_start3A_193 = arith.constant 0 : i32
    %dma_start3A_194 = arith.constant 0 : i32
    %dma_start3A_195 = tpu.memref_slice %arg2[%dma_start3A_193, %dma_start3A_194] : memref<2600000x16xf32, #tpu.memory_space<hbm>> -> memref<2600000x16xf32, #tpu.memory_space<hbm>>
    tpu.enqueue_indirect_dma source(%dma_start3A_195 : memref<2600000x16xf32, #tpu.memory_space<hbm>>) target(%dma_start3A_190 : memref<128x16xf32, #tpu.memory_space<vmem>>) offsets(%dma_start3A_192 : memref<128xi32, #tpu.memory_space<vmem>>) semaphore(%arg17 : memref<!tpu.dma_semaphore, #tpu.memory_space<semaphore_mem>>)
    %dma_start3A_196 = arith.constant 1664 : i32
    %dma_start3A_197 = tpu.memref_slice %arg13[%dma_start3A_196] : memref<3328xf32, #tpu.memory_space<vmem>> -> memref<128xf32, #tpu.memory_space<vmem>>
    %dma_start3A_198 = arith.constant 1664 : i32
    %dma_start3A_199 = tpu.memref_slice %arg9[%dma_start3A_198] : memref<3328xi32, #tpu.memory_space<vmem>> -> memref<128xi32, #tpu.memory_space<vmem>>
    %dma_start3A_200 = arith.constant 0 : i32
    %dma_start3A_201 = tpu.memref_slice %arg3[%dma_start3A_200] : memref<2600000xf32, #tpu.memory_space<hbm>> -> memref<2600000xf32, #tpu.memory_space<hbm>>
    tpu.enqueue_indirect_dma source(%dma_start3A_201 : memref<2600000xf32, #tpu.memory_space<hbm>>) target(%dma_start3A_197 : memref<128xf32, #tpu.memory_space<vmem>>) offsets(%dma_start3A_199 : memref<128xi32, #tpu.memory_space<vmem>>) semaphore(%arg17 : memref<!tpu.dma_semaphore, #tpu.memory_space<semaphore_mem>>)
    %dma_start3A_202 = arith.constant 1792 : i32
    %dma_start3A_203 = arith.constant 0 : i32
    %dma_start3A_204 = tpu.memref_slice %arg12[%dma_start3A_202, %dma_start3A_203] : memref<3328x16xf32, #tpu.memory_space<vmem>> -> memref<128x16xf32, #tpu.memory_space<vmem>>
    %dma_start3A_205 = arith.constant 1792 : i32
    %dma_start3A_206 = tpu.memref_slice %arg9[%dma_start3A_205] : memref<3328xi32, #tpu.memory_space<vmem>> -> memref<128xi32, #tpu.memory_space<vmem>>
    %dma_start3A_207 = arith.constant 0 : i32
    %dma_start3A_208 = arith.constant 0 : i32
    %dma_start3A_209 = tpu.memref_slice %arg2[%dma_start3A_207, %dma_start3A_208] : memref<2600000x16xf32, #tpu.memory_space<hbm>> -> memref<2600000x16xf32, #tpu.memory_space<hbm>>
    tpu.enqueue_indirect_dma source(%dma_start3A_209 : memref<2600000x16xf32, #tpu.memory_space<hbm>>) target(%dma_start3A_204 : memref<128x16xf32, #tpu.memory_space<vmem>>) offsets(%dma_start3A_206 : memref<128xi32, #tpu.memory_space<vmem>>) semaphore(%arg17 : memref<!tpu.dma_semaphore, #tpu.memory_space<semaphore_mem>>)
    %dma_start3A_210 = arith.constant 1792 : i32
    %dma_start3A_211 = tpu.memref_slice %arg13[%dma_start3A_210] : memref<3328xf32, #tpu.memory_space<vmem>> -> memref<128xf32, #tpu.memory_space<vmem>>
    %dma_start3A_212 = arith.constant 1792 : i32
    %dma_start3A_213 = tpu.memref_slice %arg9[%dma_start3A_212] : memref<3328xi32, #tpu.memory_space<vmem>> -> memref<128xi32, #tpu.memory_space<vmem>>
    %dma_start3A_214 = arith.constant 0 : i32
    %dma_start3A_215 = tpu.memref_slice %arg3[%dma_start3A_214] : memref<2600000xf32, #tpu.memory_space<hbm>> -> memref<2600000xf32, #tpu.memory_space<hbm>>
    tpu.enqueue_indirect_dma source(%dma_start3A_215 : memref<2600000xf32, #tpu.memory_space<hbm>>) target(%dma_start3A_211 : memref<128xf32, #tpu.memory_space<vmem>>) offsets(%dma_start3A_213 : memref<128xi32, #tpu.memory_space<vmem>>) semaphore(%arg17 : memref<!tpu.dma_semaphore, #tpu.memory_space<semaphore_mem>>)
    %dma_start3A_216 = arith.constant 1920 : i32
    %dma_start3A_217 = arith.constant 0 : i32
    %dma_start3A_218 = tpu.memref_slice %arg12[%dma_start3A_216, %dma_start3A_217] : memref<3328x16xf32, #tpu.memory_space<vmem>> -> memref<128x16xf32, #tpu.memory_space<vmem>>
    %dma_start3A_219 = arith.constant 1920 : i32
    %dma_start3A_220 = tpu.memref_slice %arg9[%dma_start3A_219] : memref<3328xi32, #tpu.memory_space<vmem>> -> memref<128xi32, #tpu.memory_space<vmem>>
    %dma_start3A_221 = arith.constant 0 : i32
    %dma_start3A_222 = arith.constant 0 : i32
    %dma_start3A_223 = tpu.memref_slice %arg2[%dma_start3A_221, %dma_start3A_222] : memref<2600000x16xf32, #tpu.memory_space<hbm>> -> memref<2600000x16xf32, #tpu.memory_space<hbm>>
    tpu.enqueue_indirect_dma source(%dma_start3A_223 : memref<2600000x16xf32, #tpu.memory_space<hbm>>) target(%dma_start3A_218 : memref<128x16xf32, #tpu.memory_space<vmem>>) offsets(%dma_start3A_220 : memref<128xi32, #tpu.memory_space<vmem>>) semaphore(%arg17 : memref<!tpu.dma_semaphore, #tpu.memory_space<semaphore_mem>>)
    %dma_start3A_224 = arith.constant 1920 : i32
    %dma_start3A_225 = tpu.memref_slice %arg13[%dma_start3A_224] : memref<3328xf32, #tpu.memory_space<vmem>> -> memref<128xf32, #tpu.memory_space<vmem>>
    %dma_start3A_226 = arith.constant 1920 : i32
    %dma_start3A_227 = tpu.memref_slice %arg9[%dma_start3A_226] : memref<3328xi32, #tpu.memory_space<vmem>> -> memref<128xi32, #tpu.memory_space<vmem>>
    %dma_start3A_228 = arith.constant 0 : i32
    %dma_start3A_229 = tpu.memref_slice %arg3[%dma_start3A_228] : memref<2600000xf32, #tpu.memory_space<hbm>> -> memref<2600000xf32, #tpu.memory_space<hbm>>
    tpu.enqueue_indirect_dma source(%dma_start3A_229 : memref<2600000xf32, #tpu.memory_space<hbm>>) target(%dma_start3A_225 : memref<128xf32, #tpu.memory_space<vmem>>) offsets(%dma_start3A_227 : memref<128xi32, #tpu.memory_space<vmem>>) semaphore(%arg17 : memref<!tpu.dma_semaphore, #tpu.memory_space<semaphore_mem>>)
    %dma_start3A_230 = arith.constant 2048 : i32
    %dma_start3A_231 = arith.constant 0 : i32
    %dma_start3A_232 = tpu.memref_slice %arg12[%dma_start3A_230, %dma_start3A_231] : memref<3328x16xf32, #tpu.memory_space<vmem>> -> memref<128x16xf32, #tpu.memory_space<vmem>>
    %dma_start3A_233 = arith.constant 2048 : i32
    %dma_start3A_234 = tpu.memref_slice %arg9[%dma_start3A_233] : memref<3328xi32, #tpu.memory_space<vmem>> -> memref<128xi32, #tpu.memory_space<vmem>>
    %dma_start3A_235 = arith.constant 0 : i32
    %dma_start3A_236 = arith.constant 0 : i32
    %dma_start3A_237 = tpu.memref_slice %arg2[%dma_start3A_235, %dma_start3A_236] : memref<2600000x16xf32, #tpu.memory_space<hbm>> -> memref<2600000x16xf32, #tpu.memory_space<hbm>>
    tpu.enqueue_indirect_dma source(%dma_start3A_237 : memref<2600000x16xf32, #tpu.memory_space<hbm>>) target(%dma_start3A_232 : memref<128x16xf32, #tpu.memory_space<vmem>>) offsets(%dma_start3A_234 : memref<128xi32, #tpu.memory_space<vmem>>) semaphore(%arg17 : memref<!tpu.dma_semaphore, #tpu.memory_space<semaphore_mem>>)
    %dma_start3A_238 = arith.constant 2048 : i32
    %dma_start3A_239 = tpu.memref_slice %arg13[%dma_start3A_238] : memref<3328xf32, #tpu.memory_space<vmem>> -> memref<128xf32, #tpu.memory_space<vmem>>
    %dma_start3A_240 = arith.constant 2048 : i32
    %dma_start3A_241 = tpu.memref_slice %arg9[%dma_start3A_240] : memref<3328xi32, #tpu.memory_space<vmem>> -> memref<128xi32, #tpu.memory_space<vmem>>
    %dma_start3A_242 = arith.constant 0 : i32
    %dma_start3A_243 = tpu.memref_slice %arg3[%dma_start3A_242] : memref<2600000xf32, #tpu.memory_space<hbm>> -> memref<2600000xf32, #tpu.memory_space<hbm>>
    tpu.enqueue_indirect_dma source(%dma_start3A_243 : memref<2600000xf32, #tpu.memory_space<hbm>>) target(%dma_start3A_239 : memref<128xf32, #tpu.memory_space<vmem>>) offsets(%dma_start3A_241 : memref<128xi32, #tpu.memory_space<vmem>>) semaphore(%arg17 : memref<!tpu.dma_semaphore, #tpu.memory_space<semaphore_mem>>)
    %dma_start3A_244 = arith.constant 2176 : i32
    %dma_start3A_245 = arith.constant 0 : i32
    %dma_start3A_246 = tpu.memref_slice %arg12[%dma_start3A_244, %dma_start3A_245] : memref<3328x16xf32, #tpu.memory_space<vmem>> -> memref<128x16xf32, #tpu.memory_space<vmem>>
    %dma_start3A_247 = arith.constant 2176 : i32
    %dma_start3A_248 = tpu.memref_slice %arg9[%dma_start3A_247] : memref<3328xi32, #tpu.memory_space<vmem>> -> memref<128xi32, #tpu.memory_space<vmem>>
    %dma_start3A_249 = arith.constant 0 : i32
    %dma_start3A_250 = arith.constant 0 : i32
    %dma_start3A_251 = tpu.memref_slice %arg2[%dma_start3A_249, %dma_start3A_250] : memref<2600000x16xf32, #tpu.memory_space<hbm>> -> memref<2600000x16xf32, #tpu.memory_space<hbm>>
    tpu.enqueue_indirect_dma source(%dma_start3A_251 : memref<2600000x16xf32, #tpu.memory_space<hbm>>) target(%dma_start3A_246 : memref<128x16xf32, #tpu.memory_space<vmem>>) offsets(%dma_start3A_248 : memref<128xi32, #tpu.memory_space<vmem>>) semaphore(%arg17 : memref<!tpu.dma_semaphore, #tpu.memory_space<semaphore_mem>>)
    %dma_start3A_252 = arith.constant 2176 : i32
    %dma_start3A_253 = tpu.memref_slice %arg13[%dma_start3A_252] : memref<3328xf32, #tpu.memory_space<vmem>> -> memref<128xf32, #tpu.memory_space<vmem>>
    %dma_start3A_254 = arith.constant 2176 : i32
    %dma_start3A_255 = tpu.memref_slice %arg9[%dma_start3A_254] : memref<3328xi32, #tpu.memory_space<vmem>> -> memref<128xi32, #tpu.memory_space<vmem>>
    %dma_start3A_256 = arith.constant 0 : i32
    %dma_start3A_257 = tpu.memref_slice %arg3[%dma_start3A_256] : memref<2600000xf32, #tpu.memory_space<hbm>> -> memref<2600000xf32, #tpu.memory_space<hbm>>
    tpu.enqueue_indirect_dma source(%dma_start3A_257 : memref<2600000xf32, #tpu.memory_space<hbm>>) target(%dma_start3A_253 : memref<128xf32, #tpu.memory_space<vmem>>) offsets(%dma_start3A_255 : memref<128xi32, #tpu.memory_space<vmem>>) semaphore(%arg17 : memref<!tpu.dma_semaphore, #tpu.memory_space<semaphore_mem>>)
    %dma_start3A_258 = arith.constant 2304 : i32
    %dma_start3A_259 = arith.constant 0 : i32
    %dma_start3A_260 = tpu.memref_slice %arg12[%dma_start3A_258, %dma_start3A_259] : memref<3328x16xf32, #tpu.memory_space<vmem>> -> memref<128x16xf32, #tpu.memory_space<vmem>>
    %dma_start3A_261 = arith.constant 2304 : i32
    %dma_start3A_262 = tpu.memref_slice %arg9[%dma_start3A_261] : memref<3328xi32, #tpu.memory_space<vmem>> -> memref<128xi32, #tpu.memory_space<vmem>>
    %dma_start3A_263 = arith.constant 0 : i32
    %dma_start3A_264 = arith.constant 0 : i32
    %dma_start3A_265 = tpu.memref_slice %arg2[%dma_start3A_263, %dma_start3A_264] : memref<2600000x16xf32, #tpu.memory_space<hbm>> -> memref<2600000x16xf32, #tpu.memory_space<hbm>>
    tpu.enqueue_indirect_dma source(%dma_start3A_265 : memref<2600000x16xf32, #tpu.memory_space<hbm>>) target(%dma_start3A_260 : memref<128x16xf32, #tpu.memory_space<vmem>>) offsets(%dma_start3A_262 : memref<128xi32, #tpu.memory_space<vmem>>) semaphore(%arg17 : memref<!tpu.dma_semaphore, #tpu.memory_space<semaphore_mem>>)
    %dma_start3A_266 = arith.constant 2304 : i32
    %dma_start3A_267 = tpu.memref_slice %arg13[%dma_start3A_266] : memref<3328xf32, #tpu.memory_space<vmem>> -> memref<128xf32, #tpu.memory_space<vmem>>
    %dma_start3A_268 = arith.constant 2304 : i32
    %dma_start3A_269 = tpu.memref_slice %arg9[%dma_start3A_268] : memref<3328xi32, #tpu.memory_space<vmem>> -> memref<128xi32, #tpu.memory_space<vmem>>
    %dma_start3A_270 = arith.constant 0 : i32
    %dma_start3A_271 = tpu.memref_slice %arg3[%dma_start3A_270] : memref<2600000xf32, #tpu.memory_space<hbm>> -> memref<2600000xf32, #tpu.memory_space<hbm>>
    tpu.enqueue_indirect_dma source(%dma_start3A_271 : memref<2600000xf32, #tpu.memory_space<hbm>>) target(%dma_start3A_267 : memref<128xf32, #tpu.memory_space<vmem>>) offsets(%dma_start3A_269 : memref<128xi32, #tpu.memory_space<vmem>>) semaphore(%arg17 : memref<!tpu.dma_semaphore, #tpu.memory_space<semaphore_mem>>)
    %dma_start3A_272 = arith.constant 2432 : i32
    %dma_start3A_273 = arith.constant 0 : i32
    %dma_start3A_274 = tpu.memref_slice %arg12[%dma_start3A_272, %dma_start3A_273] : memref<3328x16xf32, #tpu.memory_space<vmem>> -> memref<128x16xf32, #tpu.memory_space<vmem>>
    %dma_start3A_275 = arith.constant 2432 : i32
    %dma_start3A_276 = tpu.memref_slice %arg9[%dma_start3A_275] : memref<3328xi32, #tpu.memory_space<vmem>> -> memref<128xi32, #tpu.memory_space<vmem>>
    %dma_start3A_277 = arith.constant 0 : i32
    %dma_start3A_278 = arith.constant 0 : i32
    %dma_start3A_279 = tpu.memref_slice %arg2[%dma_start3A_277, %dma_start3A_278] : memref<2600000x16xf32, #tpu.memory_space<hbm>> -> memref<2600000x16xf32, #tpu.memory_space<hbm>>
    tpu.enqueue_indirect_dma source(%dma_start3A_279 : memref<2600000x16xf32, #tpu.memory_space<hbm>>) target(%dma_start3A_274 : memref<128x16xf32, #tpu.memory_space<vmem>>) offsets(%dma_start3A_276 : memref<128xi32, #tpu.memory_space<vmem>>) semaphore(%arg17 : memref<!tpu.dma_semaphore, #tpu.memory_space<semaphore_mem>>)
    %dma_start3A_280 = arith.constant 2432 : i32
    %dma_start3A_281 = tpu.memref_slice %arg13[%dma_start3A_280] : memref<3328xf32, #tpu.memory_space<vmem>> -> memref<128xf32, #tpu.memory_space<vmem>>
    %dma_start3A_282 = arith.constant 2432 : i32
    %dma_start3A_283 = tpu.memref_slice %arg9[%dma_start3A_282] : memref<3328xi32, #tpu.memory_space<vmem>> -> memref<128xi32, #tpu.memory_space<vmem>>
    %dma_start3A_284 = arith.constant 0 : i32
    %dma_start3A_285 = tpu.memref_slice %arg3[%dma_start3A_284] : memref<2600000xf32, #tpu.memory_space<hbm>> -> memref<2600000xf32, #tpu.memory_space<hbm>>
    tpu.enqueue_indirect_dma source(%dma_start3A_285 : memref<2600000xf32, #tpu.memory_space<hbm>>) target(%dma_start3A_281 : memref<128xf32, #tpu.memory_space<vmem>>) offsets(%dma_start3A_283 : memref<128xi32, #tpu.memory_space<vmem>>) semaphore(%arg17 : memref<!tpu.dma_semaphore, #tpu.memory_space<semaphore_mem>>)
    %dma_start3A_286 = arith.constant 2560 : i32
    %dma_start3A_287 = arith.constant 0 : i32
    %dma_start3A_288 = tpu.memref_slice %arg12[%dma_start3A_286, %dma_start3A_287] : memref<3328x16xf32, #tpu.memory_space<vmem>> -> memref<128x16xf32, #tpu.memory_space<vmem>>
    %dma_start3A_289 = arith.constant 2560 : i32
    %dma_start3A_290 = tpu.memref_slice %arg9[%dma_start3A_289] : memref<3328xi32, #tpu.memory_space<vmem>> -> memref<128xi32, #tpu.memory_space<vmem>>
    %dma_start3A_291 = arith.constant 0 : i32
    %dma_start3A_292 = arith.constant 0 : i32
    %dma_start3A_293 = tpu.memref_slice %arg2[%dma_start3A_291, %dma_start3A_292] : memref<2600000x16xf32, #tpu.memory_space<hbm>> -> memref<2600000x16xf32, #tpu.memory_space<hbm>>
    tpu.enqueue_indirect_dma source(%dma_start3A_293 : memref<2600000x16xf32, #tpu.memory_space<hbm>>) target(%dma_start3A_288 : memref<128x16xf32, #tpu.memory_space<vmem>>) offsets(%dma_start3A_290 : memref<128xi32, #tpu.memory_space<vmem>>) semaphore(%arg17 : memref<!tpu.dma_semaphore, #tpu.memory_space<semaphore_mem>>)
    %dma_start3A_294 = arith.constant 2560 : i32
    %dma_start3A_295 = tpu.memref_slice %arg13[%dma_start3A_294] : memref<3328xf32, #tpu.memory_space<vmem>> -> memref<128xf32, #tpu.memory_space<vmem>>
    %dma_start3A_296 = arith.constant 2560 : i32
    %dma_start3A_297 = tpu.memref_slice %arg9[%dma_start3A_296] : memref<3328xi32, #tpu.memory_space<vmem>> -> memref<128xi32, #tpu.memory_space<vmem>>
    %dma_start3A_298 = arith.constant 0 : i32
    %dma_start3A_299 = tpu.memref_slice %arg3[%dma_start3A_298] : memref<2600000xf32, #tpu.memory_space<hbm>> -> memref<2600000xf32, #tpu.memory_space<hbm>>
    tpu.enqueue_indirect_dma source(%dma_start3A_299 : memref<2600000xf32, #tpu.memory_space<hbm>>) target(%dma_start3A_295 : memref<128xf32, #tpu.memory_space<vmem>>) offsets(%dma_start3A_297 : memref<128xi32, #tpu.memory_space<vmem>>) semaphore(%arg17 : memref<!tpu.dma_semaphore, #tpu.memory_space<semaphore_mem>>)
    %dma_start3A_300 = arith.constant 2688 : i32
    %dma_start3A_301 = arith.constant 0 : i32
    %dma_start3A_302 = tpu.memref_slice %arg12[%dma_start3A_300, %dma_start3A_301] : memref<3328x16xf32, #tpu.memory_space<vmem>> -> memref<128x16xf32, #tpu.memory_space<vmem>>
    %dma_start3A_303 = arith.constant 2688 : i32
    %dma_start3A_304 = tpu.memref_slice %arg9[%dma_start3A_303] : memref<3328xi32, #tpu.memory_space<vmem>> -> memref<128xi32, #tpu.memory_space<vmem>>
    %dma_start3A_305 = arith.constant 0 : i32
    %dma_start3A_306 = arith.constant 0 : i32
    %dma_start3A_307 = tpu.memref_slice %arg2[%dma_start3A_305, %dma_start3A_306] : memref<2600000x16xf32, #tpu.memory_space<hbm>> -> memref<2600000x16xf32, #tpu.memory_space<hbm>>
    tpu.enqueue_indirect_dma source(%dma_start3A_307 : memref<2600000x16xf32, #tpu.memory_space<hbm>>) target(%dma_start3A_302 : memref<128x16xf32, #tpu.memory_space<vmem>>) offsets(%dma_start3A_304 : memref<128xi32, #tpu.memory_space<vmem>>) semaphore(%arg17 : memref<!tpu.dma_semaphore, #tpu.memory_space<semaphore_mem>>)
    %dma_start3A_308 = arith.constant 2688 : i32
    %dma_start3A_309 = tpu.memref_slice %arg13[%dma_start3A_308] : memref<3328xf32, #tpu.memory_space<vmem>> -> memref<128xf32, #tpu.memory_space<vmem>>
    %dma_start3A_310 = arith.constant 2688 : i32
    %dma_start3A_311 = tpu.memref_slice %arg9[%dma_start3A_310] : memref<3328xi32, #tpu.memory_space<vmem>> -> memref<128xi32, #tpu.memory_space<vmem>>
    %dma_start3A_312 = arith.constant 0 : i32
    %dma_start3A_313 = tpu.memref_slice %arg3[%dma_start3A_312] : memref<2600000xf32, #tpu.memory_space<hbm>> -> memref<2600000xf32, #tpu.memory_space<hbm>>
    tpu.enqueue_indirect_dma source(%dma_start3A_313 : memref<2600000xf32, #tpu.memory_space<hbm>>) target(%dma_start3A_309 : memref<128xf32, #tpu.memory_space<vmem>>) offsets(%dma_start3A_311 : memref<128xi32, #tpu.memory_space<vmem>>) semaphore(%arg17 : memref<!tpu.dma_semaphore, #tpu.memory_space<semaphore_mem>>)
    %dma_start3A_314 = arith.constant 2816 : i32
    %dma_start3A_315 = arith.constant 0 : i32
    %dma_start3A_316 = tpu.memref_slice %arg12[%dma_start3A_314, %dma_start3A_315] : memref<3328x16xf32, #tpu.memory_space<vmem>> -> memref<128x16xf32, #tpu.memory_space<vmem>>
    %dma_start3A_317 = arith.constant 2816 : i32
    %dma_start3A_318 = tpu.memref_slice %arg9[%dma_start3A_317] : memref<3328xi32, #tpu.memory_space<vmem>> -> memref<128xi32, #tpu.memory_space<vmem>>
    %dma_start3A_319 = arith.constant 0 : i32
    %dma_start3A_320 = arith.constant 0 : i32
    %dma_start3A_321 = tpu.memref_slice %arg2[%dma_start3A_319, %dma_start3A_320] : memref<2600000x16xf32, #tpu.memory_space<hbm>> -> memref<2600000x16xf32, #tpu.memory_space<hbm>>
    tpu.enqueue_indirect_dma source(%dma_start3A_321 : memref<2600000x16xf32, #tpu.memory_space<hbm>>) target(%dma_start3A_316 : memref<128x16xf32, #tpu.memory_space<vmem>>) offsets(%dma_start3A_318 : memref<128xi32, #tpu.memory_space<vmem>>) semaphore(%arg17 : memref<!tpu.dma_semaphore, #tpu.memory_space<semaphore_mem>>)
    %dma_start3A_322 = arith.constant 2816 : i32
    %dma_start3A_323 = tpu.memref_slice %arg13[%dma_start3A_322] : memref<3328xf32, #tpu.memory_space<vmem>> -> memref<128xf32, #tpu.memory_space<vmem>>
    %dma_start3A_324 = arith.constant 2816 : i32
    %dma_start3A_325 = tpu.memref_slice %arg9[%dma_start3A_324] : memref<3328xi32, #tpu.memory_space<vmem>> -> memref<128xi32, #tpu.memory_space<vmem>>
    %dma_start3A_326 = arith.constant 0 : i32
    %dma_start3A_327 = tpu.memref_slice %arg3[%dma_start3A_326] : memref<2600000xf32, #tpu.memory_space<hbm>> -> memref<2600000xf32, #tpu.memory_space<hbm>>
    tpu.enqueue_indirect_dma source(%dma_start3A_327 : memref<2600000xf32, #tpu.memory_space<hbm>>) target(%dma_start3A_323 : memref<128xf32, #tpu.memory_space<vmem>>) offsets(%dma_start3A_325 : memref<128xi32, #tpu.memory_space<vmem>>) semaphore(%arg17 : memref<!tpu.dma_semaphore, #tpu.memory_space<semaphore_mem>>)
    %dma_start3A_328 = arith.constant 2944 : i32
    %dma_start3A_329 = arith.constant 0 : i32
    %dma_start3A_330 = tpu.memref_slice %arg12[%dma_start3A_328, %dma_start3A_329] : memref<3328x16xf32, #tpu.memory_space<vmem>> -> memref<128x16xf32, #tpu.memory_space<vmem>>
    %dma_start3A_331 = arith.constant 2944 : i32
    %dma_start3A_332 = tpu.memref_slice %arg9[%dma_start3A_331] : memref<3328xi32, #tpu.memory_space<vmem>> -> memref<128xi32, #tpu.memory_space<vmem>>
    %dma_start3A_333 = arith.constant 0 : i32
    %dma_start3A_334 = arith.constant 0 : i32
    %dma_start3A_335 = tpu.memref_slice %arg2[%dma_start3A_333, %dma_start3A_334] : memref<2600000x16xf32, #tpu.memory_space<hbm>> -> memref<2600000x16xf32, #tpu.memory_space<hbm>>
    tpu.enqueue_indirect_dma source(%dma_start3A_335 : memref<2600000x16xf32, #tpu.memory_space<hbm>>) target(%dma_start3A_330 : memref<128x16xf32, #tpu.memory_space<vmem>>) offsets(%dma_start3A_332 : memref<128xi32, #tpu.memory_space<vmem>>) semaphore(%arg17 : memref<!tpu.dma_semaphore, #tpu.memory_space<semaphore_mem>>)
    %dma_start3A_336 = arith.constant 2944 : i32
    %dma_start3A_337 = tpu.memref_slice %arg13[%dma_start3A_336] : memref<3328xf32, #tpu.memory_space<vmem>> -> memref<128xf32, #tpu.memory_space<vmem>>
    %dma_start3A_338 = arith.constant 2944 : i32
    %dma_start3A_339 = tpu.memref_slice %arg9[%dma_start3A_338] : memref<3328xi32, #tpu.memory_space<vmem>> -> memref<128xi32, #tpu.memory_space<vmem>>
    %dma_start3A_340 = arith.constant 0 : i32
    %dma_start3A_341 = tpu.memref_slice %arg3[%dma_start3A_340] : memref<2600000xf32, #tpu.memory_space<hbm>> -> memref<2600000xf32, #tpu.memory_space<hbm>>
    tpu.enqueue_indirect_dma source(%dma_start3A_341 : memref<2600000xf32, #tpu.memory_space<hbm>>) target(%dma_start3A_337 : memref<128xf32, #tpu.memory_space<vmem>>) offsets(%dma_start3A_339 : memref<128xi32, #tpu.memory_space<vmem>>) semaphore(%arg17 : memref<!tpu.dma_semaphore, #tpu.memory_space<semaphore_mem>>)
    %dma_start3A_342 = arith.constant 3072 : i32
    %dma_start3A_343 = arith.constant 0 : i32
    %dma_start3A_344 = tpu.memref_slice %arg12[%dma_start3A_342, %dma_start3A_343] : memref<3328x16xf32, #tpu.memory_space<vmem>> -> memref<128x16xf32, #tpu.memory_space<vmem>>
    %dma_start3A_345 = arith.constant 3072 : i32
    %dma_start3A_346 = tpu.memref_slice %arg9[%dma_start3A_345] : memref<3328xi32, #tpu.memory_space<vmem>> -> memref<128xi32, #tpu.memory_space<vmem>>
    %dma_start3A_347 = arith.constant 0 : i32
    %dma_start3A_348 = arith.constant 0 : i32
    %dma_start3A_349 = tpu.memref_slice %arg2[%dma_start3A_347, %dma_start3A_348] : memref<2600000x16xf32, #tpu.memory_space<hbm>> -> memref<2600000x16xf32, #tpu.memory_space<hbm>>
    tpu.enqueue_indirect_dma source(%dma_start3A_349 : memref<2600000x16xf32, #tpu.memory_space<hbm>>) target(%dma_start3A_344 : memref<128x16xf32, #tpu.memory_space<vmem>>) offsets(%dma_start3A_346 : memref<128xi32, #tpu.memory_space<vmem>>) semaphore(%arg17 : memref<!tpu.dma_semaphore, #tpu.memory_space<semaphore_mem>>)
    %dma_start3A_350 = arith.constant 3072 : i32
    %dma_start3A_351 = tpu.memref_slice %arg13[%dma_start3A_350] : memref<3328xf32, #tpu.memory_space<vmem>> -> memref<128xf32, #tpu.memory_space<vmem>>
    %dma_start3A_352 = arith.constant 3072 : i32
    %dma_start3A_353 = tpu.memref_slice %arg9[%dma_start3A_352] : memref<3328xi32, #tpu.memory_space<vmem>> -> memref<128xi32, #tpu.memory_space<vmem>>
    %dma_start3A_354 = arith.constant 0 : i32
    %dma_start3A_355 = tpu.memref_slice %arg3[%dma_start3A_354] : memref<2600000xf32, #tpu.memory_space<hbm>> -> memref<2600000xf32, #tpu.memory_space<hbm>>
    tpu.enqueue_indirect_dma source(%dma_start3A_355 : memref<2600000xf32, #tpu.memory_space<hbm>>) target(%dma_start3A_351 : memref<128xf32, #tpu.memory_space<vmem>>) offsets(%dma_start3A_353 : memref<128xi32, #tpu.memory_space<vmem>>) semaphore(%arg17 : memref<!tpu.dma_semaphore, #tpu.memory_space<semaphore_mem>>)
    %dma_start3A_356 = arith.constant 3200 : i32
    %dma_start3A_357 = arith.constant 0 : i32
    %dma_start3A_358 = tpu.memref_slice %arg12[%dma_start3A_356, %dma_start3A_357] : memref<3328x16xf32, #tpu.memory_space<vmem>> -> memref<128x16xf32, #tpu.memory_space<vmem>>
    %dma_start3A_359 = arith.constant 3200 : i32
    %dma_start3A_360 = tpu.memref_slice %arg9[%dma_start3A_359] : memref<3328xi32, #tpu.memory_space<vmem>> -> memref<128xi32, #tpu.memory_space<vmem>>
    %dma_start3A_361 = arith.constant 0 : i32
    %dma_start3A_362 = arith.constant 0 : i32
    %dma_start3A_363 = tpu.memref_slice %arg2[%dma_start3A_361, %dma_start3A_362] : memref<2600000x16xf32, #tpu.memory_space<hbm>> -> memref<2600000x16xf32, #tpu.memory_space<hbm>>
    tpu.enqueue_indirect_dma source(%dma_start3A_363 : memref<2600000x16xf32, #tpu.memory_space<hbm>>) target(%dma_start3A_358 : memref<128x16xf32, #tpu.memory_space<vmem>>) offsets(%dma_start3A_360 : memref<128xi32, #tpu.memory_space<vmem>>) semaphore(%arg17 : memref<!tpu.dma_semaphore, #tpu.memory_space<semaphore_mem>>)
    %dma_start3A_364 = arith.constant 3200 : i32
    %dma_start3A_365 = tpu.memref_slice %arg13[%dma_start3A_364] : memref<3328xf32, #tpu.memory_space<vmem>> -> memref<128xf32, #tpu.memory_space<vmem>>
    %dma_start3A_366 = arith.constant 3200 : i32
    %dma_start3A_367 = tpu.memref_slice %arg9[%dma_start3A_366] : memref<3328xi32, #tpu.memory_space<vmem>> -> memref<128xi32, #tpu.memory_space<vmem>>
    %dma_start3A_368 = arith.constant 0 : i32
    %dma_start3A_369 = tpu.memref_slice %arg3[%dma_start3A_368] : memref<2600000xf32, #tpu.memory_space<hbm>> -> memref<2600000xf32, #tpu.memory_space<hbm>>
    tpu.enqueue_indirect_dma source(%dma_start3A_369 : memref<2600000xf32, #tpu.memory_space<hbm>>) target(%dma_start3A_365 : memref<128xf32, #tpu.memory_space<vmem>>) offsets(%dma_start3A_367 : memref<128xi32, #tpu.memory_space<vmem>>) semaphore(%arg17 : memref<!tpu.dma_semaphore, #tpu.memory_space<semaphore_mem>>)
    %dma_wait3A = arith.constant 0 : i32
    %dma_wait3A_370 = arith.constant 0 : i32
    %dma_wait3A_371 = tpu.memref_slice %arg12[%dma_wait3A, %dma_wait3A_370] : memref<3328x16xf32, #tpu.memory_space<vmem>> -> memref<128x16xf32, #tpu.memory_space<vmem>>
    %dma_wait3A_372 = arith.constant 0 : i32
    %dma_wait3A_373 = tpu.memref_slice %arg9[%dma_wait3A_372] : memref<3328xi32, #tpu.memory_space<vmem>> -> memref<128xi32, #tpu.memory_space<vmem>>
    %dma_wait3A_374 = arith.constant 0 : i32
    %dma_wait3A_375 = arith.constant 0 : i32
    %dma_wait3A_376 = tpu.memref_slice %arg2[%dma_wait3A_374, %dma_wait3A_375] : memref<2600000x16xf32, #tpu.memory_space<hbm>> -> memref<2600000x16xf32, #tpu.memory_space<hbm>>
    tpu.wait_indirect_dma semaphore(%arg17 : memref<!tpu.dma_semaphore, #tpu.memory_space<semaphore_mem>>) src(%dma_wait3A_376 : memref<2600000x16xf32, #tpu.memory_space<hbm>>) dst(%dma_wait3A_371 : memref<128x16xf32, #tpu.memory_space<vmem>>)
    %dma_wait3A_377 = arith.constant 0 : i32
    %dma_wait3A_378 = tpu.memref_slice %arg13[%dma_wait3A_377] : memref<3328xf32, #tpu.memory_space<vmem>> -> memref<128xf32, #tpu.memory_space<vmem>>
    %dma_wait3A_379 = arith.constant 0 : i32
    %dma_wait3A_380 = tpu.memref_slice %arg9[%dma_wait3A_379] : memref<3328xi32, #tpu.memory_space<vmem>> -> memref<128xi32, #tpu.memory_space<vmem>>
    %dma_wait3A_381 = arith.constant 0 : i32
    %dma_wait3A_382 = tpu.memref_slice %arg3[%dma_wait3A_381] : memref<2600000xf32, #tpu.memory_space<hbm>> -> memref<2600000xf32, #tpu.memory_space<hbm>>
    tpu.wait_indirect_dma semaphore(%arg17 : memref<!tpu.dma_semaphore, #tpu.memory_space<semaphore_mem>>) src(%dma_wait3A_382 : memref<2600000xf32, #tpu.memory_space<hbm>>) dst(%dma_wait3A_378 : memref<128xf32, #tpu.memory_space<vmem>>)
    %dma_wait3A_383 = arith.constant 128 : i32
    %dma_wait3A_384 = arith.constant 0 : i32
    %dma_wait3A_385 = tpu.memref_slice %arg12[%dma_wait3A_383, %dma_wait3A_384] : memref<3328x16xf32, #tpu.memory_space<vmem>> -> memref<128x16xf32, #tpu.memory_space<vmem>>
    %dma_wait3A_386 = arith.constant 128 : i32
    %dma_wait3A_387 = tpu.memref_slice %arg9[%dma_wait3A_386] : memref<3328xi32, #tpu.memory_space<vmem>> -> memref<128xi32, #tpu.memory_space<vmem>>
    %dma_wait3A_388 = arith.constant 0 : i32
    %dma_wait3A_389 = arith.constant 0 : i32
    %dma_wait3A_390 = tpu.memref_slice %arg2[%dma_wait3A_388, %dma_wait3A_389] : memref<2600000x16xf32, #tpu.memory_space<hbm>> -> memref<2600000x16xf32, #tpu.memory_space<hbm>>
    tpu.wait_indirect_dma semaphore(%arg17 : memref<!tpu.dma_semaphore, #tpu.memory_space<semaphore_mem>>) src(%dma_wait3A_390 : memref<2600000x16xf32, #tpu.memory_space<hbm>>) dst(%dma_wait3A_385 : memref<128x16xf32, #tpu.memory_space<vmem>>)
    %dma_wait3A_391 = arith.constant 128 : i32
    %dma_wait3A_392 = tpu.memref_slice %arg13[%dma_wait3A_391] : memref<3328xf32, #tpu.memory_space<vmem>> -> memref<128xf32, #tpu.memory_space<vmem>>
    %dma_wait3A_393 = arith.constant 128 : i32
    %dma_wait3A_394 = tpu.memref_slice %arg9[%dma_wait3A_393] : memref<3328xi32, #tpu.memory_space<vmem>> -> memref<128xi32, #tpu.memory_space<vmem>>
    %dma_wait3A_395 = arith.constant 0 : i32
    %dma_wait3A_396 = tpu.memref_slice %arg3[%dma_wait3A_395] : memref<2600000xf32, #tpu.memory_space<hbm>> -> memref<2600000xf32, #tpu.memory_space<hbm>>
    tpu.wait_indirect_dma semaphore(%arg17 : memref<!tpu.dma_semaphore, #tpu.memory_space<semaphore_mem>>) src(%dma_wait3A_396 : memref<2600000xf32, #tpu.memory_space<hbm>>) dst(%dma_wait3A_392 : memref<128xf32, #tpu.memory_space<vmem>>)
    %dma_wait3A_397 = arith.constant 256 : i32
    %dma_wait3A_398 = arith.constant 0 : i32
    %dma_wait3A_399 = tpu.memref_slice %arg12[%dma_wait3A_397, %dma_wait3A_398] : memref<3328x16xf32, #tpu.memory_space<vmem>> -> memref<128x16xf32, #tpu.memory_space<vmem>>
    %dma_wait3A_400 = arith.constant 256 : i32
    %dma_wait3A_401 = tpu.memref_slice %arg9[%dma_wait3A_400] : memref<3328xi32, #tpu.memory_space<vmem>> -> memref<128xi32, #tpu.memory_space<vmem>>
    %dma_wait3A_402 = arith.constant 0 : i32
    %dma_wait3A_403 = arith.constant 0 : i32
    %dma_wait3A_404 = tpu.memref_slice %arg2[%dma_wait3A_402, %dma_wait3A_403] : memref<2600000x16xf32, #tpu.memory_space<hbm>> -> memref<2600000x16xf32, #tpu.memory_space<hbm>>
    tpu.wait_indirect_dma semaphore(%arg17 : memref<!tpu.dma_semaphore, #tpu.memory_space<semaphore_mem>>) src(%dma_wait3A_404 : memref<2600000x16xf32, #tpu.memory_space<hbm>>) dst(%dma_wait3A_399 : memref<128x16xf32, #tpu.memory_space<vmem>>)
    %dma_wait3A_405 = arith.constant 256 : i32
    %dma_wait3A_406 = tpu.memref_slice %arg13[%dma_wait3A_405] : memref<3328xf32, #tpu.memory_space<vmem>> -> memref<128xf32, #tpu.memory_space<vmem>>
    %dma_wait3A_407 = arith.constant 256 : i32
    %dma_wait3A_408 = tpu.memref_slice %arg9[%dma_wait3A_407] : memref<3328xi32, #tpu.memory_space<vmem>> -> memref<128xi32, #tpu.memory_space<vmem>>
    %dma_wait3A_409 = arith.constant 0 : i32
    %dma_wait3A_410 = tpu.memref_slice %arg3[%dma_wait3A_409] : memref<2600000xf32, #tpu.memory_space<hbm>> -> memref<2600000xf32, #tpu.memory_space<hbm>>
    tpu.wait_indirect_dma semaphore(%arg17 : memref<!tpu.dma_semaphore, #tpu.memory_space<semaphore_mem>>) src(%dma_wait3A_410 : memref<2600000xf32, #tpu.memory_space<hbm>>) dst(%dma_wait3A_406 : memref<128xf32, #tpu.memory_space<vmem>>)
    %dma_wait3A_411 = arith.constant 384 : i32
    %dma_wait3A_412 = arith.constant 0 : i32
    %dma_wait3A_413 = tpu.memref_slice %arg12[%dma_wait3A_411, %dma_wait3A_412] : memref<3328x16xf32, #tpu.memory_space<vmem>> -> memref<128x16xf32, #tpu.memory_space<vmem>>
    %dma_wait3A_414 = arith.constant 384 : i32
    %dma_wait3A_415 = tpu.memref_slice %arg9[%dma_wait3A_414] : memref<3328xi32, #tpu.memory_space<vmem>> -> memref<128xi32, #tpu.memory_space<vmem>>
    %dma_wait3A_416 = arith.constant 0 : i32
    %dma_wait3A_417 = arith.constant 0 : i32
    %dma_wait3A_418 = tpu.memref_slice %arg2[%dma_wait3A_416, %dma_wait3A_417] : memref<2600000x16xf32, #tpu.memory_space<hbm>> -> memref<2600000x16xf32, #tpu.memory_space<hbm>>
    tpu.wait_indirect_dma semaphore(%arg17 : memref<!tpu.dma_semaphore, #tpu.memory_space<semaphore_mem>>) src(%dma_wait3A_418 : memref<2600000x16xf32, #tpu.memory_space<hbm>>) dst(%dma_wait3A_413 : memref<128x16xf32, #tpu.memory_space<vmem>>)
    %dma_wait3A_419 = arith.constant 384 : i32
    %dma_wait3A_420 = tpu.memref_slice %arg13[%dma_wait3A_419] : memref<3328xf32, #tpu.memory_space<vmem>> -> memref<128xf32, #tpu.memory_space<vmem>>
    %dma_wait3A_421 = arith.constant 384 : i32
    %dma_wait3A_422 = tpu.memref_slice %arg9[%dma_wait3A_421] : memref<3328xi32, #tpu.memory_space<vmem>> -> memref<128xi32, #tpu.memory_space<vmem>>
    %dma_wait3A_423 = arith.constant 0 : i32
    %dma_wait3A_424 = tpu.memref_slice %arg3[%dma_wait3A_423] : memref<2600000xf32, #tpu.memory_space<hbm>> -> memref<2600000xf32, #tpu.memory_space<hbm>>
    tpu.wait_indirect_dma semaphore(%arg17 : memref<!tpu.dma_semaphore, #tpu.memory_space<semaphore_mem>>) src(%dma_wait3A_424 : memref<2600000xf32, #tpu.memory_space<hbm>>) dst(%dma_wait3A_420 : memref<128xf32, #tpu.memory_space<vmem>>)
    %dma_wait3A_425 = arith.constant 512 : i32
    %dma_wait3A_426 = arith.constant 0 : i32
    %dma_wait3A_427 = tpu.memref_slice %arg12[%dma_wait3A_425, %dma_wait3A_426] : memref<3328x16xf32, #tpu.memory_space<vmem>> -> memref<128x16xf32, #tpu.memory_space<vmem>>
    %dma_wait3A_428 = arith.constant 512 : i32
    %dma_wait3A_429 = tpu.memref_slice %arg9[%dma_wait3A_428] : memref<3328xi32, #tpu.memory_space<vmem>> -> memref<128xi32, #tpu.memory_space<vmem>>
    %dma_wait3A_430 = arith.constant 0 : i32
    %dma_wait3A_431 = arith.constant 0 : i32
    %dma_wait3A_432 = tpu.memref_slice %arg2[%dma_wait3A_430, %dma_wait3A_431] : memref<2600000x16xf32, #tpu.memory_space<hbm>> -> memref<2600000x16xf32, #tpu.memory_space<hbm>>
    tpu.wait_indirect_dma semaphore(%arg17 : memref<!tpu.dma_semaphore, #tpu.memory_space<semaphore_mem>>) src(%dma_wait3A_432 : memref<2600000x16xf32, #tpu.memory_space<hbm>>) dst(%dma_wait3A_427 : memref<128x16xf32, #tpu.memory_space<vmem>>)
    %dma_wait3A_433 = arith.constant 512 : i32
    %dma_wait3A_434 = tpu.memref_slice %arg13[%dma_wait3A_433] : memref<3328xf32, #tpu.memory_space<vmem>> -> memref<128xf32, #tpu.memory_space<vmem>>
    %dma_wait3A_435 = arith.constant 512 : i32
    %dma_wait3A_436 = tpu.memref_slice %arg9[%dma_wait3A_435] : memref<3328xi32, #tpu.memory_space<vmem>> -> memref<128xi32, #tpu.memory_space<vmem>>
    %dma_wait3A_437 = arith.constant 0 : i32
    %dma_wait3A_438 = tpu.memref_slice %arg3[%dma_wait3A_437] : memref<2600000xf32, #tpu.memory_space<hbm>> -> memref<2600000xf32, #tpu.memory_space<hbm>>
    tpu.wait_indirect_dma semaphore(%arg17 : memref<!tpu.dma_semaphore, #tpu.memory_space<semaphore_mem>>) src(%dma_wait3A_438 : memref<2600000xf32, #tpu.memory_space<hbm>>) dst(%dma_wait3A_434 : memref<128xf32, #tpu.memory_space<vmem>>)
    %dma_wait3A_439 = arith.constant 640 : i32
    %dma_wait3A_440 = arith.constant 0 : i32
    %dma_wait3A_441 = tpu.memref_slice %arg12[%dma_wait3A_439, %dma_wait3A_440] : memref<3328x16xf32, #tpu.memory_space<vmem>> -> memref<128x16xf32, #tpu.memory_space<vmem>>
    %dma_wait3A_442 = arith.constant 640 : i32
    %dma_wait3A_443 = tpu.memref_slice %arg9[%dma_wait3A_442] : memref<3328xi32, #tpu.memory_space<vmem>> -> memref<128xi32, #tpu.memory_space<vmem>>
    %dma_wait3A_444 = arith.constant 0 : i32
    %dma_wait3A_445 = arith.constant 0 : i32
    %dma_wait3A_446 = tpu.memref_slice %arg2[%dma_wait3A_444, %dma_wait3A_445] : memref<2600000x16xf32, #tpu.memory_space<hbm>> -> memref<2600000x16xf32, #tpu.memory_space<hbm>>
    tpu.wait_indirect_dma semaphore(%arg17 : memref<!tpu.dma_semaphore, #tpu.memory_space<semaphore_mem>>) src(%dma_wait3A_446 : memref<2600000x16xf32, #tpu.memory_space<hbm>>) dst(%dma_wait3A_441 : memref<128x16xf32, #tpu.memory_space<vmem>>)
    %dma_wait3A_447 = arith.constant 640 : i32
    %dma_wait3A_448 = tpu.memref_slice %arg13[%dma_wait3A_447] : memref<3328xf32, #tpu.memory_space<vmem>> -> memref<128xf32, #tpu.memory_space<vmem>>
    %dma_wait3A_449 = arith.constant 640 : i32
    %dma_wait3A_450 = tpu.memref_slice %arg9[%dma_wait3A_449] : memref<3328xi32, #tpu.memory_space<vmem>> -> memref<128xi32, #tpu.memory_space<vmem>>
    %dma_wait3A_451 = arith.constant 0 : i32
    %dma_wait3A_452 = tpu.memref_slice %arg3[%dma_wait3A_451] : memref<2600000xf32, #tpu.memory_space<hbm>> -> memref<2600000xf32, #tpu.memory_space<hbm>>
    tpu.wait_indirect_dma semaphore(%arg17 : memref<!tpu.dma_semaphore, #tpu.memory_space<semaphore_mem>>) src(%dma_wait3A_452 : memref<2600000xf32, #tpu.memory_space<hbm>>) dst(%dma_wait3A_448 : memref<128xf32, #tpu.memory_space<vmem>>)
    %dma_wait3A_453 = arith.constant 768 : i32
    %dma_wait3A_454 = arith.constant 0 : i32
    %dma_wait3A_455 = tpu.memref_slice %arg12[%dma_wait3A_453, %dma_wait3A_454] : memref<3328x16xf32, #tpu.memory_space<vmem>> -> memref<128x16xf32, #tpu.memory_space<vmem>>
    %dma_wait3A_456 = arith.constant 768 : i32
    %dma_wait3A_457 = tpu.memref_slice %arg9[%dma_wait3A_456] : memref<3328xi32, #tpu.memory_space<vmem>> -> memref<128xi32, #tpu.memory_space<vmem>>
    %dma_wait3A_458 = arith.constant 0 : i32
    %dma_wait3A_459 = arith.constant 0 : i32
    %dma_wait3A_460 = tpu.memref_slice %arg2[%dma_wait3A_458, %dma_wait3A_459] : memref<2600000x16xf32, #tpu.memory_space<hbm>> -> memref<2600000x16xf32, #tpu.memory_space<hbm>>
    tpu.wait_indirect_dma semaphore(%arg17 : memref<!tpu.dma_semaphore, #tpu.memory_space<semaphore_mem>>) src(%dma_wait3A_460 : memref<2600000x16xf32, #tpu.memory_space<hbm>>) dst(%dma_wait3A_455 : memref<128x16xf32, #tpu.memory_space<vmem>>)
    %dma_wait3A_461 = arith.constant 768 : i32
    %dma_wait3A_462 = tpu.memref_slice %arg13[%dma_wait3A_461] : memref<3328xf32, #tpu.memory_space<vmem>> -> memref<128xf32, #tpu.memory_space<vmem>>
    %dma_wait3A_463 = arith.constant 768 : i32
    %dma_wait3A_464 = tpu.memref_slice %arg9[%dma_wait3A_463] : memref<3328xi32, #tpu.memory_space<vmem>> -> memref<128xi32, #tpu.memory_space<vmem>>
    %dma_wait3A_465 = arith.constant 0 : i32
    %dma_wait3A_466 = tpu.memref_slice %arg3[%dma_wait3A_465] : memref<2600000xf32, #tpu.memory_space<hbm>> -> memref<2600000xf32, #tpu.memory_space<hbm>>
    tpu.wait_indirect_dma semaphore(%arg17 : memref<!tpu.dma_semaphore, #tpu.memory_space<semaphore_mem>>) src(%dma_wait3A_466 : memref<2600000xf32, #tpu.memory_space<hbm>>) dst(%dma_wait3A_462 : memref<128xf32, #tpu.memory_space<vmem>>)
    %dma_wait3A_467 = arith.constant 896 : i32
    %dma_wait3A_468 = arith.constant 0 : i32
    %dma_wait3A_469 = tpu.memref_slice %arg12[%dma_wait3A_467, %dma_wait3A_468] : memref<3328x16xf32, #tpu.memory_space<vmem>> -> memref<128x16xf32, #tpu.memory_space<vmem>>
    %dma_wait3A_470 = arith.constant 896 : i32
    %dma_wait3A_471 = tpu.memref_slice %arg9[%dma_wait3A_470] : memref<3328xi32, #tpu.memory_space<vmem>> -> memref<128xi32, #tpu.memory_space<vmem>>
    %dma_wait3A_472 = arith.constant 0 : i32
    %dma_wait3A_473 = arith.constant 0 : i32
    %dma_wait3A_474 = tpu.memref_slice %arg2[%dma_wait3A_472, %dma_wait3A_473] : memref<2600000x16xf32, #tpu.memory_space<hbm>> -> memref<2600000x16xf32, #tpu.memory_space<hbm>>
    tpu.wait_indirect_dma semaphore(%arg17 : memref<!tpu.dma_semaphore, #tpu.memory_space<semaphore_mem>>) src(%dma_wait3A_474 : memref<2600000x16xf32, #tpu.memory_space<hbm>>) dst(%dma_wait3A_469 : memref<128x16xf32, #tpu.memory_space<vmem>>)
    %dma_wait3A_475 = arith.constant 896 : i32
    %dma_wait3A_476 = tpu.memref_slice %arg13[%dma_wait3A_475] : memref<3328xf32, #tpu.memory_space<vmem>> -> memref<128xf32, #tpu.memory_space<vmem>>
    %dma_wait3A_477 = arith.constant 896 : i32
    %dma_wait3A_478 = tpu.memref_slice %arg9[%dma_wait3A_477] : memref<3328xi32, #tpu.memory_space<vmem>> -> memref<128xi32, #tpu.memory_space<vmem>>
    %dma_wait3A_479 = arith.constant 0 : i32
    %dma_wait3A_480 = tpu.memref_slice %arg3[%dma_wait3A_479] : memref<2600000xf32, #tpu.memory_space<hbm>> -> memref<2600000xf32, #tpu.memory_space<hbm>>
    tpu.wait_indirect_dma semaphore(%arg17 : memref<!tpu.dma_semaphore, #tpu.memory_space<semaphore_mem>>) src(%dma_wait3A_480 : memref<2600000xf32, #tpu.memory_space<hbm>>) dst(%dma_wait3A_476 : memref<128xf32, #tpu.memory_space<vmem>>)
    %dma_wait3A_481 = arith.constant 1024 : i32
    %dma_wait3A_482 = arith.constant 0 : i32
    %dma_wait3A_483 = tpu.memref_slice %arg12[%dma_wait3A_481, %dma_wait3A_482] : memref<3328x16xf32, #tpu.memory_space<vmem>> -> memref<128x16xf32, #tpu.memory_space<vmem>>
    %dma_wait3A_484 = arith.constant 1024 : i32
    %dma_wait3A_485 = tpu.memref_slice %arg9[%dma_wait3A_484] : memref<3328xi32, #tpu.memory_space<vmem>> -> memref<128xi32, #tpu.memory_space<vmem>>
    %dma_wait3A_486 = arith.constant 0 : i32
    %dma_wait3A_487 = arith.constant 0 : i32
    %dma_wait3A_488 = tpu.memref_slice %arg2[%dma_wait3A_486, %dma_wait3A_487] : memref<2600000x16xf32, #tpu.memory_space<hbm>> -> memref<2600000x16xf32, #tpu.memory_space<hbm>>
    tpu.wait_indirect_dma semaphore(%arg17 : memref<!tpu.dma_semaphore, #tpu.memory_space<semaphore_mem>>) src(%dma_wait3A_488 : memref<2600000x16xf32, #tpu.memory_space<hbm>>) dst(%dma_wait3A_483 : memref<128x16xf32, #tpu.memory_space<vmem>>)
    %dma_wait3A_489 = arith.constant 1024 : i32
    %dma_wait3A_490 = tpu.memref_slice %arg13[%dma_wait3A_489] : memref<3328xf32, #tpu.memory_space<vmem>> -> memref<128xf32, #tpu.memory_space<vmem>>
    %dma_wait3A_491 = arith.constant 1024 : i32
    %dma_wait3A_492 = tpu.memref_slice %arg9[%dma_wait3A_491] : memref<3328xi32, #tpu.memory_space<vmem>> -> memref<128xi32, #tpu.memory_space<vmem>>
    %dma_wait3A_493 = arith.constant 0 : i32
    %dma_wait3A_494 = tpu.memref_slice %arg3[%dma_wait3A_493] : memref<2600000xf32, #tpu.memory_space<hbm>> -> memref<2600000xf32, #tpu.memory_space<hbm>>
    tpu.wait_indirect_dma semaphore(%arg17 : memref<!tpu.dma_semaphore, #tpu.memory_space<semaphore_mem>>) src(%dma_wait3A_494 : memref<2600000xf32, #tpu.memory_space<hbm>>) dst(%dma_wait3A_490 : memref<128xf32, #tpu.memory_space<vmem>>)
    %dma_wait3A_495 = arith.constant 1152 : i32
    %dma_wait3A_496 = arith.constant 0 : i32
    %dma_wait3A_497 = tpu.memref_slice %arg12[%dma_wait3A_495, %dma_wait3A_496] : memref<3328x16xf32, #tpu.memory_space<vmem>> -> memref<128x16xf32, #tpu.memory_space<vmem>>
    %dma_wait3A_498 = arith.constant 1152 : i32
    %dma_wait3A_499 = tpu.memref_slice %arg9[%dma_wait3A_498] : memref<3328xi32, #tpu.memory_space<vmem>> -> memref<128xi32, #tpu.memory_space<vmem>>
    %dma_wait3A_500 = arith.constant 0 : i32
    %dma_wait3A_501 = arith.constant 0 : i32
    %dma_wait3A_502 = tpu.memref_slice %arg2[%dma_wait3A_500, %dma_wait3A_501] : memref<2600000x16xf32, #tpu.memory_space<hbm>> -> memref<2600000x16xf32, #tpu.memory_space<hbm>>
    tpu.wait_indirect_dma semaphore(%arg17 : memref<!tpu.dma_semaphore, #tpu.memory_space<semaphore_mem>>) src(%dma_wait3A_502 : memref<2600000x16xf32, #tpu.memory_space<hbm>>) dst(%dma_wait3A_497 : memref<128x16xf32, #tpu.memory_space<vmem>>)
    %dma_wait3A_503 = arith.constant 1152 : i32
    %dma_wait3A_504 = tpu.memref_slice %arg13[%dma_wait3A_503] : memref<3328xf32, #tpu.memory_space<vmem>> -> memref<128xf32, #tpu.memory_space<vmem>>
    %dma_wait3A_505 = arith.constant 1152 : i32
    %dma_wait3A_506 = tpu.memref_slice %arg9[%dma_wait3A_505] : memref<3328xi32, #tpu.memory_space<vmem>> -> memref<128xi32, #tpu.memory_space<vmem>>
    %dma_wait3A_507 = arith.constant 0 : i32
    %dma_wait3A_508 = tpu.memref_slice %arg3[%dma_wait3A_507] : memref<2600000xf32, #tpu.memory_space<hbm>> -> memref<2600000xf32, #tpu.memory_space<hbm>>
    tpu.wait_indirect_dma semaphore(%arg17 : memref<!tpu.dma_semaphore, #tpu.memory_space<semaphore_mem>>) src(%dma_wait3A_508 : memref<2600000xf32, #tpu.memory_space<hbm>>) dst(%dma_wait3A_504 : memref<128xf32, #tpu.memory_space<vmem>>)
    %dma_wait3A_509 = arith.constant 1280 : i32
    %dma_wait3A_510 = arith.constant 0 : i32
    %dma_wait3A_511 = tpu.memref_slice %arg12[%dma_wait3A_509, %dma_wait3A_510] : memref<3328x16xf32, #tpu.memory_space<vmem>> -> memref<128x16xf32, #tpu.memory_space<vmem>>
    %dma_wait3A_512 = arith.constant 1280 : i32
    %dma_wait3A_513 = tpu.memref_slice %arg9[%dma_wait3A_512] : memref<3328xi32, #tpu.memory_space<vmem>> -> memref<128xi32, #tpu.memory_space<vmem>>
    %dma_wait3A_514 = arith.constant 0 : i32
    %dma_wait3A_515 = arith.constant 0 : i32
    %dma_wait3A_516 = tpu.memref_slice %arg2[%dma_wait3A_514, %dma_wait3A_515] : memref<2600000x16xf32, #tpu.memory_space<hbm>> -> memref<2600000x16xf32, #tpu.memory_space<hbm>>
    tpu.wait_indirect_dma semaphore(%arg17 : memref<!tpu.dma_semaphore, #tpu.memory_space<semaphore_mem>>) src(%dma_wait3A_516 : memref<2600000x16xf32, #tpu.memory_space<hbm>>) dst(%dma_wait3A_511 : memref<128x16xf32, #tpu.memory_space<vmem>>)
    %dma_wait3A_517 = arith.constant 1280 : i32
    %dma_wait3A_518 = tpu.memref_slice %arg13[%dma_wait3A_517] : memref<3328xf32, #tpu.memory_space<vmem>> -> memref<128xf32, #tpu.memory_space<vmem>>
    %dma_wait3A_519 = arith.constant 1280 : i32
    %dma_wait3A_520 = tpu.memref_slice %arg9[%dma_wait3A_519] : memref<3328xi32, #tpu.memory_space<vmem>> -> memref<128xi32, #tpu.memory_space<vmem>>
    %dma_wait3A_521 = arith.constant 0 : i32
    %dma_wait3A_522 = tpu.memref_slice %arg3[%dma_wait3A_521] : memref<2600000xf32, #tpu.memory_space<hbm>> -> memref<2600000xf32, #tpu.memory_space<hbm>>
    tpu.wait_indirect_dma semaphore(%arg17 : memref<!tpu.dma_semaphore, #tpu.memory_space<semaphore_mem>>) src(%dma_wait3A_522 : memref<2600000xf32, #tpu.memory_space<hbm>>) dst(%dma_wait3A_518 : memref<128xf32, #tpu.memory_space<vmem>>)
    %dma_wait3A_523 = arith.constant 1408 : i32
    %dma_wait3A_524 = arith.constant 0 : i32
    %dma_wait3A_525 = tpu.memref_slice %arg12[%dma_wait3A_523, %dma_wait3A_524] : memref<3328x16xf32, #tpu.memory_space<vmem>> -> memref<128x16xf32, #tpu.memory_space<vmem>>
    %dma_wait3A_526 = arith.constant 1408 : i32
    %dma_wait3A_527 = tpu.memref_slice %arg9[%dma_wait3A_526] : memref<3328xi32, #tpu.memory_space<vmem>> -> memref<128xi32, #tpu.memory_space<vmem>>
    %dma_wait3A_528 = arith.constant 0 : i32
    %dma_wait3A_529 = arith.constant 0 : i32
    %dma_wait3A_530 = tpu.memref_slice %arg2[%dma_wait3A_528, %dma_wait3A_529] : memref<2600000x16xf32, #tpu.memory_space<hbm>> -> memref<2600000x16xf32, #tpu.memory_space<hbm>>
    tpu.wait_indirect_dma semaphore(%arg17 : memref<!tpu.dma_semaphore, #tpu.memory_space<semaphore_mem>>) src(%dma_wait3A_530 : memref<2600000x16xf32, #tpu.memory_space<hbm>>) dst(%dma_wait3A_525 : memref<128x16xf32, #tpu.memory_space<vmem>>)
    %dma_wait3A_531 = arith.constant 1408 : i32
    %dma_wait3A_532 = tpu.memref_slice %arg13[%dma_wait3A_531] : memref<3328xf32, #tpu.memory_space<vmem>> -> memref<128xf32, #tpu.memory_space<vmem>>
    %dma_wait3A_533 = arith.constant 1408 : i32
    %dma_wait3A_534 = tpu.memref_slice %arg9[%dma_wait3A_533] : memref<3328xi32, #tpu.memory_space<vmem>> -> memref<128xi32, #tpu.memory_space<vmem>>
    %dma_wait3A_535 = arith.constant 0 : i32
    %dma_wait3A_536 = tpu.memref_slice %arg3[%dma_wait3A_535] : memref<2600000xf32, #tpu.memory_space<hbm>> -> memref<2600000xf32, #tpu.memory_space<hbm>>
    tpu.wait_indirect_dma semaphore(%arg17 : memref<!tpu.dma_semaphore, #tpu.memory_space<semaphore_mem>>) src(%dma_wait3A_536 : memref<2600000xf32, #tpu.memory_space<hbm>>) dst(%dma_wait3A_532 : memref<128xf32, #tpu.memory_space<vmem>>)
    %dma_wait3A_537 = arith.constant 1536 : i32
    %dma_wait3A_538 = arith.constant 0 : i32
    %dma_wait3A_539 = tpu.memref_slice %arg12[%dma_wait3A_537, %dma_wait3A_538] : memref<3328x16xf32, #tpu.memory_space<vmem>> -> memref<128x16xf32, #tpu.memory_space<vmem>>
    %dma_wait3A_540 = arith.constant 1536 : i32
    %dma_wait3A_541 = tpu.memref_slice %arg9[%dma_wait3A_540] : memref<3328xi32, #tpu.memory_space<vmem>> -> memref<128xi32, #tpu.memory_space<vmem>>
    %dma_wait3A_542 = arith.constant 0 : i32
    %dma_wait3A_543 = arith.constant 0 : i32
    %dma_wait3A_544 = tpu.memref_slice %arg2[%dma_wait3A_542, %dma_wait3A_543] : memref<2600000x16xf32, #tpu.memory_space<hbm>> -> memref<2600000x16xf32, #tpu.memory_space<hbm>>
    tpu.wait_indirect_dma semaphore(%arg17 : memref<!tpu.dma_semaphore, #tpu.memory_space<semaphore_mem>>) src(%dma_wait3A_544 : memref<2600000x16xf32, #tpu.memory_space<hbm>>) dst(%dma_wait3A_539 : memref<128x16xf32, #tpu.memory_space<vmem>>)
    %dma_wait3A_545 = arith.constant 1536 : i32
    %dma_wait3A_546 = tpu.memref_slice %arg13[%dma_wait3A_545] : memref<3328xf32, #tpu.memory_space<vmem>> -> memref<128xf32, #tpu.memory_space<vmem>>
    %dma_wait3A_547 = arith.constant 1536 : i32
    %dma_wait3A_548 = tpu.memref_slice %arg9[%dma_wait3A_547] : memref<3328xi32, #tpu.memory_space<vmem>> -> memref<128xi32, #tpu.memory_space<vmem>>
    %dma_wait3A_549 = arith.constant 0 : i32
    %dma_wait3A_550 = tpu.memref_slice %arg3[%dma_wait3A_549] : memref<2600000xf32, #tpu.memory_space<hbm>> -> memref<2600000xf32, #tpu.memory_space<hbm>>
    tpu.wait_indirect_dma semaphore(%arg17 : memref<!tpu.dma_semaphore, #tpu.memory_space<semaphore_mem>>) src(%dma_wait3A_550 : memref<2600000xf32, #tpu.memory_space<hbm>>) dst(%dma_wait3A_546 : memref<128xf32, #tpu.memory_space<vmem>>)
    %dma_wait3A_551 = arith.constant 1664 : i32
    %dma_wait3A_552 = arith.constant 0 : i32
    %dma_wait3A_553 = tpu.memref_slice %arg12[%dma_wait3A_551, %dma_wait3A_552] : memref<3328x16xf32, #tpu.memory_space<vmem>> -> memref<128x16xf32, #tpu.memory_space<vmem>>
    %dma_wait3A_554 = arith.constant 1664 : i32
    %dma_wait3A_555 = tpu.memref_slice %arg9[%dma_wait3A_554] : memref<3328xi32, #tpu.memory_space<vmem>> -> memref<128xi32, #tpu.memory_space<vmem>>
    %dma_wait3A_556 = arith.constant 0 : i32
    %dma_wait3A_557 = arith.constant 0 : i32
    %dma_wait3A_558 = tpu.memref_slice %arg2[%dma_wait3A_556, %dma_wait3A_557] : memref<2600000x16xf32, #tpu.memory_space<hbm>> -> memref<2600000x16xf32, #tpu.memory_space<hbm>>
    tpu.wait_indirect_dma semaphore(%arg17 : memref<!tpu.dma_semaphore, #tpu.memory_space<semaphore_mem>>) src(%dma_wait3A_558 : memref<2600000x16xf32, #tpu.memory_space<hbm>>) dst(%dma_wait3A_553 : memref<128x16xf32, #tpu.memory_space<vmem>>)
    %dma_wait3A_559 = arith.constant 1664 : i32
    %dma_wait3A_560 = tpu.memref_slice %arg13[%dma_wait3A_559] : memref<3328xf32, #tpu.memory_space<vmem>> -> memref<128xf32, #tpu.memory_space<vmem>>
    %dma_wait3A_561 = arith.constant 1664 : i32
    %dma_wait3A_562 = tpu.memref_slice %arg9[%dma_wait3A_561] : memref<3328xi32, #tpu.memory_space<vmem>> -> memref<128xi32, #tpu.memory_space<vmem>>
    %dma_wait3A_563 = arith.constant 0 : i32
    %dma_wait3A_564 = tpu.memref_slice %arg3[%dma_wait3A_563] : memref<2600000xf32, #tpu.memory_space<hbm>> -> memref<2600000xf32, #tpu.memory_space<hbm>>
    tpu.wait_indirect_dma semaphore(%arg17 : memref<!tpu.dma_semaphore, #tpu.memory_space<semaphore_mem>>) src(%dma_wait3A_564 : memref<2600000xf32, #tpu.memory_space<hbm>>) dst(%dma_wait3A_560 : memref<128xf32, #tpu.memory_space<vmem>>)
    %dma_wait3A_565 = arith.constant 1792 : i32
    %dma_wait3A_566 = arith.constant 0 : i32
    %dma_wait3A_567 = tpu.memref_slice %arg12[%dma_wait3A_565, %dma_wait3A_566] : memref<3328x16xf32, #tpu.memory_space<vmem>> -> memref<128x16xf32, #tpu.memory_space<vmem>>
    %dma_wait3A_568 = arith.constant 1792 : i32
    %dma_wait3A_569 = tpu.memref_slice %arg9[%dma_wait3A_568] : memref<3328xi32, #tpu.memory_space<vmem>> -> memref<128xi32, #tpu.memory_space<vmem>>
    %dma_wait3A_570 = arith.constant 0 : i32
    %dma_wait3A_571 = arith.constant 0 : i32
    %dma_wait3A_572 = tpu.memref_slice %arg2[%dma_wait3A_570, %dma_wait3A_571] : memref<2600000x16xf32, #tpu.memory_space<hbm>> -> memref<2600000x16xf32, #tpu.memory_space<hbm>>
    tpu.wait_indirect_dma semaphore(%arg17 : memref<!tpu.dma_semaphore, #tpu.memory_space<semaphore_mem>>) src(%dma_wait3A_572 : memref<2600000x16xf32, #tpu.memory_space<hbm>>) dst(%dma_wait3A_567 : memref<128x16xf32, #tpu.memory_space<vmem>>)
    %dma_wait3A_573 = arith.constant 1792 : i32
    %dma_wait3A_574 = tpu.memref_slice %arg13[%dma_wait3A_573] : memref<3328xf32, #tpu.memory_space<vmem>> -> memref<128xf32, #tpu.memory_space<vmem>>
    %dma_wait3A_575 = arith.constant 1792 : i32
    %dma_wait3A_576 = tpu.memref_slice %arg9[%dma_wait3A_575] : memref<3328xi32, #tpu.memory_space<vmem>> -> memref<128xi32, #tpu.memory_space<vmem>>
    %dma_wait3A_577 = arith.constant 0 : i32
    %dma_wait3A_578 = tpu.memref_slice %arg3[%dma_wait3A_577] : memref<2600000xf32, #tpu.memory_space<hbm>> -> memref<2600000xf32, #tpu.memory_space<hbm>>
    tpu.wait_indirect_dma semaphore(%arg17 : memref<!tpu.dma_semaphore, #tpu.memory_space<semaphore_mem>>) src(%dma_wait3A_578 : memref<2600000xf32, #tpu.memory_space<hbm>>) dst(%dma_wait3A_574 : memref<128xf32, #tpu.memory_space<vmem>>)
    %dma_wait3A_579 = arith.constant 1920 : i32
    %dma_wait3A_580 = arith.constant 0 : i32
    %dma_wait3A_581 = tpu.memref_slice %arg12[%dma_wait3A_579, %dma_wait3A_580] : memref<3328x16xf32, #tpu.memory_space<vmem>> -> memref<128x16xf32, #tpu.memory_space<vmem>>
    %dma_wait3A_582 = arith.constant 1920 : i32
    %dma_wait3A_583 = tpu.memref_slice %arg9[%dma_wait3A_582] : memref<3328xi32, #tpu.memory_space<vmem>> -> memref<128xi32, #tpu.memory_space<vmem>>
    %dma_wait3A_584 = arith.constant 0 : i32
    %dma_wait3A_585 = arith.constant 0 : i32
    %dma_wait3A_586 = tpu.memref_slice %arg2[%dma_wait3A_584, %dma_wait3A_585] : memref<2600000x16xf32, #tpu.memory_space<hbm>> -> memref<2600000x16xf32, #tpu.memory_space<hbm>>
    tpu.wait_indirect_dma semaphore(%arg17 : memref<!tpu.dma_semaphore, #tpu.memory_space<semaphore_mem>>) src(%dma_wait3A_586 : memref<2600000x16xf32, #tpu.memory_space<hbm>>) dst(%dma_wait3A_581 : memref<128x16xf32, #tpu.memory_space<vmem>>)
    %dma_wait3A_587 = arith.constant 1920 : i32
    %dma_wait3A_588 = tpu.memref_slice %arg13[%dma_wait3A_587] : memref<3328xf32, #tpu.memory_space<vmem>> -> memref<128xf32, #tpu.memory_space<vmem>>
    %dma_wait3A_589 = arith.constant 1920 : i32
    %dma_wait3A_590 = tpu.memref_slice %arg9[%dma_wait3A_589] : memref<3328xi32, #tpu.memory_space<vmem>> -> memref<128xi32, #tpu.memory_space<vmem>>
    %dma_wait3A_591 = arith.constant 0 : i32
    %dma_wait3A_592 = tpu.memref_slice %arg3[%dma_wait3A_591] : memref<2600000xf32, #tpu.memory_space<hbm>> -> memref<2600000xf32, #tpu.memory_space<hbm>>
    tpu.wait_indirect_dma semaphore(%arg17 : memref<!tpu.dma_semaphore, #tpu.memory_space<semaphore_mem>>) src(%dma_wait3A_592 : memref<2600000xf32, #tpu.memory_space<hbm>>) dst(%dma_wait3A_588 : memref<128xf32, #tpu.memory_space<vmem>>)
    %dma_wait3A_593 = arith.constant 2048 : i32
    %dma_wait3A_594 = arith.constant 0 : i32
    %dma_wait3A_595 = tpu.memref_slice %arg12[%dma_wait3A_593, %dma_wait3A_594] : memref<3328x16xf32, #tpu.memory_space<vmem>> -> memref<128x16xf32, #tpu.memory_space<vmem>>
    %dma_wait3A_596 = arith.constant 2048 : i32
    %dma_wait3A_597 = tpu.memref_slice %arg9[%dma_wait3A_596] : memref<3328xi32, #tpu.memory_space<vmem>> -> memref<128xi32, #tpu.memory_space<vmem>>
    %dma_wait3A_598 = arith.constant 0 : i32
    %dma_wait3A_599 = arith.constant 0 : i32
    %dma_wait3A_600 = tpu.memref_slice %arg2[%dma_wait3A_598, %dma_wait3A_599] : memref<2600000x16xf32, #tpu.memory_space<hbm>> -> memref<2600000x16xf32, #tpu.memory_space<hbm>>
    tpu.wait_indirect_dma semaphore(%arg17 : memref<!tpu.dma_semaphore, #tpu.memory_space<semaphore_mem>>) src(%dma_wait3A_600 : memref<2600000x16xf32, #tpu.memory_space<hbm>>) dst(%dma_wait3A_595 : memref<128x16xf32, #tpu.memory_space<vmem>>)
    %dma_wait3A_601 = arith.constant 2048 : i32
    %dma_wait3A_602 = tpu.memref_slice %arg13[%dma_wait3A_601] : memref<3328xf32, #tpu.memory_space<vmem>> -> memref<128xf32, #tpu.memory_space<vmem>>
    %dma_wait3A_603 = arith.constant 2048 : i32
    %dma_wait3A_604 = tpu.memref_slice %arg9[%dma_wait3A_603] : memref<3328xi32, #tpu.memory_space<vmem>> -> memref<128xi32, #tpu.memory_space<vmem>>
    %dma_wait3A_605 = arith.constant 0 : i32
    %dma_wait3A_606 = tpu.memref_slice %arg3[%dma_wait3A_605] : memref<2600000xf32, #tpu.memory_space<hbm>> -> memref<2600000xf32, #tpu.memory_space<hbm>>
    tpu.wait_indirect_dma semaphore(%arg17 : memref<!tpu.dma_semaphore, #tpu.memory_space<semaphore_mem>>) src(%dma_wait3A_606 : memref<2600000xf32, #tpu.memory_space<hbm>>) dst(%dma_wait3A_602 : memref<128xf32, #tpu.memory_space<vmem>>)
    %dma_wait3A_607 = arith.constant 2176 : i32
    %dma_wait3A_608 = arith.constant 0 : i32
    %dma_wait3A_609 = tpu.memref_slice %arg12[%dma_wait3A_607, %dma_wait3A_608] : memref<3328x16xf32, #tpu.memory_space<vmem>> -> memref<128x16xf32, #tpu.memory_space<vmem>>
    %dma_wait3A_610 = arith.constant 2176 : i32
    %dma_wait3A_611 = tpu.memref_slice %arg9[%dma_wait3A_610] : memref<3328xi32, #tpu.memory_space<vmem>> -> memref<128xi32, #tpu.memory_space<vmem>>
    %dma_wait3A_612 = arith.constant 0 : i32
    %dma_wait3A_613 = arith.constant 0 : i32
    %dma_wait3A_614 = tpu.memref_slice %arg2[%dma_wait3A_612, %dma_wait3A_613] : memref<2600000x16xf32, #tpu.memory_space<hbm>> -> memref<2600000x16xf32, #tpu.memory_space<hbm>>
    tpu.wait_indirect_dma semaphore(%arg17 : memref<!tpu.dma_semaphore, #tpu.memory_space<semaphore_mem>>) src(%dma_wait3A_614 : memref<2600000x16xf32, #tpu.memory_space<hbm>>) dst(%dma_wait3A_609 : memref<128x16xf32, #tpu.memory_space<vmem>>)
    %dma_wait3A_615 = arith.constant 2176 : i32
    %dma_wait3A_616 = tpu.memref_slice %arg13[%dma_wait3A_615] : memref<3328xf32, #tpu.memory_space<vmem>> -> memref<128xf32, #tpu.memory_space<vmem>>
    %dma_wait3A_617 = arith.constant 2176 : i32
    %dma_wait3A_618 = tpu.memref_slice %arg9[%dma_wait3A_617] : memref<3328xi32, #tpu.memory_space<vmem>> -> memref<128xi32, #tpu.memory_space<vmem>>
    %dma_wait3A_619 = arith.constant 0 : i32
    %dma_wait3A_620 = tpu.memref_slice %arg3[%dma_wait3A_619] : memref<2600000xf32, #tpu.memory_space<hbm>> -> memref<2600000xf32, #tpu.memory_space<hbm>>
    tpu.wait_indirect_dma semaphore(%arg17 : memref<!tpu.dma_semaphore, #tpu.memory_space<semaphore_mem>>) src(%dma_wait3A_620 : memref<2600000xf32, #tpu.memory_space<hbm>>) dst(%dma_wait3A_616 : memref<128xf32, #tpu.memory_space<vmem>>)
    %dma_wait3A_621 = arith.constant 2304 : i32
    %dma_wait3A_622 = arith.constant 0 : i32
    %dma_wait3A_623 = tpu.memref_slice %arg12[%dma_wait3A_621, %dma_wait3A_622] : memref<3328x16xf32, #tpu.memory_space<vmem>> -> memref<128x16xf32, #tpu.memory_space<vmem>>
    %dma_wait3A_624 = arith.constant 2304 : i32
    %dma_wait3A_625 = tpu.memref_slice %arg9[%dma_wait3A_624] : memref<3328xi32, #tpu.memory_space<vmem>> -> memref<128xi32, #tpu.memory_space<vmem>>
    %dma_wait3A_626 = arith.constant 0 : i32
    %dma_wait3A_627 = arith.constant 0 : i32
    %dma_wait3A_628 = tpu.memref_slice %arg2[%dma_wait3A_626, %dma_wait3A_627] : memref<2600000x16xf32, #tpu.memory_space<hbm>> -> memref<2600000x16xf32, #tpu.memory_space<hbm>>
    tpu.wait_indirect_dma semaphore(%arg17 : memref<!tpu.dma_semaphore, #tpu.memory_space<semaphore_mem>>) src(%dma_wait3A_628 : memref<2600000x16xf32, #tpu.memory_space<hbm>>) dst(%dma_wait3A_623 : memref<128x16xf32, #tpu.memory_space<vmem>>)
    %dma_wait3A_629 = arith.constant 2304 : i32
    %dma_wait3A_630 = tpu.memref_slice %arg13[%dma_wait3A_629] : memref<3328xf32, #tpu.memory_space<vmem>> -> memref<128xf32, #tpu.memory_space<vmem>>
    %dma_wait3A_631 = arith.constant 2304 : i32
    %dma_wait3A_632 = tpu.memref_slice %arg9[%dma_wait3A_631] : memref<3328xi32, #tpu.memory_space<vmem>> -> memref<128xi32, #tpu.memory_space<vmem>>
    %dma_wait3A_633 = arith.constant 0 : i32
    %dma_wait3A_634 = tpu.memref_slice %arg3[%dma_wait3A_633] : memref<2600000xf32, #tpu.memory_space<hbm>> -> memref<2600000xf32, #tpu.memory_space<hbm>>
    tpu.wait_indirect_dma semaphore(%arg17 : memref<!tpu.dma_semaphore, #tpu.memory_space<semaphore_mem>>) src(%dma_wait3A_634 : memref<2600000xf32, #tpu.memory_space<hbm>>) dst(%dma_wait3A_630 : memref<128xf32, #tpu.memory_space<vmem>>)
    %dma_wait3A_635 = arith.constant 2432 : i32
    %dma_wait3A_636 = arith.constant 0 : i32
    %dma_wait3A_637 = tpu.memref_slice %arg12[%dma_wait3A_635, %dma_wait3A_636] : memref<3328x16xf32, #tpu.memory_space<vmem>> -> memref<128x16xf32, #tpu.memory_space<vmem>>
    %dma_wait3A_638 = arith.constant 2432 : i32
    %dma_wait3A_639 = tpu.memref_slice %arg9[%dma_wait3A_638] : memref<3328xi32, #tpu.memory_space<vmem>> -> memref<128xi32, #tpu.memory_space<vmem>>
    %dma_wait3A_640 = arith.constant 0 : i32
    %dma_wait3A_641 = arith.constant 0 : i32
    %dma_wait3A_642 = tpu.memref_slice %arg2[%dma_wait3A_640, %dma_wait3A_641] : memref<2600000x16xf32, #tpu.memory_space<hbm>> -> memref<2600000x16xf32, #tpu.memory_space<hbm>>
    tpu.wait_indirect_dma semaphore(%arg17 : memref<!tpu.dma_semaphore, #tpu.memory_space<semaphore_mem>>) src(%dma_wait3A_642 : memref<2600000x16xf32, #tpu.memory_space<hbm>>) dst(%dma_wait3A_637 : memref<128x16xf32, #tpu.memory_space<vmem>>)
    %dma_wait3A_643 = arith.constant 2432 : i32
    %dma_wait3A_644 = tpu.memref_slice %arg13[%dma_wait3A_643] : memref<3328xf32, #tpu.memory_space<vmem>> -> memref<128xf32, #tpu.memory_space<vmem>>
    %dma_wait3A_645 = arith.constant 2432 : i32
    %dma_wait3A_646 = tpu.memref_slice %arg9[%dma_wait3A_645] : memref<3328xi32, #tpu.memory_space<vmem>> -> memref<128xi32, #tpu.memory_space<vmem>>
    %dma_wait3A_647 = arith.constant 0 : i32
    %dma_wait3A_648 = tpu.memref_slice %arg3[%dma_wait3A_647] : memref<2600000xf32, #tpu.memory_space<hbm>> -> memref<2600000xf32, #tpu.memory_space<hbm>>
    tpu.wait_indirect_dma semaphore(%arg17 : memref<!tpu.dma_semaphore, #tpu.memory_space<semaphore_mem>>) src(%dma_wait3A_648 : memref<2600000xf32, #tpu.memory_space<hbm>>) dst(%dma_wait3A_644 : memref<128xf32, #tpu.memory_space<vmem>>)
    %dma_wait3A_649 = arith.constant 2560 : i32
    %dma_wait3A_650 = arith.constant 0 : i32
    %dma_wait3A_651 = tpu.memref_slice %arg12[%dma_wait3A_649, %dma_wait3A_650] : memref<3328x16xf32, #tpu.memory_space<vmem>> -> memref<128x16xf32, #tpu.memory_space<vmem>>
    %dma_wait3A_652 = arith.constant 2560 : i32
    %dma_wait3A_653 = tpu.memref_slice %arg9[%dma_wait3A_652] : memref<3328xi32, #tpu.memory_space<vmem>> -> memref<128xi32, #tpu.memory_space<vmem>>
    %dma_wait3A_654 = arith.constant 0 : i32
    %dma_wait3A_655 = arith.constant 0 : i32
    %dma_wait3A_656 = tpu.memref_slice %arg2[%dma_wait3A_654, %dma_wait3A_655] : memref<2600000x16xf32, #tpu.memory_space<hbm>> -> memref<2600000x16xf32, #tpu.memory_space<hbm>>
    tpu.wait_indirect_dma semaphore(%arg17 : memref<!tpu.dma_semaphore, #tpu.memory_space<semaphore_mem>>) src(%dma_wait3A_656 : memref<2600000x16xf32, #tpu.memory_space<hbm>>) dst(%dma_wait3A_651 : memref<128x16xf32, #tpu.memory_space<vmem>>)
    %dma_wait3A_657 = arith.constant 2560 : i32
    %dma_wait3A_658 = tpu.memref_slice %arg13[%dma_wait3A_657] : memref<3328xf32, #tpu.memory_space<vmem>> -> memref<128xf32, #tpu.memory_space<vmem>>
    %dma_wait3A_659 = arith.constant 2560 : i32
    %dma_wait3A_660 = tpu.memref_slice %arg9[%dma_wait3A_659] : memref<3328xi32, #tpu.memory_space<vmem>> -> memref<128xi32, #tpu.memory_space<vmem>>
    %dma_wait3A_661 = arith.constant 0 : i32
    %dma_wait3A_662 = tpu.memref_slice %arg3[%dma_wait3A_661] : memref<2600000xf32, #tpu.memory_space<hbm>> -> memref<2600000xf32, #tpu.memory_space<hbm>>
    tpu.wait_indirect_dma semaphore(%arg17 : memref<!tpu.dma_semaphore, #tpu.memory_space<semaphore_mem>>) src(%dma_wait3A_662 : memref<2600000xf32, #tpu.memory_space<hbm>>) dst(%dma_wait3A_658 : memref<128xf32, #tpu.memory_space<vmem>>)
    %dma_wait3A_663 = arith.constant 2688 : i32
    %dma_wait3A_664 = arith.constant 0 : i32
    %dma_wait3A_665 = tpu.memref_slice %arg12[%dma_wait3A_663, %dma_wait3A_664] : memref<3328x16xf32, #tpu.memory_space<vmem>> -> memref<128x16xf32, #tpu.memory_space<vmem>>
    %dma_wait3A_666 = arith.constant 2688 : i32
    %dma_wait3A_667 = tpu.memref_slice %arg9[%dma_wait3A_666] : memref<3328xi32, #tpu.memory_space<vmem>> -> memref<128xi32, #tpu.memory_space<vmem>>
    %dma_wait3A_668 = arith.constant 0 : i32
    %dma_wait3A_669 = arith.constant 0 : i32
    %dma_wait3A_670 = tpu.memref_slice %arg2[%dma_wait3A_668, %dma_wait3A_669] : memref<2600000x16xf32, #tpu.memory_space<hbm>> -> memref<2600000x16xf32, #tpu.memory_space<hbm>>
    tpu.wait_indirect_dma semaphore(%arg17 : memref<!tpu.dma_semaphore, #tpu.memory_space<semaphore_mem>>) src(%dma_wait3A_670 : memref<2600000x16xf32, #tpu.memory_space<hbm>>) dst(%dma_wait3A_665 : memref<128x16xf32, #tpu.memory_space<vmem>>)
    %dma_wait3A_671 = arith.constant 2688 : i32
    %dma_wait3A_672 = tpu.memref_slice %arg13[%dma_wait3A_671] : memref<3328xf32, #tpu.memory_space<vmem>> -> memref<128xf32, #tpu.memory_space<vmem>>
    %dma_wait3A_673 = arith.constant 2688 : i32
    %dma_wait3A_674 = tpu.memref_slice %arg9[%dma_wait3A_673] : memref<3328xi32, #tpu.memory_space<vmem>> -> memref<128xi32, #tpu.memory_space<vmem>>
    %dma_wait3A_675 = arith.constant 0 : i32
    %dma_wait3A_676 = tpu.memref_slice %arg3[%dma_wait3A_675] : memref<2600000xf32, #tpu.memory_space<hbm>> -> memref<2600000xf32, #tpu.memory_space<hbm>>
    tpu.wait_indirect_dma semaphore(%arg17 : memref<!tpu.dma_semaphore, #tpu.memory_space<semaphore_mem>>) src(%dma_wait3A_676 : memref<2600000xf32, #tpu.memory_space<hbm>>) dst(%dma_wait3A_672 : memref<128xf32, #tpu.memory_space<vmem>>)
    %dma_wait3A_677 = arith.constant 2816 : i32
    %dma_wait3A_678 = arith.constant 0 : i32
    %dma_wait3A_679 = tpu.memref_slice %arg12[%dma_wait3A_677, %dma_wait3A_678] : memref<3328x16xf32, #tpu.memory_space<vmem>> -> memref<128x16xf32, #tpu.memory_space<vmem>>
    %dma_wait3A_680 = arith.constant 2816 : i32
    %dma_wait3A_681 = tpu.memref_slice %arg9[%dma_wait3A_680] : memref<3328xi32, #tpu.memory_space<vmem>> -> memref<128xi32, #tpu.memory_space<vmem>>
    %dma_wait3A_682 = arith.constant 0 : i32
    %dma_wait3A_683 = arith.constant 0 : i32
    %dma_wait3A_684 = tpu.memref_slice %arg2[%dma_wait3A_682, %dma_wait3A_683] : memref<2600000x16xf32, #tpu.memory_space<hbm>> -> memref<2600000x16xf32, #tpu.memory_space<hbm>>
    tpu.wait_indirect_dma semaphore(%arg17 : memref<!tpu.dma_semaphore, #tpu.memory_space<semaphore_mem>>) src(%dma_wait3A_684 : memref<2600000x16xf32, #tpu.memory_space<hbm>>) dst(%dma_wait3A_679 : memref<128x16xf32, #tpu.memory_space<vmem>>)
    %dma_wait3A_685 = arith.constant 2816 : i32
    %dma_wait3A_686 = tpu.memref_slice %arg13[%dma_wait3A_685] : memref<3328xf32, #tpu.memory_space<vmem>> -> memref<128xf32, #tpu.memory_space<vmem>>
    %dma_wait3A_687 = arith.constant 2816 : i32
    %dma_wait3A_688 = tpu.memref_slice %arg9[%dma_wait3A_687] : memref<3328xi32, #tpu.memory_space<vmem>> -> memref<128xi32, #tpu.memory_space<vmem>>
    %dma_wait3A_689 = arith.constant 0 : i32
    %dma_wait3A_690 = tpu.memref_slice %arg3[%dma_wait3A_689] : memref<2600000xf32, #tpu.memory_space<hbm>> -> memref<2600000xf32, #tpu.memory_space<hbm>>
    tpu.wait_indirect_dma semaphore(%arg17 : memref<!tpu.dma_semaphore, #tpu.memory_space<semaphore_mem>>) src(%dma_wait3A_690 : memref<2600000xf32, #tpu.memory_space<hbm>>) dst(%dma_wait3A_686 : memref<128xf32, #tpu.memory_space<vmem>>)
    %dma_wait3A_691 = arith.constant 2944 : i32
    %dma_wait3A_692 = arith.constant 0 : i32
    %dma_wait3A_693 = tpu.memref_slice %arg12[%dma_wait3A_691, %dma_wait3A_692] : memref<3328x16xf32, #tpu.memory_space<vmem>> -> memref<128x16xf32, #tpu.memory_space<vmem>>
    %dma_wait3A_694 = arith.constant 2944 : i32
    %dma_wait3A_695 = tpu.memref_slice %arg9[%dma_wait3A_694] : memref<3328xi32, #tpu.memory_space<vmem>> -> memref<128xi32, #tpu.memory_space<vmem>>
    %dma_wait3A_696 = arith.constant 0 : i32
    %dma_wait3A_697 = arith.constant 0 : i32
    %dma_wait3A_698 = tpu.memref_slice %arg2[%dma_wait3A_696, %dma_wait3A_697] : memref<2600000x16xf32, #tpu.memory_space<hbm>> -> memref<2600000x16xf32, #tpu.memory_space<hbm>>
    tpu.wait_indirect_dma semaphore(%arg17 : memref<!tpu.dma_semaphore, #tpu.memory_space<semaphore_mem>>) src(%dma_wait3A_698 : memref<2600000x16xf32, #tpu.memory_space<hbm>>) dst(%dma_wait3A_693 : memref<128x16xf32, #tpu.memory_space<vmem>>)
    %dma_wait3A_699 = arith.constant 2944 : i32
    %dma_wait3A_700 = tpu.memref_slice %arg13[%dma_wait3A_699] : memref<3328xf32, #tpu.memory_space<vmem>> -> memref<128xf32, #tpu.memory_space<vmem>>
    %dma_wait3A_701 = arith.constant 2944 : i32
    %dma_wait3A_702 = tpu.memref_slice %arg9[%dma_wait3A_701] : memref<3328xi32, #tpu.memory_space<vmem>> -> memref<128xi32, #tpu.memory_space<vmem>>
    %dma_wait3A_703 = arith.constant 0 : i32
    %dma_wait3A_704 = tpu.memref_slice %arg3[%dma_wait3A_703] : memref<2600000xf32, #tpu.memory_space<hbm>> -> memref<2600000xf32, #tpu.memory_space<hbm>>
    tpu.wait_indirect_dma semaphore(%arg17 : memref<!tpu.dma_semaphore, #tpu.memory_space<semaphore_mem>>) src(%dma_wait3A_704 : memref<2600000xf32, #tpu.memory_space<hbm>>) dst(%dma_wait3A_700 : memref<128xf32, #tpu.memory_space<vmem>>)
    %dma_wait3A_705 = arith.constant 3072 : i32
    %dma_wait3A_706 = arith.constant 0 : i32
    %dma_wait3A_707 = tpu.memref_slice %arg12[%dma_wait3A_705, %dma_wait3A_706] : memref<3328x16xf32, #tpu.memory_space<vmem>> -> memref<128x16xf32, #tpu.memory_space<vmem>>
    %dma_wait3A_708 = arith.constant 3072 : i32
    %dma_wait3A_709 = tpu.memref_slice %arg9[%dma_wait3A_708] : memref<3328xi32, #tpu.memory_space<vmem>> -> memref<128xi32, #tpu.memory_space<vmem>>
    %dma_wait3A_710 = arith.constant 0 : i32
    %dma_wait3A_711 = arith.constant 0 : i32
    %dma_wait3A_712 = tpu.memref_slice %arg2[%dma_wait3A_710, %dma_wait3A_711] : memref<2600000x16xf32, #tpu.memory_space<hbm>> -> memref<2600000x16xf32, #tpu.memory_space<hbm>>
    tpu.wait_indirect_dma semaphore(%arg17 : memref<!tpu.dma_semaphore, #tpu.memory_space<semaphore_mem>>) src(%dma_wait3A_712 : memref<2600000x16xf32, #tpu.memory_space<hbm>>) dst(%dma_wait3A_707 : memref<128x16xf32, #tpu.memory_space<vmem>>)
    %dma_wait3A_713 = arith.constant 3072 : i32
    %dma_wait3A_714 = tpu.memref_slice %arg13[%dma_wait3A_713] : memref<3328xf32, #tpu.memory_space<vmem>> -> memref<128xf32, #tpu.memory_space<vmem>>
    %dma_wait3A_715 = arith.constant 3072 : i32
    %dma_wait3A_716 = tpu.memref_slice %arg9[%dma_wait3A_715] : memref<3328xi32, #tpu.memory_space<vmem>> -> memref<128xi32, #tpu.memory_space<vmem>>
    %dma_wait3A_717 = arith.constant 0 : i32
    %dma_wait3A_718 = tpu.memref_slice %arg3[%dma_wait3A_717] : memref<2600000xf32, #tpu.memory_space<hbm>> -> memref<2600000xf32, #tpu.memory_space<hbm>>
    tpu.wait_indirect_dma semaphore(%arg17 : memref<!tpu.dma_semaphore, #tpu.memory_space<semaphore_mem>>) src(%dma_wait3A_718 : memref<2600000xf32, #tpu.memory_space<hbm>>) dst(%dma_wait3A_714 : memref<128xf32, #tpu.memory_space<vmem>>)
    %dma_wait3A_719 = arith.constant 3200 : i32
    %dma_wait3A_720 = arith.constant 0 : i32
    %dma_wait3A_721 = tpu.memref_slice %arg12[%dma_wait3A_719, %dma_wait3A_720] : memref<3328x16xf32, #tpu.memory_space<vmem>> -> memref<128x16xf32, #tpu.memory_space<vmem>>
    %dma_wait3A_722 = arith.constant 3200 : i32
    %dma_wait3A_723 = tpu.memref_slice %arg9[%dma_wait3A_722] : memref<3328xi32, #tpu.memory_space<vmem>> -> memref<128xi32, #tpu.memory_space<vmem>>
    %dma_wait3A_724 = arith.constant 0 : i32
    %dma_wait3A_725 = arith.constant 0 : i32
    %dma_wait3A_726 = tpu.memref_slice %arg2[%dma_wait3A_724, %dma_wait3A_725] : memref<2600000x16xf32, #tpu.memory_space<hbm>> -> memref<2600000x16xf32, #tpu.memory_space<hbm>>
    tpu.wait_indirect_dma semaphore(%arg17 : memref<!tpu.dma_semaphore, #tpu.memory_space<semaphore_mem>>) src(%dma_wait3A_726 : memref<2600000x16xf32, #tpu.memory_space<hbm>>) dst(%dma_wait3A_721 : memref<128x16xf32, #tpu.memory_space<vmem>>)
    %dma_wait3A_727 = arith.constant 3200 : i32
    %dma_wait3A_728 = tpu.memref_slice %arg13[%dma_wait3A_727] : memref<3328xf32, #tpu.memory_space<vmem>> -> memref<128xf32, #tpu.memory_space<vmem>>
    %dma_wait3A_729 = arith.constant 3200 : i32
    %dma_wait3A_730 = tpu.memref_slice %arg9[%dma_wait3A_729] : memref<3328xi32, #tpu.memory_space<vmem>> -> memref<128xi32, #tpu.memory_space<vmem>>
    %dma_wait3A_731 = arith.constant 0 : i32
    %dma_wait3A_732 = tpu.memref_slice %arg3[%dma_wait3A_731] : memref<2600000xf32, #tpu.memory_space<hbm>> -> memref<2600000xf32, #tpu.memory_space<hbm>>
    tpu.wait_indirect_dma semaphore(%arg17 : memref<!tpu.dma_semaphore, #tpu.memory_space<semaphore_mem>>) src(%dma_wait3A_732 : memref<2600000xf32, #tpu.memory_space<hbm>>) dst(%dma_wait3A_728 : memref<128xf32, #tpu.memory_space<vmem>>)
    %iota3A = tpu.iota {dimensions = array<i32: 0>} : vector<16xi32>
    %broadcast_in_dim3A = arith.constant 0.000000e+00 : f32
    %broadcast_in_dim3A_733 = vector.broadcast %broadcast_in_dim3A : f32 to vector<16xf32>
    %scan3A = arith.constant 0 : i32
    %scan3A_734 = arith.constant 0 : i32
    %scan3A_735 = arith.constant 8 : i32
    %scan3A_736 = arith.addi %scan3A_734, %scan3A_735 : i32
    %scan3A_737 = arith.constant 1 : i32
    %scan3A_738 = scf.for %scan3A_748 = %scan3A_734 to %scan3A_736 step %scan3A_737 iter_args(%scan3A_749 = %scan3A) -> (i32)  : i32 {
      %mul3A_750 = arith.constant 16 : i32
      %mul3A_751 = arith.muli %scan3A_748, %mul3A_750 : i32
      %add3A_752 = arith.constant 0 : i32
      %add3A_753 = arith.addi %add3A_752, %mul3A_751 : i32
      %get3A = arith.index_cast %add3A_753 : i32 to index
      %get3A_754 = tpu.vector_load %arg13[%get3A] {strides = array<i32>} : memref<3328xf32, #tpu.memory_space<vmem>>, vector<16xf32>,
      %get3A_755 = arith.index_cast %add3A_753 : i32 to index
      %get3A_756 = tpu.vector_load %arg11[%get3A_755] {strides = array<i32>} : memref<3328xf32, #tpu.memory_space<vmem>>, vector<16xf32>,
      %mul3A_757 = arith.mulf %get3A_754, %get3A_756 : vector<16xf32>
      %add3A_758 = arith.addf %broadcast_in_dim3A_733, %mul3A_757 : vector<16xf32>
      %add3A_759 = arith.constant 128 : i32
      %add3A_760 = arith.addi %add3A_759, %mul3A_751 : i32
      %get3A_761 = arith.index_cast %add3A_760 : i32 to index
      %get3A_762 = tpu.vector_load %arg13[%get3A_761] {strides = array<i32>} : memref<3328xf32, #tpu.memory_space<vmem>>, vector<16xf32>,
      %get3A_763 = arith.index_cast %add3A_760 : i32 to index
      %get3A_764 = tpu.vector_load %arg11[%get3A_763] {strides = array<i32>} : memref<3328xf32, #tpu.memory_space<vmem>>, vector<16xf32>,
      %mul3A_765 = arith.mulf %get3A_762, %get3A_764 : vector<16xf32>
      %add3A_766 = arith.addf %add3A_758, %mul3A_765 : vector<16xf32>
      %add3A_767 = arith.constant 256 : i32
      %add3A_768 = arith.addi %add3A_767, %mul3A_751 : i32
      %get3A_769 = arith.index_cast %add3A_768 : i32 to index
      %get3A_770 = tpu.vector_load %arg13[%get3A_769] {strides = array<i32>} : memref<3328xf32, #tpu.memory_space<vmem>>, vector<16xf32>,
      %get3A_771 = arith.index_cast %add3A_768 : i32 to index
      %get3A_772 = tpu.vector_load %arg11[%get3A_771] {strides = array<i32>} : memref<3328xf32, #tpu.memory_space<vmem>>, vector<16xf32>,
      %mul3A_773 = arith.mulf %get3A_770, %get3A_772 : vector<16xf32>
      %add3A_774 = arith.addf %add3A_766, %mul3A_773 : vector<16xf32>
      %add3A_775 = arith.constant 384 : i32
      %add3A_776 = arith.addi %add3A_775, %mul3A_751 : i32
      %get3A_777 = arith.index_cast %add3A_776 : i32 to index
      %get3A_778 = tpu.vector_load %arg13[%get3A_777] {strides = array<i32>} : memref<3328xf32, #tpu.memory_space<vmem>>, vector<16xf32>,
      %get3A_779 = arith.index_cast %add3A_776 : i32 to index
      %get3A_780 = tpu.vector_load %arg11[%get3A_779] {strides = array<i32>} : memref<3328xf32, #tpu.memory_space<vmem>>, vector<16xf32>,
      %mul3A_781 = arith.mulf %get3A_778, %get3A_780 : vector<16xf32>
      %add3A_782 = arith.addf %add3A_774, %mul3A_781 : vector<16xf32>
      %add3A_783 = arith.constant 512 : i32
      %add3A_784 = arith.addi %add3A_783, %mul3A_751 : i32
      %get3A_785 = arith.index_cast %add3A_784 : i32 to index
      %get3A_786 = tpu.vector_load %arg13[%get3A_785] {strides = array<i32>} : memref<3328xf32, #tpu.memory_space<vmem>>, vector<16xf32>,
      %get3A_787 = arith.index_cast %add3A_784 : i32 to index
      %get3A_788 = tpu.vector_load %arg11[%get3A_787] {strides = array<i32>} : memref<3328xf32, #tpu.memory_space<vmem>>, vector<16xf32>,
      %mul3A_789 = arith.mulf %get3A_786, %get3A_788 : vector<16xf32>
      %add3A_790 = arith.addf %add3A_782, %mul3A_789 : vector<16xf32>
      %add3A_791 = arith.constant 640 : i32
      %add3A_792 = arith.addi %add3A_791, %mul3A_751 : i32
      %get3A_793 = arith.index_cast %add3A_792 : i32 to index
      %get3A_794 = tpu.vector_load %arg13[%get3A_793] {strides = array<i32>} : memref<3328xf32, #tpu.memory_space<vmem>>, vector<16xf32>,
      %get3A_795 = arith.index_cast %add3A_792 : i32 to index
      %get3A_796 = tpu.vector_load %arg11[%get3A_795] {strides = array<i32>} : memref<3328xf32, #tpu.memory_space<vmem>>, vector<16xf32>,
      %mul3A_797 = arith.mulf %get3A_794, %get3A_796 : vector<16xf32>
      %add3A_798 = arith.addf %add3A_790, %mul3A_797 : vector<16xf32>
      %add3A_799 = arith.constant 768 : i32
      %add3A_800 = arith.addi %add3A_799, %mul3A_751 : i32
      %get3A_801 = arith.index_cast %add3A_800 : i32 to index
      %get3A_802 = tpu.vector_load %arg13[%get3A_801] {strides = array<i32>} : memref<3328xf32, #tpu.memory_space<vmem>>, vector<16xf32>,
      %get3A_803 = arith.index_cast %add3A_800 : i32 to index
      %get3A_804 = tpu.vector_load %arg11[%get3A_803] {strides = array<i32>} : memref<3328xf32, #tpu.memory_space<vmem>>, vector<16xf32>,
      %mul3A_805 = arith.mulf %get3A_802, %get3A_804 : vector<16xf32>
      %add3A_806 = arith.addf %add3A_798, %mul3A_805 : vector<16xf32>
      %add3A_807 = arith.constant 896 : i32
      %add3A_808 = arith.addi %add3A_807, %mul3A_751 : i32
      %get3A_809 = arith.index_cast %add3A_808 : i32 to index
      %get3A_810 = tpu.vector_load %arg13[%get3A_809] {strides = array<i32>} : memref<3328xf32, #tpu.memory_space<vmem>>, vector<16xf32>,
      %get3A_811 = arith.index_cast %add3A_808 : i32 to index
      %get3A_812 = tpu.vector_load %arg11[%get3A_811] {strides = array<i32>} : memref<3328xf32, #tpu.memory_space<vmem>>, vector<16xf32>,
      %mul3A_813 = arith.mulf %get3A_810, %get3A_812 : vector<16xf32>
      %add3A_814 = arith.addf %add3A_806, %mul3A_813 : vector<16xf32>
      %add3A_815 = arith.constant 1024 : i32
      %add3A_816 = arith.addi %add3A_815, %mul3A_751 : i32
      %get3A_817 = arith.index_cast %add3A_816 : i32 to index
      %get3A_818 = tpu.vector_load %arg13[%get3A_817] {strides = array<i32>} : memref<3328xf32, #tpu.memory_space<vmem>>, vector<16xf32>,
      %get3A_819 = arith.index_cast %add3A_816 : i32 to index
      %get3A_820 = tpu.vector_load %arg11[%get3A_819] {strides = array<i32>} : memref<3328xf32, #tpu.memory_space<vmem>>, vector<16xf32>,
      %mul3A_821 = arith.mulf %get3A_818, %get3A_820 : vector<16xf32>
      %add3A_822 = arith.addf %add3A_814, %mul3A_821 : vector<16xf32>
      %add3A_823 = arith.constant 1152 : i32
      %add3A_824 = arith.addi %add3A_823, %mul3A_751 : i32
      %get3A_825 = arith.index_cast %add3A_824 : i32 to index
      %get3A_826 = tpu.vector_load %arg13[%get3A_825] {strides = array<i32>} : memref<3328xf32, #tpu.memory_space<vmem>>, vector<16xf32>,
      %get3A_827 = arith.index_cast %add3A_824 : i32 to index
      %get3A_828 = tpu.vector_load %arg11[%get3A_827] {strides = array<i32>} : memref<3328xf32, #tpu.memory_space<vmem>>, vector<16xf32>,
      %mul3A_829 = arith.mulf %get3A_826, %get3A_828 : vector<16xf32>
      %add3A_830 = arith.addf %add3A_822, %mul3A_829 : vector<16xf32>
      %add3A_831 = arith.constant 1280 : i32
      %add3A_832 = arith.addi %add3A_831, %mul3A_751 : i32
      %get3A_833 = arith.index_cast %add3A_832 : i32 to index
      %get3A_834 = tpu.vector_load %arg13[%get3A_833] {strides = array<i32>} : memref<3328xf32, #tpu.memory_space<vmem>>, vector<16xf32>,
      %get3A_835 = arith.index_cast %add3A_832 : i32 to index
      %get3A_836 = tpu.vector_load %arg11[%get3A_835] {strides = array<i32>} : memref<3328xf32, #tpu.memory_space<vmem>>, vector<16xf32>,
      %mul3A_837 = arith.mulf %get3A_834, %get3A_836 : vector<16xf32>
      %add3A_838 = arith.addf %add3A_830, %mul3A_837 : vector<16xf32>
      %add3A_839 = arith.constant 1408 : i32
      %add3A_840 = arith.addi %add3A_839, %mul3A_751 : i32
      %get3A_841 = arith.index_cast %add3A_840 : i32 to index
      %get3A_842 = tpu.vector_load %arg13[%get3A_841] {strides = array<i32>} : memref<3328xf32, #tpu.memory_space<vmem>>, vector<16xf32>,
      %get3A_843 = arith.index_cast %add3A_840 : i32 to index
      %get3A_844 = tpu.vector_load %arg11[%get3A_843] {strides = array<i32>} : memref<3328xf32, #tpu.memory_space<vmem>>, vector<16xf32>,
      %mul3A_845 = arith.mulf %get3A_842, %get3A_844 : vector<16xf32>
      %add3A_846 = arith.addf %add3A_838, %mul3A_845 : vector<16xf32>
      %add3A_847 = arith.constant 1536 : i32
      %add3A_848 = arith.addi %add3A_847, %mul3A_751 : i32
      %get3A_849 = arith.index_cast %add3A_848 : i32 to index
      %get3A_850 = tpu.vector_load %arg13[%get3A_849] {strides = array<i32>} : memref<3328xf32, #tpu.memory_space<vmem>>, vector<16xf32>,
      %get3A_851 = arith.index_cast %add3A_848 : i32 to index
      %get3A_852 = tpu.vector_load %arg11[%get3A_851] {strides = array<i32>} : memref<3328xf32, #tpu.memory_space<vmem>>, vector<16xf32>,
      %mul3A_853 = arith.mulf %get3A_850, %get3A_852 : vector<16xf32>
      %add3A_854 = arith.addf %add3A_846, %mul3A_853 : vector<16xf32>
      %add3A_855 = arith.constant 1664 : i32
      %add3A_856 = arith.addi %add3A_855, %mul3A_751 : i32
      %get3A_857 = arith.index_cast %add3A_856 : i32 to index
      %get3A_858 = tpu.vector_load %arg13[%get3A_857] {strides = array<i32>} : memref<3328xf32, #tpu.memory_space<vmem>>, vector<16xf32>,
      %get3A_859 = arith.index_cast %add3A_856 : i32 to index
      %get3A_860 = tpu.vector_load %arg11[%get3A_859] {strides = array<i32>} : memref<3328xf32, #tpu.memory_space<vmem>>, vector<16xf32>,
      %mul3A_861 = arith.mulf %get3A_858, %get3A_860 : vector<16xf32>
      %add3A_862 = arith.addf %add3A_854, %mul3A_861 : vector<16xf32>
      %add3A_863 = arith.constant 1792 : i32
      %add3A_864 = arith.addi %add3A_863, %mul3A_751 : i32
      %get3A_865 = arith.index_cast %add3A_864 : i32 to index
      %get3A_866 = tpu.vector_load %arg13[%get3A_865] {strides = array<i32>} : memref<3328xf32, #tpu.memory_space<vmem>>, vector<16xf32>,
      %get3A_867 = arith.index_cast %add3A_864 : i32 to index
      %get3A_868 = tpu.vector_load %arg11[%get3A_867] {strides = array<i32>} : memref<3328xf32, #tpu.memory_space<vmem>>, vector<16xf32>,
      %mul3A_869 = arith.mulf %get3A_866, %get3A_868 : vector<16xf32>
      %add3A_870 = arith.addf %add3A_862, %mul3A_869 : vector<16xf32>
      %add3A_871 = arith.constant 1920 : i32
      %add3A_872 = arith.addi %add3A_871, %mul3A_751 : i32
      %get3A_873 = arith.index_cast %add3A_872 : i32 to index
      %get3A_874 = tpu.vector_load %arg13[%get3A_873] {strides = array<i32>} : memref<3328xf32, #tpu.memory_space<vmem>>, vector<16xf32>,
      %get3A_875 = arith.index_cast %add3A_872 : i32 to index
      %get3A_876 = tpu.vector_load %arg11[%get3A_875] {strides = array<i32>} : memref<3328xf32, #tpu.memory_space<vmem>>, vector<16xf32>,
      %mul3A_877 = arith.mulf %get3A_874, %get3A_876 : vector<16xf32>
      %add3A_878 = arith.addf %add3A_870, %mul3A_877 : vector<16xf32>
      %add3A_879 = arith.constant 2048 : i32
      %add3A_880 = arith.addi %add3A_879, %mul3A_751 : i32
      %get3A_881 = arith.index_cast %add3A_880 : i32 to index
      %get3A_882 = tpu.vector_load %arg13[%get3A_881] {strides = array<i32>} : memref<3328xf32, #tpu.memory_space<vmem>>, vector<16xf32>,
      %get3A_883 = arith.index_cast %add3A_880 : i32 to index
      %get3A_884 = tpu.vector_load %arg11[%get3A_883] {strides = array<i32>} : memref<3328xf32, #tpu.memory_space<vmem>>, vector<16xf32>,
      %mul3A_885 = arith.mulf %get3A_882, %get3A_884 : vector<16xf32>
      %add3A_886 = arith.addf %add3A_878, %mul3A_885 : vector<16xf32>
      %add3A_887 = arith.constant 2176 : i32
      %add3A_888 = arith.addi %add3A_887, %mul3A_751 : i32
      %get3A_889 = arith.index_cast %add3A_888 : i32 to index
      %get3A_890 = tpu.vector_load %arg13[%get3A_889] {strides = array<i32>} : memref<3328xf32, #tpu.memory_space<vmem>>, vector<16xf32>,
      %get3A_891 = arith.index_cast %add3A_888 : i32 to index
      %get3A_892 = tpu.vector_load %arg11[%get3A_891] {strides = array<i32>} : memref<3328xf32, #tpu.memory_space<vmem>>, vector<16xf32>,
      %mul3A_893 = arith.mulf %get3A_890, %get3A_892 : vector<16xf32>
      %add3A_894 = arith.addf %add3A_886, %mul3A_893 : vector<16xf32>
      %add3A_895 = arith.constant 2304 : i32
      %add3A_896 = arith.addi %add3A_895, %mul3A_751 : i32
      %get3A_897 = arith.index_cast %add3A_896 : i32 to index
      %get3A_898 = tpu.vector_load %arg13[%get3A_897] {strides = array<i32>} : memref<3328xf32, #tpu.memory_space<vmem>>, vector<16xf32>,
      %get3A_899 = arith.index_cast %add3A_896 : i32 to index
      %get3A_900 = tpu.vector_load %arg11[%get3A_899] {strides = array<i32>} : memref<3328xf32, #tpu.memory_space<vmem>>, vector<16xf32>,
      %mul3A_901 = arith.mulf %get3A_898, %get3A_900 : vector<16xf32>
      %add3A_902 = arith.addf %add3A_894, %mul3A_901 : vector<16xf32>
      %add3A_903 = arith.constant 2432 : i32
      %add3A_904 = arith.addi %add3A_903, %mul3A_751 : i32
      %get3A_905 = arith.index_cast %add3A_904 : i32 to index
      %get3A_906 = tpu.vector_load %arg13[%get3A_905] {strides = array<i32>} : memref<3328xf32, #tpu.memory_space<vmem>>, vector<16xf32>,
      %get3A_907 = arith.index_cast %add3A_904 : i32 to index
      %get3A_908 = tpu.vector_load %arg11[%get3A_907] {strides = array<i32>} : memref<3328xf32, #tpu.memory_space<vmem>>, vector<16xf32>,
      %mul3A_909 = arith.mulf %get3A_906, %get3A_908 : vector<16xf32>
      %add3A_910 = arith.addf %add3A_902, %mul3A_909 : vector<16xf32>
      %add3A_911 = arith.constant 2560 : i32
      %add3A_912 = arith.addi %add3A_911, %mul3A_751 : i32
      %get3A_913 = arith.index_cast %add3A_912 : i32 to index
      %get3A_914 = tpu.vector_load %arg13[%get3A_913] {strides = array<i32>} : memref<3328xf32, #tpu.memory_space<vmem>>, vector<16xf32>,
      %get3A_915 = arith.index_cast %add3A_912 : i32 to index
      %get3A_916 = tpu.vector_load %arg11[%get3A_915] {strides = array<i32>} : memref<3328xf32, #tpu.memory_space<vmem>>, vector<16xf32>,
      %mul3A_917 = arith.mulf %get3A_914, %get3A_916 : vector<16xf32>
      %add3A_918 = arith.addf %add3A_910, %mul3A_917 : vector<16xf32>
      %add3A_919 = arith.constant 2688 : i32
      %add3A_920 = arith.addi %add3A_919, %mul3A_751 : i32
      %get3A_921 = arith.index_cast %add3A_920 : i32 to index
      %get3A_922 = tpu.vector_load %arg13[%get3A_921] {strides = array<i32>} : memref<3328xf32, #tpu.memory_space<vmem>>, vector<16xf32>,
      %get3A_923 = arith.index_cast %add3A_920 : i32 to index
      %get3A_924 = tpu.vector_load %arg11[%get3A_923] {strides = array<i32>} : memref<3328xf32, #tpu.memory_space<vmem>>, vector<16xf32>,
      %mul3A_925 = arith.mulf %get3A_922, %get3A_924 : vector<16xf32>
      %add3A_926 = arith.addf %add3A_918, %mul3A_925 : vector<16xf32>
      %add3A_927 = arith.constant 2816 : i32
      %add3A_928 = arith.addi %add3A_927, %mul3A_751 : i32
      %get3A_929 = arith.index_cast %add3A_928 : i32 to index
      %get3A_930 = tpu.vector_load %arg13[%get3A_929] {strides = array<i32>} : memref<3328xf32, #tpu.memory_space<vmem>>, vector<16xf32>,
      %get3A_931 = arith.index_cast %add3A_928 : i32 to index
      %get3A_932 = tpu.vector_load %arg11[%get3A_931] {strides = array<i32>} : memref<3328xf32, #tpu.memory_space<vmem>>, vector<16xf32>,
      %mul3A_933 = arith.mulf %get3A_930, %get3A_932 : vector<16xf32>
      %add3A_934 = arith.addf %add3A_926, %mul3A_933 : vector<16xf32>
      %add3A_935 = arith.constant 2944 : i32
      %add3A_936 = arith.addi %add3A_935, %mul3A_751 : i32
      %get3A_937 = arith.index_cast %add3A_936 : i32 to index
      %get3A_938 = tpu.vector_load %arg13[%get3A_937] {strides = array<i32>} : memref<3328xf32, #tpu.memory_space<vmem>>, vector<16xf32>,
      %get3A_939 = arith.index_cast %add3A_936 : i32 to index
      %get3A_940 = tpu.vector_load %arg11[%get3A_939] {strides = array<i32>} : memref<3328xf32, #tpu.memory_space<vmem>>, vector<16xf32>,
      %mul3A_941 = arith.mulf %get3A_938, %get3A_940 : vector<16xf32>
      %add3A_942 = arith.addf %add3A_934, %mul3A_941 : vector<16xf32>
      %add3A_943 = arith.constant 3072 : i32
      %add3A_944 = arith.addi %add3A_943, %mul3A_751 : i32
      %get3A_945 = arith.index_cast %add3A_944 : i32 to index
      %get3A_946 = tpu.vector_load %arg13[%get3A_945] {strides = array<i32>} : memref<3328xf32, #tpu.memory_space<vmem>>, vector<16xf32>,
      %get3A_947 = arith.index_cast %add3A_944 : i32 to index
      %get3A_948 = tpu.vector_load %arg11[%get3A_947] {strides = array<i32>} : memref<3328xf32, #tpu.memory_space<vmem>>, vector<16xf32>,
      %mul3A_949 = arith.mulf %get3A_946, %get3A_948 : vector<16xf32>
      %add3A_950 = arith.addf %add3A_942, %mul3A_949 : vector<16xf32>
      %add3A_951 = arith.constant 3200 : i32
      %add3A_952 = arith.addi %add3A_951, %mul3A_751 : i32
      %get3A_953 = arith.index_cast %add3A_952 : i32 to index
      %get3A_954 = tpu.vector_load %arg13[%get3A_953] {strides = array<i32>} : memref<3328xf32, #tpu.memory_space<vmem>>, vector<16xf32>,
      %get3A_955 = arith.index_cast %add3A_952 : i32 to index
      %get3A_956 = tpu.vector_load %arg11[%get3A_955] {strides = array<i32>} : memref<3328xf32, #tpu.memory_space<vmem>>, vector<16xf32>,
      %mul3A_957 = arith.mulf %get3A_954, %get3A_956 : vector<16xf32>
      %add3A_958 = arith.addf %add3A_950, %mul3A_957 : vector<16xf32>
      %swap3A = arith.index_cast %mul3A_751 : i32 to index
      %swap3A_959 = tpu.vector_load %arg15[%swap3A] {strides = array<i32>} : memref<128xf32, #tpu.memory_space<vmem>>, vector<16xf32>,
      tpu.vector_store %arg15[%swap3A], %add3A_958 {strides = array<i32>} : memref<128xf32, #tpu.memory_space<vmem>>, vector<16xf32>,
      %scan3A_960 = arith.constant 0 : i32
      scf.yield %scan3A_960 : i32
    }
    %scan3A_739 = arith.constant 8 : i32
    %scan3A_740 = arith.constant 0 : i32
    %scan3A_741 = arith.constant 128 : i32
    %scan3A_742 = arith.addi %scan3A_740, %scan3A_741 : i32
    %scan3A_743 = arith.constant 1 : i32
    %scan3A_744 = scf.for %scan3A_748 = %scan3A_740 to %scan3A_742 step %scan3A_743 iter_args(%scan3A_749 = %broadcast_in_dim3A_733) -> (vector<16xf32>)  : i32 {
      %mul3A_750 = arith.constant 26 : i32
      %mul3A_751 = arith.muli %scan3A_748, %mul3A_750 : i32
      %get3A = arith.index_cast %mul3A_751 : i32 to index
      %get3A_752 = tpu.vector_load %arg10[%get3A] {strides = array<i32>} : memref<3344xf32, #tpu.memory_space<vmem>>, vector<16xf32>,
      %add3A_753 = arith.constant 16 : i32
      %add3A_754 = arith.addi %mul3A_751, %add3A_753 : i32
      %get3A_755 = arith.index_cast %add3A_754 : i32 to index
      %get3A_756 = tpu.vector_load %arg10[%get3A_755] {strides = array<i32>} : memref<3344xf32, #tpu.memory_space<vmem>>, vector<16xf32>,
      %add3A_757 = arith.constant 0 : i32
      %add3A_758 = arith.addi %add3A_757, %scan3A_748 : i32
      %get3A_759 = arith.index_cast %add3A_758 : i32 to index
      %get3A_760 = arith.constant 0 : index
      %get3A_761 = tpu.vector_load %arg12[%get3A_759, %get3A_760] {strides = array<i32>} : memref<3328x16xf32, #tpu.memory_space<vmem>>, vector<16xf32>,
      %slice3A = vector.extract_strided_slice %get3A_752 {offsets = [0], sizes = [1], strides = [1]} : vector<16xf32> to vector<1xf32>
      %squeeze3A = vector.extract %slice3A[0] : f32 from vector<1xf32>
      %broadcast_in_dim3A_762 = vector.broadcast %squeeze3A : f32 to vector<16xf32>
      %mul3A_763 = arith.mulf %get3A_761, %broadcast_in_dim3A_762 : vector<16xf32>
      %add3A_764 = arith.addf %broadcast_in_dim3A_733, %mul3A_763 : vector<16xf32>
      %mul3A_765 = arith.mulf %mul3A_763, %mul3A_763 : vector<16xf32>
      %add3A_766 = arith.addf %broadcast_in_dim3A_733, %mul3A_765 : vector<16xf32>
      %get3A_767 = arith.constant 0 : index
      %get3A_768 = tpu.vector_load %arg14[%get3A_767] {strides = array<i32>} : memref<416xf32, #tpu.memory_space<vmem>>, vector<16xf32>,
      %mul3A_769 = arith.mulf %mul3A_763, %get3A_768 : vector<16xf32>
      %add3A_770 = arith.addf %broadcast_in_dim3A_733, %mul3A_769 : vector<16xf32>
      %add3A_771 = arith.constant 128 : i32
      %add3A_772 = arith.addi %add3A_771, %scan3A_748 : i32
      %get3A_773 = arith.index_cast %add3A_772 : i32 to index
      %get3A_774 = arith.constant 0 : index
      %get3A_775 = tpu.vector_load %arg12[%get3A_773, %get3A_774] {strides = array<i32>} : memref<3328x16xf32, #tpu.memory_space<vmem>>, vector<16xf32>,
      %slice3A_776 = vector.extract_strided_slice %get3A_752 {offsets = [1], sizes = [1], strides = [1]} : vector<16xf32> to vector<1xf32>
      %squeeze3A_777 = vector.extract %slice3A_776[0] : f32 from vector<1xf32>
      %broadcast_in_dim3A_778 = vector.broadcast %squeeze3A_777 : f32 to vector<16xf32>
      %mul3A_779 = arith.mulf %get3A_775, %broadcast_in_dim3A_778 : vector<16xf32>
      %add3A_780 = arith.addf %add3A_764, %mul3A_779 : vector<16xf32>
      %mul3A_781 = arith.mulf %mul3A_779, %mul3A_779 : vector<16xf32>
      %add3A_782 = arith.addf %add3A_766, %mul3A_781 : vector<16xf32>
      %get3A_783 = arith.constant 16 : index
      %get3A_784 = tpu.vector_load %arg14[%get3A_783] {strides = array<i32>} : memref<416xf32, #tpu.memory_space<vmem>>, vector<16xf32>,
      %mul3A_785 = arith.mulf %mul3A_779, %get3A_784 : vector<16xf32>
      %add3A_786 = arith.addf %add3A_770, %mul3A_785 : vector<16xf32>
      %add3A_787 = arith.constant 256 : i32
      %add3A_788 = arith.addi %add3A_787, %scan3A_748 : i32
      %get3A_789 = arith.index_cast %add3A_788 : i32 to index
      %get3A_790 = arith.constant 0 : index
      %get3A_791 = tpu.vector_load %arg12[%get3A_789, %get3A_790] {strides = array<i32>} : memref<3328x16xf32, #tpu.memory_space<vmem>>, vector<16xf32>,
      %slice3A_792 = vector.extract_strided_slice %get3A_752 {offsets = [2], sizes = [1], strides = [1]} : vector<16xf32> to vector<1xf32>
      %squeeze3A_793 = vector.extract %slice3A_792[0] : f32 from vector<1xf32>
      %broadcast_in_dim3A_794 = vector.broadcast %squeeze3A_793 : f32 to vector<16xf32>
      %mul3A_795 = arith.mulf %get3A_791, %broadcast_in_dim3A_794 : vector<16xf32>
      %add3A_796 = arith.addf %add3A_780, %mul3A_795 : vector<16xf32>
      %mul3A_797 = arith.mulf %mul3A_795, %mul3A_795 : vector<16xf32>
      %add3A_798 = arith.addf %add3A_782, %mul3A_797 : vector<16xf32>
      %get3A_799 = arith.constant 32 : index
      %get3A_800 = tpu.vector_load %arg14[%get3A_799] {strides = array<i32>} : memref<416xf32, #tpu.memory_space<vmem>>, vector<16xf32>,
      %mul3A_801 = arith.mulf %mul3A_795, %get3A_800 : vector<16xf32>
      %add3A_802 = arith.addf %add3A_786, %mul3A_801 : vector<16xf32>
      %add3A_803 = arith.constant 384 : i32
      %add3A_804 = arith.addi %add3A_803, %scan3A_748 : i32
      %get3A_805 = arith.index_cast %add3A_804 : i32 to index
      %get3A_806 = arith.constant 0 : index
      %get3A_807 = tpu.vector_load %arg12[%get3A_805, %get3A_806] {strides = array<i32>} : memref<3328x16xf32, #tpu.memory_space<vmem>>, vector<16xf32>,
      %slice3A_808 = vector.extract_strided_slice %get3A_752 {offsets = [3], sizes = [1], strides = [1]} : vector<16xf32> to vector<1xf32>
      %squeeze3A_809 = vector.extract %slice3A_808[0] : f32 from vector<1xf32>
      %broadcast_in_dim3A_810 = vector.broadcast %squeeze3A_809 : f32 to vector<16xf32>
      %mul3A_811 = arith.mulf %get3A_807, %broadcast_in_dim3A_810 : vector<16xf32>
      %add3A_812 = arith.addf %add3A_796, %mul3A_811 : vector<16xf32>
      %mul3A_813 = arith.mulf %mul3A_811, %mul3A_811 : vector<16xf32>
      %add3A_814 = arith.addf %add3A_798, %mul3A_813 : vector<16xf32>
      %get3A_815 = arith.constant 48 : index
      %get3A_816 = tpu.vector_load %arg14[%get3A_815] {strides = array<i32>} : memref<416xf32, #tpu.memory_space<vmem>>, vector<16xf32>,
      %mul3A_817 = arith.mulf %mul3A_811, %get3A_816 : vector<16xf32>
      %add3A_818 = arith.addf %add3A_802, %mul3A_817 : vector<16xf32>
      %add3A_819 = arith.constant 512 : i32
      %add3A_820 = arith.addi %add3A_819, %scan3A_748 : i32
      %get3A_821 = arith.index_cast %add3A_820 : i32 to index
      %get3A_822 = arith.constant 0 : index
      %get3A_823 = tpu.vector_load %arg12[%get3A_821, %get3A_822] {strides = array<i32>} : memref<3328x16xf32, #tpu.memory_space<vmem>>, vector<16xf32>,
      %slice3A_824 = vector.extract_strided_slice %get3A_752 {offsets = [4], sizes = [1], strides = [1]} : vector<16xf32> to vector<1xf32>
      %squeeze3A_825 = vector.extract %slice3A_824[0] : f32 from vector<1xf32>
      %broadcast_in_dim3A_826 = vector.broadcast %squeeze3A_825 : f32 to vector<16xf32>
      %mul3A_827 = arith.mulf %get3A_823, %broadcast_in_dim3A_826 : vector<16xf32>
      %add3A_828 = arith.addf %add3A_812, %mul3A_827 : vector<16xf32>
      %mul3A_829 = arith.mulf %mul3A_827, %mul3A_827 : vector<16xf32>
      %add3A_830 = arith.addf %add3A_814, %mul3A_829 : vector<16xf32>
      %get3A_831 = arith.constant 64 : index
      %get3A_832 = tpu.vector_load %arg14[%get3A_831] {strides = array<i32>} : memref<416xf32, #tpu.memory_space<vmem>>, vector<16xf32>,
      %mul3A_833 = arith.mulf %mul3A_827, %get3A_832 : vector<16xf32>
      %add3A_834 = arith.addf %add3A_818, %mul3A_833 : vector<16xf32>
      %add3A_835 = arith.constant 640 : i32
      %add3A_836 = arith.addi %add3A_835, %scan3A_748 : i32
      %get3A_837 = arith.index_cast %add3A_836 : i32 to index
      %get3A_838 = arith.constant 0 : index
      %get3A_839 = tpu.vector_load %arg12[%get3A_837, %get3A_838] {strides = array<i32>} : memref<3328x16xf32, #tpu.memory_space<vmem>>, vector<16xf32>,
      %slice3A_840 = vector.extract_strided_slice %get3A_752 {offsets = [5], sizes = [1], strides = [1]} : vector<16xf32> to vector<1xf32>
      %squeeze3A_841 = vector.extract %slice3A_840[0] : f32 from vector<1xf32>
      %broadcast_in_dim3A_842 = vector.broadcast %squeeze3A_841 : f32 to vector<16xf32>
      %mul3A_843 = arith.mulf %get3A_839, %broadcast_in_dim3A_842 : vector<16xf32>
      %add3A_844 = arith.addf %add3A_828, %mul3A_843 : vector<16xf32>
      %mul3A_845 = arith.mulf %mul3A_843, %mul3A_843 : vector<16xf32>
      %add3A_846 = arith.addf %add3A_830, %mul3A_845 : vector<16xf32>
      %get3A_847 = arith.constant 80 : index
      %get3A_848 = tpu.vector_load %arg14[%get3A_847] {strides = array<i32>} : memref<416xf32, #tpu.memory_space<vmem>>, vector<16xf32>,
      %mul3A_849 = arith.mulf %mul3A_843, %get3A_848 : vector<16xf32>
      %add3A_850 = arith.addf %add3A_834, %mul3A_849 : vector<16xf32>
      %add3A_851 = arith.constant 768 : i32
      %add3A_852 = arith.addi %add3A_851, %scan3A_748 : i32
      %get3A_853 = arith.index_cast %add3A_852 : i32 to index
      %get3A_854 = arith.constant 0 : index
      %get3A_855 = tpu.vector_load %arg12[%get3A_853, %get3A_854] {strides = array<i32>} : memref<3328x16xf32, #tpu.memory_space<vmem>>, vector<16xf32>,
      %slice3A_856 = vector.extract_strided_slice %get3A_752 {offsets = [6], sizes = [1], strides = [1]} : vector<16xf32> to vector<1xf32>
      %squeeze3A_857 = vector.extract %slice3A_856[0] : f32 from vector<1xf32>
      %broadcast_in_dim3A_858 = vector.broadcast %squeeze3A_857 : f32 to vector<16xf32>
      %mul3A_859 = arith.mulf %get3A_855, %broadcast_in_dim3A_858 : vector<16xf32>
      %add3A_860 = arith.addf %add3A_844, %mul3A_859 : vector<16xf32>
      %mul3A_861 = arith.mulf %mul3A_859, %mul3A_859 : vector<16xf32>
      %add3A_862 = arith.addf %add3A_846, %mul3A_861 : vector<16xf32>
      %get3A_863 = arith.constant 96 : index
      %get3A_864 = tpu.vector_load %arg14[%get3A_863] {strides = array<i32>} : memref<416xf32, #tpu.memory_space<vmem>>, vector<16xf32>,
      %mul3A_865 = arith.mulf %mul3A_859, %get3A_864 : vector<16xf32>
      %add3A_866 = arith.addf %add3A_850, %mul3A_865 : vector<16xf32>
      %add3A_867 = arith.constant 896 : i32
      %add3A_868 = arith.addi %add3A_867, %scan3A_748 : i32
      %get3A_869 = arith.index_cast %add3A_868 : i32 to index
      %get3A_870 = arith.constant 0 : index
      %get3A_871 = tpu.vector_load %arg12[%get3A_869, %get3A_870] {strides = array<i32>} : memref<3328x16xf32, #tpu.memory_space<vmem>>, vector<16xf32>,
      %slice3A_872 = vector.extract_strided_slice %get3A_752 {offsets = [7], sizes = [1], strides = [1]} : vector<16xf32> to vector<1xf32>
      %squeeze3A_873 = vector.extract %slice3A_872[0] : f32 from vector<1xf32>
      %broadcast_in_dim3A_874 = vector.broadcast %squeeze3A_873 : f32 to vector<16xf32>
      %mul3A_875 = arith.mulf %get3A_871, %broadcast_in_dim3A_874 : vector<16xf32>
      %add3A_876 = arith.addf %add3A_860, %mul3A_875 : vector<16xf32>
      %mul3A_877 = arith.mulf %mul3A_875, %mul3A_875 : vector<16xf32>
      %add3A_878 = arith.addf %add3A_862, %mul3A_877 : vector<16xf32>
      %get3A_879 = arith.constant 112 : index
      %get3A_880 = tpu.vector_load %arg14[%get3A_879] {strides = array<i32>} : memref<416xf32, #tpu.memory_space<vmem>>, vector<16xf32>,
      %mul3A_881 = arith.mulf %mul3A_875, %get3A_880 : vector<16xf32>
      %add3A_882 = arith.addf %add3A_866, %mul3A_881 : vector<16xf32>
      %add3A_883 = arith.constant 1024 : i32
      %add3A_884 = arith.addi %add3A_883, %scan3A_748 : i32
      %get3A_885 = arith.index_cast %add3A_884 : i32 to index
      %get3A_886 = arith.constant 0 : index
      %get3A_887 = tpu.vector_load %arg12[%get3A_885, %get3A_886] {strides = array<i32>} : memref<3328x16xf32, #tpu.memory_space<vmem>>, vector<16xf32>,
      %slice3A_888 = vector.extract_strided_slice %get3A_752 {offsets = [8], sizes = [1], strides = [1]} : vector<16xf32> to vector<1xf32>
      %squeeze3A_889 = vector.extract %slice3A_888[0] : f32 from vector<1xf32>
      %broadcast_in_dim3A_890 = vector.broadcast %squeeze3A_889 : f32 to vector<16xf32>
      %mul3A_891 = arith.mulf %get3A_887, %broadcast_in_dim3A_890 : vector<16xf32>
      %add3A_892 = arith.addf %add3A_876, %mul3A_891 : vector<16xf32>
      %mul3A_893 = arith.mulf %mul3A_891, %mul3A_891 : vector<16xf32>
      %add3A_894 = arith.addf %add3A_878, %mul3A_893 : vector<16xf32>
      %get3A_895 = arith.constant 128 : index
      %get3A_896 = tpu.vector_load %arg14[%get3A_895] {strides = array<i32>} : memref<416xf32, #tpu.memory_space<vmem>>, vector<16xf32>,
      %mul3A_897 = arith.mulf %mul3A_891, %get3A_896 : vector<16xf32>
      %add3A_898 = arith.addf %add3A_882, %mul3A_897 : vector<16xf32>
      %add3A_899 = arith.constant 1152 : i32
      %add3A_900 = arith.addi %add3A_899, %scan3A_748 : i32
      %get3A_901 = arith.index_cast %add3A_900 : i32 to index
      %get3A_902 = arith.constant 0 : index
      %get3A_903 = tpu.vector_load %arg12[%get3A_901, %get3A_902] {strides = array<i32>} : memref<3328x16xf32, #tpu.memory_space<vmem>>, vector<16xf32>,
      %slice3A_904 = vector.extract_strided_slice %get3A_752 {offsets = [9], sizes = [1], strides = [1]} : vector<16xf32> to vector<1xf32>
      %squeeze3A_905 = vector.extract %slice3A_904[0] : f32 from vector<1xf32>
      %broadcast_in_dim3A_906 = vector.broadcast %squeeze3A_905 : f32 to vector<16xf32>
      %mul3A_907 = arith.mulf %get3A_903, %broadcast_in_dim3A_906 : vector<16xf32>
      %add3A_908 = arith.addf %add3A_892, %mul3A_907 : vector<16xf32>
      %mul3A_909 = arith.mulf %mul3A_907, %mul3A_907 : vector<16xf32>
      %add3A_910 = arith.addf %add3A_894, %mul3A_909 : vector<16xf32>
      %get3A_911 = arith.constant 144 : index
      %get3A_912 = tpu.vector_load %arg14[%get3A_911] {strides = array<i32>} : memref<416xf32, #tpu.memory_space<vmem>>, vector<16xf32>,
      %mul3A_913 = arith.mulf %mul3A_907, %get3A_912 : vector<16xf32>
      %add3A_914 = arith.addf %add3A_898, %mul3A_913 : vector<16xf32>
      %add3A_915 = arith.constant 1280 : i32
      %add3A_916 = arith.addi %add3A_915, %scan3A_748 : i32
      %get3A_917 = arith.index_cast %add3A_916 : i32 to index
      %get3A_918 = arith.constant 0 : index
      %get3A_919 = tpu.vector_load %arg12[%get3A_917, %get3A_918] {strides = array<i32>} : memref<3328x16xf32, #tpu.memory_space<vmem>>, vector<16xf32>,
      %slice3A_920 = vector.extract_strided_slice %get3A_752 {offsets = [10], sizes = [1], strides = [1]} : vector<16xf32> to vector<1xf32>
      %squeeze3A_921 = vector.extract %slice3A_920[0] : f32 from vector<1xf32>
      %broadcast_in_dim3A_922 = vector.broadcast %squeeze3A_921 : f32 to vector<16xf32>
      %mul3A_923 = arith.mulf %get3A_919, %broadcast_in_dim3A_922 : vector<16xf32>
      %add3A_924 = arith.addf %add3A_908, %mul3A_923 : vector<16xf32>
      %mul3A_925 = arith.mulf %mul3A_923, %mul3A_923 : vector<16xf32>
      %add3A_926 = arith.addf %add3A_910, %mul3A_925 : vector<16xf32>
      %get3A_927 = arith.constant 160 : index
      %get3A_928 = tpu.vector_load %arg14[%get3A_927] {strides = array<i32>} : memref<416xf32, #tpu.memory_space<vmem>>, vector<16xf32>,
      %mul3A_929 = arith.mulf %mul3A_923, %get3A_928 : vector<16xf32>
      %add3A_930 = arith.addf %add3A_914, %mul3A_929 : vector<16xf32>
      %add3A_931 = arith.constant 1408 : i32
      %add3A_932 = arith.addi %add3A_931, %scan3A_748 : i32
      %get3A_933 = arith.index_cast %add3A_932 : i32 to index
      %get3A_934 = arith.constant 0 : index
      %get3A_935 = tpu.vector_load %arg12[%get3A_933, %get3A_934] {strides = array<i32>} : memref<3328x16xf32, #tpu.memory_space<vmem>>, vector<16xf32>,
      %slice3A_936 = vector.extract_strided_slice %get3A_752 {offsets = [11], sizes = [1], strides = [1]} : vector<16xf32> to vector<1xf32>
      %squeeze3A_937 = vector.extract %slice3A_936[0] : f32 from vector<1xf32>
      %broadcast_in_dim3A_938 = vector.broadcast %squeeze3A_937 : f32 to vector<16xf32>
      %mul3A_939 = arith.mulf %get3A_935, %broadcast_in_dim3A_938 : vector<16xf32>
      %add3A_940 = arith.addf %add3A_924, %mul3A_939 : vector<16xf32>
      %mul3A_941 = arith.mulf %mul3A_939, %mul3A_939 : vector<16xf32>
      %add3A_942 = arith.addf %add3A_926, %mul3A_941 : vector<16xf32>
      %get3A_943 = arith.constant 176 : index
      %get3A_944 = tpu.vector_load %arg14[%get3A_943] {strides = array<i32>} : memref<416xf32, #tpu.memory_space<vmem>>, vector<16xf32>,
      %mul3A_945 = arith.mulf %mul3A_939, %get3A_944 : vector<16xf32>
      %add3A_946 = arith.addf %add3A_930, %mul3A_945 : vector<16xf32>
      %add3A_947 = arith.constant 1536 : i32
      %add3A_948 = arith.addi %add3A_947, %scan3A_748 : i32
      %get3A_949 = arith.index_cast %add3A_948 : i32 to index
      %get3A_950 = arith.constant 0 : index
      %get3A_951 = tpu.vector_load %arg12[%get3A_949, %get3A_950] {strides = array<i32>} : memref<3328x16xf32, #tpu.memory_space<vmem>>, vector<16xf32>,
      %slice3A_952 = vector.extract_strided_slice %get3A_752 {offsets = [12], sizes = [1], strides = [1]} : vector<16xf32> to vector<1xf32>
      %squeeze3A_953 = vector.extract %slice3A_952[0] : f32 from vector<1xf32>
      %broadcast_in_dim3A_954 = vector.broadcast %squeeze3A_953 : f32 to vector<16xf32>
      %mul3A_955 = arith.mulf %get3A_951, %broadcast_in_dim3A_954 : vector<16xf32>
      %add3A_956 = arith.addf %add3A_940, %mul3A_955 : vector<16xf32>
      %mul3A_957 = arith.mulf %mul3A_955, %mul3A_955 : vector<16xf32>
      %add3A_958 = arith.addf %add3A_942, %mul3A_957 : vector<16xf32>
      %get3A_959 = arith.constant 192 : index
      %get3A_960 = tpu.vector_load %arg14[%get3A_959] {strides = array<i32>} : memref<416xf32, #tpu.memory_space<vmem>>, vector<16xf32>,
      %mul3A_961 = arith.mulf %mul3A_955, %get3A_960 : vector<16xf32>
      %add3A_962 = arith.addf %add3A_946, %mul3A_961 : vector<16xf32>
      %add3A_963 = arith.constant 1664 : i32
      %add3A_964 = arith.addi %add3A_963, %scan3A_748 : i32
      %get3A_965 = arith.index_cast %add3A_964 : i32 to index
      %get3A_966 = arith.constant 0 : index
      %get3A_967 = tpu.vector_load %arg12[%get3A_965, %get3A_966] {strides = array<i32>} : memref<3328x16xf32, #tpu.memory_space<vmem>>, vector<16xf32>,
      %slice3A_968 = vector.extract_strided_slice %get3A_752 {offsets = [13], sizes = [1], strides = [1]} : vector<16xf32> to vector<1xf32>
      %squeeze3A_969 = vector.extract %slice3A_968[0] : f32 from vector<1xf32>
      %broadcast_in_dim3A_970 = vector.broadcast %squeeze3A_969 : f32 to vector<16xf32>
      %mul3A_971 = arith.mulf %get3A_967, %broadcast_in_dim3A_970 : vector<16xf32>
      %add3A_972 = arith.addf %add3A_956, %mul3A_971 : vector<16xf32>
      %mul3A_973 = arith.mulf %mul3A_971, %mul3A_971 : vector<16xf32>
      %add3A_974 = arith.addf %add3A_958, %mul3A_973 : vector<16xf32>
      %get3A_975 = arith.constant 208 : index
      %get3A_976 = tpu.vector_load %arg14[%get3A_975] {strides = array<i32>} : memref<416xf32, #tpu.memory_space<vmem>>, vector<16xf32>,
      %mul3A_977 = arith.mulf %mul3A_971, %get3A_976 : vector<16xf32>
      %add3A_978 = arith.addf %add3A_962, %mul3A_977 : vector<16xf32>
      %add3A_979 = arith.constant 1792 : i32
      %add3A_980 = arith.addi %add3A_979, %scan3A_748 : i32
      %get3A_981 = arith.index_cast %add3A_980 : i32 to index
      %get3A_982 = arith.constant 0 : index
      %get3A_983 = tpu.vector_load %arg12[%get3A_981, %get3A_982] {strides = array<i32>} : memref<3328x16xf32, #tpu.memory_space<vmem>>, vector<16xf32>,
      %slice3A_984 = vector.extract_strided_slice %get3A_752 {offsets = [14], sizes = [1], strides = [1]} : vector<16xf32> to vector<1xf32>
      %squeeze3A_985 = vector.extract %slice3A_984[0] : f32 from vector<1xf32>
      %broadcast_in_dim3A_986 = vector.broadcast %squeeze3A_985 : f32 to vector<16xf32>
      %mul3A_987 = arith.mulf %get3A_983, %broadcast_in_dim3A_986 : vector<16xf32>
      %add3A_988 = arith.addf %add3A_972, %mul3A_987 : vector<16xf32>
      %mul3A_989 = arith.mulf %mul3A_987, %mul3A_987 : vector<16xf32>
      %add3A_990 = arith.addf %add3A_974, %mul3A_989 : vector<16xf32>
      %get3A_991 = arith.constant 224 : index
      %get3A_992 = tpu.vector_load %arg14[%get3A_991] {strides = array<i32>} : memref<416xf32, #tpu.memory_space<vmem>>, vector<16xf32>,
      %mul3A_993 = arith.mulf %mul3A_987, %get3A_992 : vector<16xf32>
      %add3A_994 = arith.addf %add3A_978, %mul3A_993 : vector<16xf32>
      %add3A_995 = arith.constant 1920 : i32
      %add3A_996 = arith.addi %add3A_995, %scan3A_748 : i32
      %get3A_997 = arith.index_cast %add3A_996 : i32 to index
      %get3A_998 = arith.constant 0 : index
      %get3A_999 = tpu.vector_load %arg12[%get3A_997, %get3A_998] {strides = array<i32>} : memref<3328x16xf32, #tpu.memory_space<vmem>>, vector<16xf32>,
      %slice3A_1000 = vector.extract_strided_slice %get3A_752 {offsets = [15], sizes = [1], strides = [1]} : vector<16xf32> to vector<1xf32>
      %squeeze3A_1001 = vector.extract %slice3A_1000[0] : f32 from vector<1xf32>
      %broadcast_in_dim3A_1002 = vector.broadcast %squeeze3A_1001 : f32 to vector<16xf32>
      %mul3A_1003 = arith.mulf %get3A_999, %broadcast_in_dim3A_1002 : vector<16xf32>
      %add3A_1004 = arith.addf %add3A_988, %mul3A_1003 : vector<16xf32>
      %mul3A_1005 = arith.mulf %mul3A_1003, %mul3A_1003 : vector<16xf32>
      %add3A_1006 = arith.addf %add3A_990, %mul3A_1005 : vector<16xf32>
      %get3A_1007 = arith.constant 240 : index
      %get3A_1008 = tpu.vector_load %arg14[%get3A_1007] {strides = array<i32>} : memref<416xf32, #tpu.memory_space<vmem>>, vector<16xf32>,
      %mul3A_1009 = arith.mulf %mul3A_1003, %get3A_1008 : vector<16xf32>
      %add3A_1010 = arith.addf %add3A_994, %mul3A_1009 : vector<16xf32>
      %add3A_1011 = arith.constant 2048 : i32
      %add3A_1012 = arith.addi %add3A_1011, %scan3A_748 : i32
      %get3A_1013 = arith.index_cast %add3A_1012 : i32 to index
      %get3A_1014 = arith.constant 0 : index
      %get3A_1015 = tpu.vector_load %arg12[%get3A_1013, %get3A_1014] {strides = array<i32>} : memref<3328x16xf32, #tpu.memory_space<vmem>>, vector<16xf32>,
      %slice3A_1016 = vector.extract_strided_slice %get3A_756 {offsets = [0], sizes = [1], strides = [1]} : vector<16xf32> to vector<1xf32>
      %squeeze3A_1017 = vector.extract %slice3A_1016[0] : f32 from vector<1xf32>
      %broadcast_in_dim3A_1018 = vector.broadcast %squeeze3A_1017 : f32 to vector<16xf32>
      %mul3A_1019 = arith.mulf %get3A_1015, %broadcast_in_dim3A_1018 : vector<16xf32>
      %add3A_1020 = arith.addf %add3A_1004, %mul3A_1019 : vector<16xf32>
      %mul3A_1021 = arith.mulf %mul3A_1019, %mul3A_1019 : vector<16xf32>
      %add3A_1022 = arith.addf %add3A_1006, %mul3A_1021 : vector<16xf32>
      %get3A_1023 = arith.constant 256 : index
      %get3A_1024 = tpu.vector_load %arg14[%get3A_1023] {strides = array<i32>} : memref<416xf32, #tpu.memory_space<vmem>>, vector<16xf32>,
      %mul3A_1025 = arith.mulf %mul3A_1019, %get3A_1024 : vector<16xf32>
      %add3A_1026 = arith.addf %add3A_1010, %mul3A_1025 : vector<16xf32>
      %add3A_1027 = arith.constant 2176 : i32
      %add3A_1028 = arith.addi %add3A_1027, %scan3A_748 : i32
      %get3A_1029 = arith.index_cast %add3A_1028 : i32 to index
      %get3A_1030 = arith.constant 0 : index
      %get3A_1031 = tpu.vector_load %arg12[%get3A_1029, %get3A_1030] {strides = array<i32>} : memref<3328x16xf32, #tpu.memory_space<vmem>>, vector<16xf32>,
      %slice3A_1032 = vector.extract_strided_slice %get3A_756 {offsets = [1], sizes = [1], strides = [1]} : vector<16xf32> to vector<1xf32>
      %squeeze3A_1033 = vector.extract %slice3A_1032[0] : f32 from vector<1xf32>
      %broadcast_in_dim3A_1034 = vector.broadcast %squeeze3A_1033 : f32 to vector<16xf32>
      %mul3A_1035 = arith.mulf %get3A_1031, %broadcast_in_dim3A_1034 : vector<16xf32>
      %add3A_1036 = arith.addf %add3A_1020, %mul3A_1035 : vector<16xf32>
      %mul3A_1037 = arith.mulf %mul3A_1035, %mul3A_1035 : vector<16xf32>
      %add3A_1038 = arith.addf %add3A_1022, %mul3A_1037 : vector<16xf32>
      %get3A_1039 = arith.constant 272 : index
      %get3A_1040 = tpu.vector_load %arg14[%get3A_1039] {strides = array<i32>} : memref<416xf32, #tpu.memory_space<vmem>>, vector<16xf32>,
      %mul3A_1041 = arith.mulf %mul3A_1035, %get3A_1040 : vector<16xf32>
      %add3A_1042 = arith.addf %add3A_1026, %mul3A_1041 : vector<16xf32>
      %add3A_1043 = arith.constant 2304 : i32
      %add3A_1044 = arith.addi %add3A_1043, %scan3A_748 : i32
      %get3A_1045 = arith.index_cast %add3A_1044 : i32 to index
      %get3A_1046 = arith.constant 0 : index
      %get3A_1047 = tpu.vector_load %arg12[%get3A_1045, %get3A_1046] {strides = array<i32>} : memref<3328x16xf32, #tpu.memory_space<vmem>>, vector<16xf32>,
      %slice3A_1048 = vector.extract_strided_slice %get3A_756 {offsets = [2], sizes = [1], strides = [1]} : vector<16xf32> to vector<1xf32>
      %squeeze3A_1049 = vector.extract %slice3A_1048[0] : f32 from vector<1xf32>
      %broadcast_in_dim3A_1050 = vector.broadcast %squeeze3A_1049 : f32 to vector<16xf32>
      %mul3A_1051 = arith.mulf %get3A_1047, %broadcast_in_dim3A_1050 : vector<16xf32>
      %add3A_1052 = arith.addf %add3A_1036, %mul3A_1051 : vector<16xf32>
      %mul3A_1053 = arith.mulf %mul3A_1051, %mul3A_1051 : vector<16xf32>
      %add3A_1054 = arith.addf %add3A_1038, %mul3A_1053 : vector<16xf32>
      %get3A_1055 = arith.constant 288 : index
      %get3A_1056 = tpu.vector_load %arg14[%get3A_1055] {strides = array<i32>} : memref<416xf32, #tpu.memory_space<vmem>>, vector<16xf32>,
      %mul3A_1057 = arith.mulf %mul3A_1051, %get3A_1056 : vector<16xf32>
      %add3A_1058 = arith.addf %add3A_1042, %mul3A_1057 : vector<16xf32>
      %add3A_1059 = arith.constant 2432 : i32
      %add3A_1060 = arith.addi %add3A_1059, %scan3A_748 : i32
      %get3A_1061 = arith.index_cast %add3A_1060 : i32 to index
      %get3A_1062 = arith.constant 0 : index
      %get3A_1063 = tpu.vector_load %arg12[%get3A_1061, %get3A_1062] {strides = array<i32>} : memref<3328x16xf32, #tpu.memory_space<vmem>>, vector<16xf32>,
      %slice3A_1064 = vector.extract_strided_slice %get3A_756 {offsets = [3], sizes = [1], strides = [1]} : vector<16xf32> to vector<1xf32>
      %squeeze3A_1065 = vector.extract %slice3A_1064[0] : f32 from vector<1xf32>
      %broadcast_in_dim3A_1066 = vector.broadcast %squeeze3A_1065 : f32 to vector<16xf32>
      %mul3A_1067 = arith.mulf %get3A_1063, %broadcast_in_dim3A_1066 : vector<16xf32>
      %add3A_1068 = arith.addf %add3A_1052, %mul3A_1067 : vector<16xf32>
      %mul3A_1069 = arith.mulf %mul3A_1067, %mul3A_1067 : vector<16xf32>
      %add3A_1070 = arith.addf %add3A_1054, %mul3A_1069 : vector<16xf32>
      %get3A_1071 = arith.constant 304 : index
      %get3A_1072 = tpu.vector_load %arg14[%get3A_1071] {strides = array<i32>} : memref<416xf32, #tpu.memory_space<vmem>>, vector<16xf32>,
      %mul3A_1073 = arith.mulf %mul3A_1067, %get3A_1072 : vector<16xf32>
      %add3A_1074 = arith.addf %add3A_1058, %mul3A_1073 : vector<16xf32>
      %add3A_1075 = arith.constant 2560 : i32
      %add3A_1076 = arith.addi %add3A_1075, %scan3A_748 : i32
      %get3A_1077 = arith.index_cast %add3A_1076 : i32 to index
      %get3A_1078 = arith.constant 0 : index
      %get3A_1079 = tpu.vector_load %arg12[%get3A_1077, %get3A_1078] {strides = array<i32>} : memref<3328x16xf32, #tpu.memory_space<vmem>>, vector<16xf32>,
      %slice3A_1080 = vector.extract_strided_slice %get3A_756 {offsets = [4], sizes = [1], strides = [1]} : vector<16xf32> to vector<1xf32>
      %squeeze3A_1081 = vector.extract %slice3A_1080[0] : f32 from vector<1xf32>
      %broadcast_in_dim3A_1082 = vector.broadcast %squeeze3A_1081 : f32 to vector<16xf32>
      %mul3A_1083 = arith.mulf %get3A_1079, %broadcast_in_dim3A_1082 : vector<16xf32>
      %add3A_1084 = arith.addf %add3A_1068, %mul3A_1083 : vector<16xf32>
      %mul3A_1085 = arith.mulf %mul3A_1083, %mul3A_1083 : vector<16xf32>
      %add3A_1086 = arith.addf %add3A_1070, %mul3A_1085 : vector<16xf32>
      %get3A_1087 = arith.constant 320 : index
      %get3A_1088 = tpu.vector_load %arg14[%get3A_1087] {strides = array<i32>} : memref<416xf32, #tpu.memory_space<vmem>>, vector<16xf32>,
      %mul3A_1089 = arith.mulf %mul3A_1083, %get3A_1088 : vector<16xf32>
      %add3A_1090 = arith.addf %add3A_1074, %mul3A_1089 : vector<16xf32>
      %add3A_1091 = arith.constant 2688 : i32
      %add3A_1092 = arith.addi %add3A_1091, %scan3A_748 : i32
      %get3A_1093 = arith.index_cast %add3A_1092 : i32 to index
      %get3A_1094 = arith.constant 0 : index
      %get3A_1095 = tpu.vector_load %arg12[%get3A_1093, %get3A_1094] {strides = array<i32>} : memref<3328x16xf32, #tpu.memory_space<vmem>>, vector<16xf32>,
      %slice3A_1096 = vector.extract_strided_slice %get3A_756 {offsets = [5], sizes = [1], strides = [1]} : vector<16xf32> to vector<1xf32>
      %squeeze3A_1097 = vector.extract %slice3A_1096[0] : f32 from vector<1xf32>
      %broadcast_in_dim3A_1098 = vector.broadcast %squeeze3A_1097 : f32 to vector<16xf32>
      %mul3A_1099 = arith.mulf %get3A_1095, %broadcast_in_dim3A_1098 : vector<16xf32>
      %add3A_1100 = arith.addf %add3A_1084, %mul3A_1099 : vector<16xf32>
      %mul3A_1101 = arith.mulf %mul3A_1099, %mul3A_1099 : vector<16xf32>
      %add3A_1102 = arith.addf %add3A_1086, %mul3A_1101 : vector<16xf32>
      %get3A_1103 = arith.constant 336 : index
      %get3A_1104 = tpu.vector_load %arg14[%get3A_1103] {strides = array<i32>} : memref<416xf32, #tpu.memory_space<vmem>>, vector<16xf32>,
      %mul3A_1105 = arith.mulf %mul3A_1099, %get3A_1104 : vector<16xf32>
      %add3A_1106 = arith.addf %add3A_1090, %mul3A_1105 : vector<16xf32>
      %add3A_1107 = arith.constant 2816 : i32
      %add3A_1108 = arith.addi %add3A_1107, %scan3A_748 : i32
      %get3A_1109 = arith.index_cast %add3A_1108 : i32 to index
      %get3A_1110 = arith.constant 0 : index
      %get3A_1111 = tpu.vector_load %arg12[%get3A_1109, %get3A_1110] {strides = array<i32>} : memref<3328x16xf32, #tpu.memory_space<vmem>>, vector<16xf32>,
      %slice3A_1112 = vector.extract_strided_slice %get3A_756 {offsets = [6], sizes = [1], strides = [1]} : vector<16xf32> to vector<1xf32>
      %squeeze3A_1113 = vector.extract %slice3A_1112[0] : f32 from vector<1xf32>
      %broadcast_in_dim3A_1114 = vector.broadcast %squeeze3A_1113 : f32 to vector<16xf32>
      %mul3A_1115 = arith.mulf %get3A_1111, %broadcast_in_dim3A_1114 : vector<16xf32>
      %add3A_1116 = arith.addf %add3A_1100, %mul3A_1115 : vector<16xf32>
      %mul3A_1117 = arith.mulf %mul3A_1115, %mul3A_1115 : vector<16xf32>
      %add3A_1118 = arith.addf %add3A_1102, %mul3A_1117 : vector<16xf32>
      %get3A_1119 = arith.constant 352 : index
      %get3A_1120 = tpu.vector_load %arg14[%get3A_1119] {strides = array<i32>} : memref<416xf32, #tpu.memory_space<vmem>>, vector<16xf32>,
      %mul3A_1121 = arith.mulf %mul3A_1115, %get3A_1120 : vector<16xf32>
      %add3A_1122 = arith.addf %add3A_1106, %mul3A_1121 : vector<16xf32>
      %add3A_1123 = arith.constant 2944 : i32
      %add3A_1124 = arith.addi %add3A_1123, %scan3A_748 : i32
      %get3A_1125 = arith.index_cast %add3A_1124 : i32 to index
      %get3A_1126 = arith.constant 0 : index
      %get3A_1127 = tpu.vector_load %arg12[%get3A_1125, %get3A_1126] {strides = array<i32>} : memref<3328x16xf32, #tpu.memory_space<vmem>>, vector<16xf32>,
      %slice3A_1128 = vector.extract_strided_slice %get3A_756 {offsets = [7], sizes = [1], strides = [1]} : vector<16xf32> to vector<1xf32>
      %squeeze3A_1129 = vector.extract %slice3A_1128[0] : f32 from vector<1xf32>
      %broadcast_in_dim3A_1130 = vector.broadcast %squeeze3A_1129 : f32 to vector<16xf32>
      %mul3A_1131 = arith.mulf %get3A_1127, %broadcast_in_dim3A_1130 : vector<16xf32>
      %add3A_1132 = arith.addf %add3A_1116, %mul3A_1131 : vector<16xf32>
      %mul3A_1133 = arith.mulf %mul3A_1131, %mul3A_1131 : vector<16xf32>
      %add3A_1134 = arith.addf %add3A_1118, %mul3A_1133 : vector<16xf32>
      %get3A_1135 = arith.constant 368 : index
      %get3A_1136 = tpu.vector_load %arg14[%get3A_1135] {strides = array<i32>} : memref<416xf32, #tpu.memory_space<vmem>>, vector<16xf32>,
      %mul3A_1137 = arith.mulf %mul3A_1131, %get3A_1136 : vector<16xf32>
      %add3A_1138 = arith.addf %add3A_1122, %mul3A_1137 : vector<16xf32>
      %add3A_1139 = arith.constant 3072 : i32
      %add3A_1140 = arith.addi %add3A_1139, %scan3A_748 : i32
      %get3A_1141 = arith.index_cast %add3A_1140 : i32 to index
      %get3A_1142 = arith.constant 0 : index
      %get3A_1143 = tpu.vector_load %arg12[%get3A_1141, %get3A_1142] {strides = array<i32>} : memref<3328x16xf32, #tpu.memory_space<vmem>>, vector<16xf32>,
      %slice3A_1144 = vector.extract_strided_slice %get3A_756 {offsets = [8], sizes = [1], strides = [1]} : vector<16xf32> to vector<1xf32>
      %squeeze3A_1145 = vector.extract %slice3A_1144[0] : f32 from vector<1xf32>
      %broadcast_in_dim3A_1146 = vector.broadcast %squeeze3A_1145 : f32 to vector<16xf32>
      %mul3A_1147 = arith.mulf %get3A_1143, %broadcast_in_dim3A_1146 : vector<16xf32>
      %add3A_1148 = arith.addf %add3A_1132, %mul3A_1147 : vector<16xf32>
      %mul3A_1149 = arith.mulf %mul3A_1147, %mul3A_1147 : vector<16xf32>
      %add3A_1150 = arith.addf %add3A_1134, %mul3A_1149 : vector<16xf32>
      %get3A_1151 = arith.constant 384 : index
      %get3A_1152 = tpu.vector_load %arg14[%get3A_1151] {strides = array<i32>} : memref<416xf32, #tpu.memory_space<vmem>>, vector<16xf32>,
      %mul3A_1153 = arith.mulf %mul3A_1147, %get3A_1152 : vector<16xf32>
      %add3A_1154 = arith.addf %add3A_1138, %mul3A_1153 : vector<16xf32>
      %add3A_1155 = arith.constant 3200 : i32
      %add3A_1156 = arith.addi %add3A_1155, %scan3A_748 : i32
      %get3A_1157 = arith.index_cast %add3A_1156 : i32 to index
      %get3A_1158 = arith.constant 0 : index
      %get3A_1159 = tpu.vector_load %arg12[%get3A_1157, %get3A_1158] {strides = array<i32>} : memref<3328x16xf32, #tpu.memory_space<vmem>>, vector<16xf32>,
      %slice3A_1160 = vector.extract_strided_slice %get3A_756 {offsets = [9], sizes = [1], strides = [1]} : vector<16xf32> to vector<1xf32>
      %squeeze3A_1161 = vector.extract %slice3A_1160[0] : f32 from vector<1xf32>
      %broadcast_in_dim3A_1162 = vector.broadcast %squeeze3A_1161 : f32 to vector<16xf32>
      %mul3A_1163 = arith.mulf %get3A_1159, %broadcast_in_dim3A_1162 : vector<16xf32>
      %add3A_1164 = arith.addf %add3A_1148, %mul3A_1163 : vector<16xf32>
      %mul3A_1165 = arith.mulf %mul3A_1163, %mul3A_1163 : vector<16xf32>
      %add3A_1166 = arith.addf %add3A_1150, %mul3A_1165 : vector<16xf32>
      %get3A_1167 = arith.constant 400 : index
      %get3A_1168 = tpu.vector_load %arg14[%get3A_1167] {strides = array<i32>} : memref<416xf32, #tpu.memory_space<vmem>>, vector<16xf32>,
      %mul3A_1169 = arith.mulf %mul3A_1163, %get3A_1168 : vector<16xf32>
      %add3A_1170 = arith.addf %add3A_1154, %mul3A_1169 : vector<16xf32>
      %mul3A_1171 = arith.mulf %add3A_1164, %add3A_1164 : vector<16xf32>
      %sub3A = arith.subf %mul3A_1171, %add3A_1166 : vector<16xf32>
      %mul3A_1172 = arith.constant 5.000000e-01 : f32
      %mul3A_1173 = vector.broadcast %mul3A_1172 : f32 to vector<16xf32>
      %mul3A_1174 = arith.mulf %mul3A_1173, %sub3A : vector<16xf32>
      %add3A_1175 = arith.addf %add3A_1170, %mul3A_1174 : vector<16xf32>
      %reduce_sum3A = arith.constant true
      %reduce_sum3A_1176 = vector.broadcast %reduce_sum3A : i1 to vector<16xi1>
      %reduce_sum3A_1177 = tpu.scan <sum>, %add3A_1175 masked %reduce_sum3A_1176 : vector<16xf32>, vector<16xi1> -> vector<16xf32>
      %reduce_sum3A_1178 = vector.extract %reduce_sum3A_1177[15] : f32 from vector<16xf32>
      %jit3A = arith.constant 16 : i32
      %eq3A = arith.constant 0 : i32
      %eq3A_1179 = arith.cmpi eq, %jit3A, %eq3A : i32
      %jit3A_1180 = arith.constant 1 : i32
      %select_n3A = arith.select %eq3A_1179, %jit3A_1180, %jit3A : i32
      %rem3A = arith.remsi %scan3A_748, %select_n3A : i32
      %ne3A = arith.constant 0 : i32
      %ne3A_1181 = arith.cmpi ne, %rem3A, %ne3A : i32
      %lt3A = arith.constant 0 : i32
      %lt3A_1182 = arith.cmpi slt, %rem3A, %lt3A : i32
      %lt3A_1183 = arith.constant 0 : i32
      %lt3A_1184 = arith.cmpi slt, %select_n3A, %lt3A_1183 : i32
      %ne3A_1185 = arith.xori %lt3A_1182, %lt3A_1184 : i1
      %and3A = arith.andi %ne3A_1185, %ne3A_1181 : i1
      %add3A_1186 = arith.addi %rem3A, %select_n3A : i32
      %select_n3A_1187 = arith.select %and3A, %add3A_1186, %rem3A : i32
      %eq3A_1188 = vector.broadcast %select_n3A_1187 : i32 to vector<16xi32>
      %eq3A_1189 = arith.cmpi eq, %iota3A, %eq3A_1188 : vector<16xi32>
      %broadcast_in_dim3A_1190 = vector.broadcast %reduce_sum3A_1178 : f32 to vector<16xf32>
      %select_n3A_1191 = arith.select %eq3A_1189, %broadcast_in_dim3A_1190, %scan3A_749 : vector<16xi1>, vector<16xf32>
      %jit3A_1192 = arith.constant 16 : i32
      %eq3A_1193 = arith.constant 0 : i32
      %eq3A_1194 = arith.cmpi eq, %jit3A_1192, %eq3A_1193 : i32
      %jit3A_1195 = arith.constant 1 : i32
      %select_n3A_1196 = arith.select %eq3A_1194, %jit3A_1195, %jit3A_1192 : i32
      %rem3A_1197 = arith.remsi %scan3A_748, %select_n3A_1196 : i32
      %ne3A_1198 = arith.constant 0 : i32
      %ne3A_1199 = arith.cmpi ne, %rem3A_1197, %ne3A_1198 : i32
      %lt3A_1200 = arith.constant 0 : i32
      %lt3A_1201 = arith.cmpi slt, %rem3A_1197, %lt3A_1200 : i32
      %lt3A_1202 = arith.constant 0 : i32
      %lt3A_1203 = arith.cmpi slt, %select_n3A_1196, %lt3A_1202 : i32
      %ne3A_1204 = arith.xori %lt3A_1201, %lt3A_1203 : i1
      %and3A_1205 = arith.andi %ne3A_1204, %ne3A_1199 : i1
      %add3A_1206 = arith.addi %rem3A_1197, %select_n3A_1196 : i32
      %select_n3A_1207 = arith.select %and3A_1205, %add3A_1206, %rem3A_1197 : i32
      %eq3A_1208 = arith.constant 15 : i32
      %eq3A_1209 = arith.cmpi eq, %select_n3A_1207, %eq3A_1208 : i32
      %convert_element_type3A = arith.extui %eq3A_1209 : i1 to i32
      %cond3A = arith.constant 0 : i32
      %cond3A_1210 = arith.cmpi ne, %convert_element_type3A, %cond3A : i32
      scf.if %cond3A_1210 {
        %sub3A_1211 = arith.constant 15 : i32
        %sub3A_1212 = arith.subi %scan3A_748, %sub3A_1211 : i32
        %get3A_1213 = arith.index_cast %sub3A_1212 : i32 to index
        %get3A_1214 = tpu.vector_load %arg15[%get3A_1213] {strides = array<i32>} : memref<128xf32, #tpu.memory_space<vmem>>, vector<16xf32>,
        %add3A_1215 = arith.addf %select_n3A_1191, %get3A_1214 : vector<16xf32>
        %swap3A = arith.index_cast %sub3A_1212 : i32 to index
        %swap3A_1216 = tpu.vector_load %arg16[%swap3A] {strides = array<i32>} : memref<128xf32, #tpu.memory_space<vmem>>, vector<16xf32>,
        tpu.vector_store %arg16[%swap3A], %add3A_1215 {strides = array<i32>} : memref<128xf32, #tpu.memory_space<vmem>>, vector<16xf32>,
      } else {
      }
      scf.yield %select_n3A_1191 : vector<16xf32>
    }
    %scan3A_745 = arith.constant 128 : i32
    %mul3A_746 = arith.constant 128 : i32
    %mul3A_747 = arith.muli %add3A, %mul3A_746 : i32
    "tpu.region"() ({
      %run_scoped3A = tpu.sem_alloc : memref<!tpu.dma_semaphore, #tpu.memory_space<semaphore_mem>>
      %dma_start3A_748 = tpu.memref_slice %arg8[%mul3A_747] : memref<4096xf32, #tpu.memory_space<hbm>> -> memref<128xf32, #tpu.memory_space<hbm>>
      %dma_start3A_749 = tpu.memref_slice %arg8[%mul3A_747] : memref<4096xf32, #tpu.memory_space<hbm>> -> memref<128xf32, #tpu.memory_space<hbm>>
      tpu.enqueue_dma source(%arg16 : memref<128xf32, #tpu.memory_space<vmem>>) target(%dma_start3A_749 : memref<128xf32, #tpu.memory_space<hbm>>) target_semaphore(%run_scoped3A : memref<!tpu.dma_semaphore, #tpu.memory_space<semaphore_mem>>)
      %dma_wait3A_750 = tpu.memref_slice %arg8[%mul3A_747] : memref<4096xf32, #tpu.memory_space<hbm>> -> memref<128xf32, #tpu.memory_space<hbm>>
      %dma_wait3A_751 = tpu.memref_slice %arg8[%mul3A_747] : memref<4096xf32, #tpu.memory_space<hbm>> -> memref<128xf32, #tpu.memory_space<hbm>>
      tpu.wait_dma2 semaphore(%run_scoped3A : memref<!tpu.dma_semaphore, #tpu.memory_space<semaphore_mem>>) src(%arg16 : memref<128xf32, #tpu.memory_space<vmem>>) dst(%dma_wait3A_751 : memref<128xf32, #tpu.memory_space<hbm>>)
      tpu.yield
    }) : () -> ()
    return
  }
}

</mosaic_0001>

<sc_bundles>
// kernel: _deepfm_sc.3.cloned.1.call-start
scs
__scs_entry_jumppad:
0x0: {  	(pc) =	sbr.rel $0x88, $3  }
0x1: {  	(tag) =	ssettag $0x0;
	lr =	simm.s32 $0x1  }
0x2: {  	[smem:$0x3F9B] =	sst lr;
	_ =	strace $0xD0000000  }
0x3: {  	_ = 	snop  }
0x4: {  	_ = 	snop  }
0x5: {  	_ = 	snop  }
0x6: {  	_ = 	snop  }
0x7: {  	_ = 	snop  }
__scs_overlays_trampoline_lowered:
0x8: {  	[smem:$0x3FAA] =	sst s0  }
0x9: {  	[smem:$0x3FAB] =	sst s1  }
0xa: {  	[smem:$0x3FAC] =	sst s2  }
0xb: {  	[smem:$0x3FAD] =	sst s3  }
0xc: {  	[smem:$0x3FAE] =	sst s4  }
0xd: {  	[smem:$0x3FAF] =	sst s5  }
0xe: {  	[smem:$0x3FB0] =	sst s6  }
0xf: {  	[smem:$0x3FB1] =	sst s7  }
0x10: {  	[smem:$0x3FB2] =	sst s8  }
0x11: {  	[smem:$0x3FB3] =	sst s9;
	s0 =	simm.s32 @!p0 $0x0  }
0x12: {  	s1 =	sld [smem:$0x3F99];
	s0 =	simm.s32 @p0 $0x1  }
0x13: {  	[smem:$0x3FB4] =	sst s0;
	s0 =	simm.s32 @!p1 $0x0  }
0x14: {  	s2 =	sld [smem:$0x3F98];
	s0 =	simm.s32 @p1 $0x1  }
0x15: {  	[smem:$0x3FB5] =	sst s0;
	s0 =	simm.s32 @!p2 $0x0  }
0x16: {  	s3 =	sld [smem:$0x3FDB];
	s0 =	simm.s32 @p2 $0x1  }
0x17: {  	s4 =	simm.s32 $0x1BF5;
	[smem:$0x3FB7] =	sst s0  }
0x18: {  	s0 =	sld [smem:$0x3F9A];
	_ =	swait.ge [sflag:s4], $0x0  }
0x19: {  	s7 =	sld [smem:$0x3F9B]  }
0x1a: {  	s8 =	sadd.s32 $0xFFFFE003, lr  }
0x1b: {  	s9 =	sadd.s32 $0xFFFFFEF7, lr;
	s5 =	simm.s32 $0xFFFFFFFF;
	p2 =	slt.u32 s8, $0xFFFFF086  }
0x1c: {  	p1 =	slt.u32 s9, $0xF7A;
	s5 =	simm.s32 @!p2 $0x0  }
0x1d: {  	s5 =	simm.s32 @p1 $0x1;
	p0 =	seq.s32 s7, s2  }
0x1e: {  	s7 =	smul.u32 @!p0 $0xF7A, s2;
	p2 =	seq.s32 @!p0 s5, $0x0  }
0x1f: {  	s9 =	smul.u32 $0xF7A, s1;
	s8 =	simm.s32 @!p0 $0x1BF5;
	p2 =	por !p2, p0  }
0x20: {  	[sflag:s8] =	ssyncset.s32 @!p0 $0xFFFFF086;
	s6 =	sadd.s32 @!p0 s3, s7;
	s7 =	simm.s32 @!p0 $0x108  }
0x21: {  	s3 =	sadd.s32 s3, s9;
	s6 =	sadd.s32 @!p0 $0x88, s6;
	s7 =	simm.s32 @p2 $0x1082  }
0x22: {  	[simem:s7], [sflag:s8] =	dma.local @!p0 [hbm:s6], $0xF7A  }
0x23: {  	s9 =	sor.u32 $0xD0000000, s2;
	s6 =	simm.s32 $0x108;
	_ =	swait.ge @!p0 [sflag:s8], $0x0  }
0x24: {  	s3 =	sadd.s32 $0x88, s3;
	s6 =	simm.s32 @!p1 $0x1082;
	[sflag:s4] =	ssyncset.s32 $0xFFFFF086  }
0x25: {  	[simem:s6], [sflag:s4] =	dma.local [hbm:s3], $0xF7A  }
0x26: {  	[smem:$0x3F9B] =	sst s1;
	(tag) =	ssettag s2;
	_ =	strace s9  }
0x27: {  	s1 =	sld [smem:$0x3FAB]  }
0x28: {  	s2 =	sld [smem:$0x3FAC]  }
0x29: {  	s4 =	sld [smem:$0x3FAE]  }
0x2a: {  	p0 =	seq.s32 s5, $0x0;
	s5 =	sld [smem:$0x3FAF]  }
0x2b: {  	s6 =	sld [smem:$0x3FB0]  }
0x2c: {  	s7 =	sld [smem:$0x3FB1]  }
0x2d: {  	s3 =	simm.s32 $0x108;
	s8 =	sld [smem:$0x3FB2]  }
0x2e: {  	s3 =	simm.s32 @!p0 $0x1082;
	s9 =	sld [smem:$0x3FB3]  }
0x2f: {  	lr =	sadd.s32 s0, s3;
	s0 =	sld [smem:$0x3FAA]  }
0x30: {  	s3 =	sld [smem:$0x3FAD]  }
0x31: {  	[smem:$0x3FB6] =	sst s10  }
0x32: {  	s10 =	sld [smem:$0x3FB4];
	_ =	sdelay $0x3  }
0x33: {  	p0 =	seq.s32 s10, $0x1;
	s10 =	sld [smem:$0x3FB6];
	_ =	sdelay $0x3  }
0x34: {  	[smem:$0x3FB6] =	sst s10  }
0x35: {  	s10 =	sld [smem:$0x3FB5];
	_ =	sdelay $0x3  }
0x36: {  	p1 =	seq.s32 s10, $0x1;
	s10 =	sld [smem:$0x3FB6];
	_ =	sdelay $0x3  }
0x37: {  	[smem:$0x3FB6] =	sst s10  }
0x38: {  	s10 =	sld [smem:$0x3FB7]  }
0x39: {  	_ = 	snop;
	(pc) =	sbr.ind lr, $3  }
0x3a: {  	_ = 	snop  }
0x3b: {  	_ = 	snop  }
0x3c: {  	p2 =	seq.s32 s10, $0x1;
	s10 =	sld [smem:$0x3FB6]  }
0x3d: {  	_ =	shalt  }
0x3e: {  	_ =	shalt  }
0x3f: {  	_ =	shalt  }
0x40: {  	_ =	shalt  }
0x41: {  	_ =	shalt  }
0x42: {  	_ =	shalt  }
0x43: {  	_ =	shalt  }
0x44: {  	_ =	shalt  }
0x45: {  	_ =	shalt  }
0x46: {  	_ =	shalt  }
0x47: {  	_ =	shalt  }
0x48: {  	_ =	shalt  }
0x49: {  	_ =	shalt  }
0x4a: {  	_ =	shalt  }
0x4b: {  	_ =	shalt  }
0x4c: {  	_ =	shalt  }
0x4d: {  	_ =	shalt  }
0x4e: {  	_ =	shalt  }
0x4f: {  	_ =	shalt  }
0x50: {  	_ =	shalt  }
0x51: {  	_ =	shalt  }
0x52: {  	_ =	shalt  }
0x53: {  	_ =	shalt  }
0x54: {  	_ =	shalt  }
0x55: {  	_ =	shalt  }
0x56: {  	_ =	shalt  }
0x57: {  	_ =	shalt  }
0x58: {  	_ =	shalt  }
0x59: {  	_ =	shalt  }
0x5a: {  	_ =	shalt  }
0x5b: {  	_ =	shalt  }
0x5c: {  	_ =	shalt  }
0x5d: {  	_ =	shalt  }
0x5e: {  	_ =	shalt  }
0x5f: {  	_ =	shalt  }
0x60: {  	_ =	shalt  }
0x61: {  	_ =	shalt  }
0x62: {  	_ =	shalt  }
0x63: {  	_ =	shalt  }
0x64: {  	_ =	shalt  }
0x65: {  	_ =	shalt  }
0x66: {  	_ =	shalt  }
0x67: {  	_ =	shalt  }
0x68: {  	_ =	shalt  }
0x69: {  	_ =	shalt  }
0x6a: {  	_ =	shalt  }
0x6b: {  	_ =	shalt  }
0x6c: {  	_ =	shalt  }
0x6d: {  	_ =	shalt  }
0x6e: {  	_ =	shalt  }
0x6f: {  	_ =	shalt  }
0x70: {  	_ =	shalt  }
0x71: {  	_ =	shalt  }
0x72: {  	_ =	shalt  }
0x73: {  	_ =	shalt  }
0x74: {  	_ =	shalt  }
0x75: {  	_ =	shalt  }
0x76: {  	_ =	shalt  }
0x77: {  	_ =	shalt  }
0x78: {  	_ =	shalt  }
0x79: {  	_ =	shalt  }
0x7a: {  	_ =	shalt  }
0x7b: {  	_ =	shalt  }
0x7c: {  	_ =	shalt  }
0x7d: {  	_ =	shalt  }
0x7e: {  	_ =	shalt  }
0x7f: {  	_ =	shalt  }
0x80: {  	_ =	shalt  }
0x81: {  	_ =	shalt  }
0x82: {  	_ =	shalt  }
0x83: {  	_ =	shalt  }
0x84: {  	_ =	shalt  }
0x85: {  	_ =	shalt  }
0x86: {  	_ =	shalt  }
0x87: {  	_ =	shalt  }
.Lfunc_end0:
.L_simem_size_0:
called_computation_lowered:
.L_overlay_start_0:
0x88: {  	s2 =	sld [smem:$0x3FD9]  }
0x89: {  	s3 =	sld [smem:$0x3FFE];
	_ =	sdelay $0x1  }
0x8a: {  	s1 =	srdreg.scid  }
0x8b: {  	s0 =	sand.u32 $0x1, s1  }
0x8c: {  	s17 =	sshll.u32 s0, $0xA;
	s2 =	sadd.s32 s3, s2  }
0x8d: {  	s2 =	sadd.s32 s2, s17  }
0x8e: {  	[smem:$0x3FC2] =	sst s2  }
0x8f: {  	_ = 	snop  }
0x90: {  	s2 =	sld [smem:$0x3FC8]  }
0x91: {  	s18 =	sld [smem:$0x3FC7]  }
0x92: {  	s4 =	sld [smem:$0x3FC6]  }
0x93: {  	s5 =	sld [smem:$0x3FC5]  }
0x94: {  	s6 =	sld [smem:$0x3FC4]  }
0x95: {  	s7 =	sld [smem:$0x3FD0];
	(tm) =	ssettm $0x1  }
0x96: {  	s8 =	sld [smem:$0x3FFB];
	_ =	sdelay $0x3  }
0x97: {  	_ =	strace s8  }
0x98: {  	s8 =	sld [smem:$0x3FFC];
	_ =	sdelay $0x3  }
0x99: {  	_ =	strace s8  }
0x9a: {  	s8 =	sld [smem:$0x3FFD];
	_ =	sdelay $0x3  }
0x9b: {  	_ =	strace s8  }
0x9c: {  	_ =	strace $0x8FFFFFFF  }
0x9d: {  	s19 =	sld [smem:$0x3FDB];
	_ =	sdelay $0x1  }
0x9e: {  	s9 =	simm.s32 $_scs_section_size  }
0x9f: {  	s10 =	simm.s32 $_size__tile_overlayer_lowered;
	s11 =	simm.s32 $_tile_overlayer_lowered  }
0xa0: {  	s22 =	simm.s32 $0x1BFF;
	s21 =	sshll.u32 s11, $0x1;
	s8 =	sadd.s32 s9, s19  }
0xa1: {  	s12 =	simm.s32 $0x0;
	s20 =	sshll.u32 s10, $0x1;
	s10 =	sadd.s32 s21, s8  }
0xa2: {  	[timem:s12], [sflag:s22] =	dma.local [hbm:s10], s20  }
0xa3: {  	_ =	swait.ge [sflag:s22], s20  }
0xa4: {  	s9 =	ssub.s32 $0x0, s20;
	[sflag:s22] =	ssyncset.done $0x0  }
0xa5: {  	[sflag:s22] =	ssyncadd.s32 s9;
	_ =	sdelay $0x1  }
0xa6: {  	s23 =	simm.s32 $0x1B8B  }
0xa7: {  	_ =	swait.ge [sflag:s23], $0x1  }
0xa8: {  	[sflag:s23] =	ssyncset.done $0x0  }
0xa9: {  	s25 =	simm.s32 $0x1B8E;
	s24 =	sld [smem:$0x3FFE];
	[sflag:s23] =	ssyncadd.s32 $0xFFFFFFFF  }
0xaa: {  	s26 =	simm.s32 $execute0_lowered;
	[smem:$0x3FD2] =	sst s25  }
0xab: {  	s10 =	sshll.u32 s26, $0x1;
	_ =	strace $0x80000046;
	[dreg:$0x1] =	wrdreg $0xFFFFFFFF  }
0xac: {  	s28 =	simm.s32 $_size_execute0_lowered;
	s8 =	sadd.s32 s8, s10;
	[dreg:$0x0] =	wrdreg $0x0  }
0xad: {  	s10 =	sshll.u32 s28, $0x1;
	[dreg:$0x2] =	wrdreg s8  }
0xae: {  	[dreg:$0x3] =	wrdreg s10  }
0xaf: {  	[dreg:$0x4] =	wrdreg $0xC0  }
0xb0: {  	_ =	task [dreg:s12], $0x5FFFF  }
0xb1: {  	[dreg:$0x1] =	wrdreg $0xFFFFFFFF  }
0xb2: {  	[dreg:$0x0] =	wrdreg $0x60  }
0xb3: {  	[dreg:$0x2] =	wrdreg s24  }
0xb4: {  	[dreg:$0x3] =	wrdreg s2  }
0xb5: {  	[dreg:$0x4] =	wrdreg s18  }
0xb6: {  	[dreg:$0x5] =	wrdreg s4  }
0xb7: {  	[dreg:$0x6] =	wrdreg s5  }
0xb8: {  	[dreg:$0x7] =	wrdreg s6  }
0xb9: {  	[dreg:$0x8] =	wrdreg s7  }
0xba: {  	[dreg:$0x9] =	wrdreg $0x9  }
0xbb: {  	_ =	task.clear_ibuf [dreg:s12], $0xAFFFF;
	_ =	strace $0x90000046  }
0xbc: {  	s29 =	simm.s32 $0x9;
	_ =	strace $0x80000048  }
0xbd: {  	_ =	swait.ge [sflag:s29], $0x1  }
0xbe: {  	[sflag:s29] =	ssyncadd.s32 $0xFFFFFFFF  }
0xbf: {  	_ =	strace $0x90000048  }
0xc0: {  	_ =	sfence  }
0xc1: {  	s30 =	sld [smem:$0x0];
	_ =	sdelay $0x2  }
0xc2: {  	s31 =	sshll.u32 s1, $0xD;
	s1 =	sshrl.u32 s1, $0x2  }
0xc3: {  	s3 =	sand.u32 $0x4000, s31;
	s1 =	sadd.s32 s1, s30  }
0xc4: {  	s0 =	sor.u32 s3, s0;
	s1 =	sshll.u32 s1, $0x11  }
0xc5: {  	s0 =	sor.u32 s1, s0  }
0xc6: {  	s0 =	sadd.s32 $0x8F2B, s0  }
0xc7: {  	[sflag:s0] =	ssyncadd.remote.s32 $0x1  }
0xc8: {  	_ =	sfence.sel $0xFFFF  }
0xc9: {  	[dreg:$0x0] =	wrdreg $0xFFFFFFFF;
	(pc) =	sbr.abs _section_cstart, $3  }
0xca: {  	[dreg:$0x1] =	wrdreg $0xFFFFFFFF  }
0xcb: {  	_ =	task.clear_ibuf [dreg:s12], $0x2FFFF;
	_ =	strace $0x9FFFFFFF  }
0xcc: {  	(tm) =	ssettm $0x7FFFFFFF  }
0xcd: {  	_ =	shalt  }
tec
execute0_lowered:
.L_overlay_start_1:
0x0: {  	(tag) =	ssettag $0x1  }
0x1: {  	s1 =	rddreg [dreg:$0x0]  }
0x2: {  	s0 =	rddreg [dreg:$0x1]  }
0x3: {  	s2 =	rddreg [dreg:$0x2]  }
0x4: {  	s3 =	rddreg [dreg:$0x3]  }
0x5: {  	s6 =	rddreg [dreg:$0x4]  }
0x6: {  	s7 =	rddreg [dreg:$0x6]  }
0x7: {  	s4 =	srdreg.scid;
	s8 =	stileid.u32;
	s15 =	simm.s32 $0x80  }
0x8: {  	s12 =	simm.s32 $0x600;
	s18 =	simm.s32 $0x680;
	s24 =	simm.s32 $0x700  }
0x9: {  	s16 =	simm.s32 $0x800;
	s28 =	simm.s32 $0x880;
	s14 =	simm.s32 $0x900  }
0xa: {  	s29 =	simm.s32 $0x980;
	s22 =	simm.s32 $0xA00;
	s19 =	simm.s32 $0xB00  }
0xb: {  	s20 =	simm.s32 $0xB80;
	s5 =	sand.u32 $0x1, s4;
	s8 =	sshll.u32 s8, $0x1  }
0xc: {  	s23 =	simm.s32 $0xC00;
	s4 =	simm.s32 $0x0;
	s8 =	sor.u32 s5, s8  }
0xd: {  	s9 =	ssub.s32 $0x2, s5;
	[smem:$0x7FF] =	sst s4;
	s11 =	smul.u32 $0x1A0, s8  }
0xe: {  	s5 =	sadd.s32 $0x27AC800, s1;
	s10 =	sshrl.u32 s9, $0x1;
	_ =	strace $0x80000047  }
0xf: {  	s30 =	sshll.u32 s8, $0x4;
	s25 =	ssub.s32 s9, s10;
	s2 =	sadd.s32 s2, s11  }
0x10: {  	s26 =	sadd.s32 s3, s11;
	s31 =	sadd.s32 s6, s11;
	[dreg:$0x8] =	wrdreg s2  }
0x11: {  	s1 =	smax.u32 s25, $0x1;
	s11 =	simm.s32 $0x2;
	[dreg:$0x9] =	wrdreg s26  }
0x12: {  	s3 =	simm.s32 $0xA80;
	s6 =	simm.s32 $0xC80;
	[dreg:$0xa] =	wrdreg s31  }
0x13: {  	s2 =	sadd.s32 s7, s30;
	[dreg:$0xc] =	wrdreg s1;
	s1 =	simm.s32 $0x780  }
0x14: {  	v0 =	vlaneseq.u32;
	s26 =	simm.s32 $0x1;
	s7 =	simm.s32 $0x0;
	[dreg:$0xb] =	wrdreg s2  }
.LBB2_1:
0x15: {  	s2 =	rddreg [dreg:$0x8]  }
0x16: {  	[tilespmem:s4], [sflag:$0x2] =	stream.linear.gather [hbm4b:s2+s4], $0xD00, $0x38;
	[tilespmem:$0x106B0] =	vst v63  }
0x17: {  	_ =	swait.ge [sflag:s11], $0xD00  }
0x18: {  	[sflag:s11] =	ssyncset.done $0x0  }
0x19: {  	s8 =	simm.s32 $0xD00;
	s10 =	rddreg [dreg:$0x9];
	[sflag:s11] =	ssyncadd.s32 $0xFFFFF300  }
0x1a: {  	[tilespmem:s8], [sflag:$0x2] =	stream.linear.gather [hbm4b:s10+s4], $0xD00, $0x38;
	[tilespmem:$0x106B0] =	vst v63  }
0x1b: {  	_ =	swait.ge [sflag:s11], $0xD00  }
0x1c: {  	[sflag:s11] =	ssyncset.done $0x0  }
0x1d: {  	s17 =	simm.s32 $0x1A10;
	s13 =	rddreg [dreg:$0xa];
	[sflag:s11] =	ssyncadd.s32 $0xFFFFF300  }
0x1e: {  	[tilespmem:s17], [sflag:$0x2] =	stream.linear.gather [hbm4b:s13+s4], $0xD00, $0x38;
	[tilespmem:$0x106B0] =	vst v63  }
0x1f: {  	_ =	swait.ge [sflag:s11], $0xD00  }
0x20: {  	[sflag:s11] =	ssyncset.done $0x0  }
0x21: {  	[sflag:s11] =	ssyncadd.s32 $0xFFFFF300  }
0x22: {  	s25 =	simm.s32 $0x10410;
	s21 =	rddreg [dreg:$0x5]  }
0x23: {  	[tilespmem:s25], [sflag:$0x2] =	stream.linear.gather [hbm4b:s21+s4], $0x1A0, $0x38;
	[tilespmem:$0x106B0] =	vst v63  }
0x24: {  	_ =	swait.ge [sflag:s11], $0x1A0  }
0x25: {  	[sflag:s11] =	ssyncset.done $0x0  }
0x26: {  	s30 =	simm.s32 $0x2710;
	[sflag:s11] =	ssyncadd.s32 $0xFFFFFE60  }
0x27: {  	[tilespmem:s30], [sflag:$0x1] =	stream.indirect.gather [hbm4b:s5+s15], $0x10, s4, s15, $0xb8;
	[tilespmem:$0x106B0] =	vst v63  }
0x28: {  	s31 =	simm.s32 $0xF710  }
0x29: {  	[tilespmem:s31], [sflag:$0x1] =	stream.indirect.gather [hbm4b:s0+s15], $0x1, s4, s15, $0xb8;
	[tilespmem:$0x106B0] =	vst v63  }
0x2a: {  	s8 =	simm.s32 $0x2F10  }
0x2b: {  	[tilespmem:s8], [sflag:$0x1] =	stream.indirect.gather [hbm4b:s5+s15], $0x10, s15, s15, $0xb8;
	[tilespmem:$0x106B0] =	vst v63  }
0x2c: {  	s9 =	simm.s32 $0xF790  }
0x2d: {  	[tilespmem:s9], [sflag:$0x1] =	stream.indirect.gather [hbm4b:s0+s15], $0x1, s15, s15, $0xb8;
	[tilespmem:$0x106B0] =	vst v63  }
0x2e: {  	s10 =	simm.s32 $0x100;
	s13 =	simm.s32 $0x3710  }
0x2f: {  	[tilespmem:s13], [sflag:$0x1] =	stream.indirect.gather [hbm4b:s5+s15], $0x10, s10, s15, $0xb8;
	[tilespmem:$0x106B0] =	vst v63  }
0x30: {  	s17 =	simm.s32 $0xF810  }
0x31: {  	[tilespmem:s17], [sflag:$0x1] =	stream.indirect.gather [hbm4b:s0+s15], $0x1, s10, s15, $0xb8;
	[tilespmem:$0x106B0] =	vst v63  }
0x32: {  	s21 =	simm.s32 $0x180;
	s25 =	simm.s32 $0x3F10  }
0x33: {  	[tilespmem:s25], [sflag:$0x1] =	stream.indirect.gather [hbm4b:s5+s15], $0x10, s21, s15, $0xb8;
	[tilespmem:$0x106B0] =	vst v63  }
0x34: {  	s30 =	simm.s32 $0xF890  }
0x35: {  	[tilespmem:s30], [sflag:$0x1] =	stream.indirect.gather [hbm4b:s0+s15], $0x1, s21, s15, $0xb8;
	[tilespmem:$0x106B0] =	vst v63  }
0x36: {  	s31 =	simm.s32 $0x200;
	s9 =	simm.s32 $0x4710  }
0x37: {  	[tilespmem:s9], [sflag:$0x1] =	stream.indirect.gather [hbm4b:s5+s15], $0x10, s31, s15, $0xb8;
	[tilespmem:$0x106B0] =	vst v63  }
0x38: {  	s10 =	simm.s32 $0xF910  }
0x39: {  	[tilespmem:s10], [sflag:$0x1] =	stream.indirect.gather [hbm4b:s0+s15], $0x1, s31, s15, $0xb8;
	[tilespmem:$0x106B0] =	vst v63  }
0x3a: {  	s13 =	simm.s32 $0x280;
	s17 =	simm.s32 $0x4F10  }
0x3b: {  	[tilespmem:s17], [sflag:$0x1] =	stream.indirect.gather [hbm4b:s5+s15], $0x10, s13, s15, $0xb8;
	[tilespmem:$0x106B0] =	vst v63  }
0x3c: {  	s21 =	simm.s32 $0xF990  }
0x3d: {  	[tilespmem:s21], [sflag:$0x1] =	stream.indirect.gather [hbm4b:s0+s15], $0x1, s13, s15, $0xb8;
	[tilespmem:$0x106B0] =	vst v63  }
0x3e: {  	s25 =	simm.s32 $0x300;
	s30 =	simm.s32 $0x5710  }
0x3f: {  	[tilespmem:s30], [sflag:$0x1] =	stream.indirect.gather [hbm4b:s5+s15], $0x10, s25, s15, $0xb8;
	[tilespmem:$0x106B0] =	vst v63  }
0x40: {  	s31 =	simm.s32 $0xFA10  }
0x41: {  	[tilespmem:s31], [sflag:$0x1] =	stream.indirect.gather [hbm4b:s0+s15], $0x1, s25, s15, $0xb8;
	[tilespmem:$0x106B0] =	vst v63  }
0x42: {  	s9 =	simm.s32 $0x380;
	s10 =	simm.s32 $0x5F10  }
0x43: {  	[tilespmem:s10], [sflag:$0x1] =	stream.indirect.gather [hbm4b:s5+s15], $0x10, s9, s15, $0xb8;
	[tilespmem:$0x106B0] =	vst v63  }
0x44: {  	s13 =	simm.s32 $0xFA90  }
0x45: {  	[tilespmem:s13], [sflag:$0x1] =	stream.indirect.gather [hbm4b:s0+s15], $0x1, s9, s15, $0xb8;
	[tilespmem:$0x106B0] =	vst v63  }
0x46: {  	s17 =	simm.s32 $0x400;
	s21 =	simm.s32 $0x6710  }
0x47: {  	[tilespmem:s21], [sflag:$0x1] =	stream.indirect.gather [hbm4b:s5+s15], $0x10, s17, s15, $0xb8;
	[tilespmem:$0x106B0] =	vst v63  }
0x48: {  	s25 =	simm.s32 $0xFB10  }
0x49: {  	[tilespmem:s25], [sflag:$0x1] =	stream.indirect.gather [hbm4b:s0+s15], $0x1, s17, s15, $0xb8;
	[tilespmem:$0x106B0] =	vst v63  }
0x4a: {  	s30 =	simm.s32 $0x480;
	s31 =	simm.s32 $0x6F10  }
0x4b: {  	[tilespmem:s31], [sflag:$0x1] =	stream.indirect.gather [hbm4b:s5+s15], $0x10, s30, s15, $0xb8;
	[tilespmem:$0x106B0] =	vst v63  }
0x4c: {  	s9 =	simm.s32 $0xFB90  }
0x4d: {  	[tilespmem:s9], [sflag:$0x1] =	stream.indirect.gather [hbm4b:s0+s15], $0x1, s30, s15, $0xb8;
	[tilespmem:$0x106B0] =	vst v63  }
0x4e: {  	s10 =	simm.s32 $0x500;
	s13 =	simm.s32 $0x7710  }
0x4f: {  	[tilespmem:s13], [sflag:$0x1] =	stream.indirect.gather [hbm4b:s5+s15], $0x10, s10, s15, $0xb8;
	[tilespmem:$0x106B0] =	vst v63  }
0x50: {  	s17 =	simm.s32 $0xFC10  }
0x51: {  	[tilespmem:s17], [sflag:$0x1] =	stream.indirect.gather [hbm4b:s0+s15], $0x1, s10, s15, $0xb8;
	[tilespmem:$0x106B0] =	vst v63  }
0x52: {  	s21 =	simm.s32 $0x580;
	s25 =	simm.s32 $0x7F10  }
0x53: {  	[tilespmem:s25], [sflag:$0x1] =	stream.indirect.gather [hbm4b:s5+s15], $0x10, s21, s15, $0xb8;
	[tilespmem:$0x106B0] =	vst v63  }
0x54: {  	s30 =	simm.s32 $0xFC90  }
0x55: {  	[tilespmem:s30], [sflag:$0x1] =	stream.indirect.gather [hbm4b:s0+s15], $0x1, s21, s15, $0xb8;
	[tilespmem:$0x106B0] =	vst v63  }
0x56: {  	s31 =	simm.s32 $0x8710  }
0x57: {  	[tilespmem:s31], [sflag:$0x1] =	stream.indirect.gather [hbm4b:s5+s15], $0x10, s12, s15, $0xb8;
	[tilespmem:$0x106B0] =	vst v63  }
0x58: {  	s8 =	simm.s32 $0xFD10  }
0x59: {  	[tilespmem:s8], [sflag:$0x1] =	stream.indirect.gather [hbm4b:s0+s15], $0x1, s12, s15, $0xb8;
	[tilespmem:$0x106B0] =	vst v63  }
0x5a: {  	s9 =	simm.s32 $0x8F10  }
0x5b: {  	[tilespmem:s9], [sflag:$0x1] =	stream.indirect.gather [hbm4b:s5+s15], $0x10, s18, s15, $0xb8;
	[tilespmem:$0x106B0] =	vst v63  }
0x5c: {  	s10 =	simm.s32 $0xFD90  }
0x5d: {  	[tilespmem:s10], [sflag:$0x1] =	stream.indirect.gather [hbm4b:s0+s15], $0x1, s18, s15, $0xb8;
	[tilespmem:$0x106B0] =	vst v63  }
0x5e: {  	s13 =	simm.s32 $0x9710  }
0x5f: {  	[tilespmem:s13], [sflag:$0x1] =	stream.indirect.gather [hbm4b:s5+s15], $0x10, s24, s15, $0xb8;
	[tilespmem:$0x106B0] =	vst v63  }
0x60: {  	s17 =	simm.s32 $0xFE10  }
0x61: {  	[tilespmem:s17], [sflag:$0x1] =	stream.indirect.gather [hbm4b:s0+s15], $0x1, s24, s15, $0xb8;
	[tilespmem:$0x106B0] =	vst v63  }
0x62: {  	s21 =	simm.s32 $0x9F10  }
0x63: {  	[tilespmem:s21], [sflag:$0x1] =	stream.indirect.gather [hbm4b:s5+s15], $0x10, s1, s15, $0xb8;
	[tilespmem:$0x106B0] =	vst v63  }
0x64: {  	s25 =	simm.s32 $0xFE90  }
0x65: {  	[tilespmem:s25], [sflag:$0x1] =	stream.indirect.gather [hbm4b:s0+s15], $0x1, s1, s15, $0xb8;
	[tilespmem:$0x106B0] =	vst v63  }
0x66: {  	s30 =	simm.s32 $0xA710  }
0x67: {  	[tilespmem:s30], [sflag:$0x1] =	stream.indirect.gather [hbm4b:s5+s15], $0x10, s16, s15, $0xb8;
	[tilespmem:$0x106B0] =	vst v63  }
0x68: {  	s31 =	simm.s32 $0xFF10  }
0x69: {  	[tilespmem:s31], [sflag:$0x1] =	stream.indirect.gather [hbm4b:s0+s15], $0x1, s16, s15, $0xb8;
	[tilespmem:$0x106B0] =	vst v63  }
0x6a: {  	s8 =	simm.s32 $0xAF10  }
0x6b: {  	[tilespmem:s8], [sflag:$0x1] =	stream.indirect.gather [hbm4b:s5+s15], $0x10, s28, s15, $0xb8;
	[tilespmem:$0x106B0] =	vst v63  }
0x6c: {  	s9 =	simm.s32 $0xFF90  }
0x6d: {  	[tilespmem:s9], [sflag:$0x1] =	stream.indirect.gather [hbm4b:s0+s15], $0x1, s28, s15, $0xb8;
	[tilespmem:$0x106B0] =	vst v63  }
0x6e: {  	s10 =	simm.s32 $0xB710  }
0x6f: {  	[tilespmem:s10], [sflag:$0x1] =	stream.indirect.gather [hbm4b:s5+s15], $0x10, s14, s15, $0xb8;
	[tilespmem:$0x106B0] =	vst v63  }
0x70: {  	s13 =	simm.s32 $0x10010  }
0x71: {  	[tilespmem:s13], [sflag:$0x1] =	stream.indirect.gather [hbm4b:s0+s15], $0x1, s14, s15, $0xb8;
	[tilespmem:$0x106B0] =	vst v63  }
0x72: {  	s17 =	simm.s32 $0xBF10  }
0x73: {  	[tilespmem:s17], [sflag:$0x1] =	stream.indirect.gather [hbm4b:s5+s15], $0x10, s29, s15, $0xb8;
	[tilespmem:$0x106B0] =	vst v63  }
0x74: {  	s21 =	simm.s32 $0x10090  }
0x75: {  	[tilespmem:s21], [sflag:$0x1] =	stream.indirect.gather [hbm4b:s0+s15], $0x1, s29, s15, $0xb8;
	[tilespmem:$0x106B0] =	vst v63  }
0x76: {  	s25 =	simm.s32 $0xC710  }
0x77: {  	[tilespmem:s25], [sflag:$0x1] =	stream.indirect.gather [hbm4b:s5+s15], $0x10, s22, s15, $0xb8;
	[tilespmem:$0x106B0] =	vst v63  }
0x78: {  	s30 =	simm.s32 $0x10110  }
0x79: {  	[tilespmem:s30], [sflag:$0x1] =	stream.indirect.gather [hbm4b:s0+s15], $0x1, s22, s15, $0xb8;
	[tilespmem:$0x106B0] =	vst v63  }
0x7a: {  	s31 =	simm.s32 $0xCF10  }
0x7b: {  	[tilespmem:s31], [sflag:$0x1] =	stream.indirect.gather [hbm4b:s5+s15], $0x10, s3, s15, $0xb8;
	[tilespmem:$0x106B0] =	vst v63  }
0x7c: {  	s8 =	simm.s32 $0x10190  }
0x7d: {  	[tilespmem:s8], [sflag:$0x1] =	stream.indirect.gather [hbm4b:s0+s15], $0x1, s3, s15, $0xb8;
	[tilespmem:$0x106B0] =	vst v63  }
0x7e: {  	s9 =	simm.s32 $0xD710  }
0x7f: {  	[tilespmem:s9], [sflag:$0x1] =	stream.indirect.gather [hbm4b:s5+s15], $0x10, s19, s15, $0xb8;
	[tilespmem:$0x106B0] =	vst v63  }
0x80: {  	s10 =	simm.s32 $0x10210  }
0x81: {  	[tilespmem:s10], [sflag:$0x1] =	stream.indirect.gather [hbm4b:s0+s15], $0x1, s19, s15, $0xb8;
	[tilespmem:$0x106B0] =	vst v63  }
0x82: {  	s13 =	simm.s32 $0xDF10  }
0x83: {  	[tilespmem:s13], [sflag:$0x1] =	stream.indirect.gather [hbm4b:s5+s15], $0x10, s20, s15, $0xb8;
	[tilespmem:$0x106B0] =	vst v63  }
0x84: {  	s17 =	simm.s32 $0x10290  }
0x85: {  	[tilespmem:s17], [sflag:$0x1] =	stream.indirect.gather [hbm4b:s0+s15], $0x1, s20, s15, $0xb8;
	[tilespmem:$0x106B0] =	vst v63  }
0x86: {  	s21 =	simm.s32 $0xE710  }
0x87: {  	[tilespmem:s21], [sflag:$0x1] =	stream.indirect.gather [hbm4b:s5+s15], $0x10, s23, s15, $0xb8;
	[tilespmem:$0x106B0] =	vst v63  }
0x88: {  	s25 =	simm.s32 $0x10310  }
0x89: {  	[tilespmem:s25], [sflag:$0x1] =	stream.indirect.gather [hbm4b:s0+s15], $0x1, s23, s15, $0xb8;
	[tilespmem:$0x106B0] =	vst v63  }
0x8a: {  	s30 =	simm.s32 $0xEF10  }
0x8b: {  	[tilespmem:s30], [sflag:$0x1] =	stream.indirect.gather [hbm4b:s5+s15], $0x10, s6, s15, $0xb8;
	[tilespmem:$0x106B0] =	vst v63  }
0x8c: {  	s31 =	simm.s32 $0x10390  }
0x8d: {  	[tilespmem:s31], [sflag:$0x1] =	stream.indirect.gather [hbm4b:s0+s15], $0x1, s6, s15, $0xb8;
	[tilespmem:$0x106B0] =	vst v63  }
0x8e: {  	_ =	swait.ge [sflag:s26], $0x800  }
0x8f: {  	[sflag:s26] =	ssyncset.done $0x0  }
0x90: {  	[sflag:s26] =	ssyncadd.s32 $0xFFFFF800  }
0x91: {  	_ =	swait.ge [sflag:s26], $0x80  }
0x92: {  	[sflag:s26] =	ssyncset.done $0x0  }
0x93: {  	[sflag:s26] =	ssyncadd.s32 $0xFFFFFF80  }
0x94: {  	_ =	swait.ge [sflag:s26], $0x800  }
0x95: {  	[sflag:s26] =	ssyncset.done $0x0  }
0x96: {  	[sflag:s26] =	ssyncadd.s32 $0xFFFFF800  }
0x97: {  	_ =	swait.ge [sflag:s26], $0x80  }
0x98: {  	[sflag:s26] =	ssyncset.done $0x0  }
0x99: {  	[sflag:s26] =	ssyncadd.s32 $0xFFFFFF80  }
0x9a: {  	_ =	swait.ge [sflag:s26], $0x800  }
0x9b: {  	[sflag:s26] =	ssyncset.done $0x0  }
0x9c: {  	[sflag:s26] =	ssyncadd.s32 $0xFFFFF800  }
0x9d: {  	_ =	swait.ge [sflag:s26], $0x80  }
0x9e: {  	[sflag:s26] =	ssyncset.done $0x0  }
0x9f: {  	[sflag:s26] =	ssyncadd.s32 $0xFFFFFF80  }
0xa0: {  	_ =	swait.ge [sflag:s26], $0x800  }
0xa1: {  	[sflag:s26] =	ssyncset.done $0x0  }
0xa2: {  	[sflag:s26] =	ssyncadd.s32 $0xFFFFF800  }
0xa3: {  	_ =	swait.ge [sflag:s26], $0x80  }
0xa4: {  	[sflag:s26] =	ssyncset.done $0x0  }
0xa5: {  	[sflag:s26] =	ssyncadd.s32 $0xFFFFFF80  }
0xa6: {  	_ =	swait.ge [sflag:s26], $0x800  }
0xa7: {  	[sflag:s26] =	ssyncset.done $0x0  }
0xa8: {  	[sflag:s26] =	ssyncadd.s32 $0xFFFFF800  }
0xa9: {  	_ =	swait.ge [sflag:s26], $0x80  }
0xaa: {  	[sflag:s26] =	ssyncset.done $0x0  }
0xab: {  	[sflag:s26] =	ssyncadd.s32 $0xFFFFFF80  }
0xac: {  	_ =	swait.ge [sflag:s26], $0x800  }
0xad: {  	[sflag:s26] =	ssyncset.done $0x0  }
0xae: {  	[sflag:s26] =	ssyncadd.s32 $0xFFFFF800  }
0xaf: {  	_ =	swait.ge [sflag:s26], $0x80  }
0xb0: {  	[sflag:s26] =	ssyncset.done $0x0  }
0xb1: {  	[sflag:s26] =	ssyncadd.s32 $0xFFFFFF80  }
0xb2: {  	_ =	swait.ge [sflag:s26], $0x800  }
0xb3: {  	[sflag:s26] =	ssyncset.done $0x0  }
0xb4: {  	[sflag:s26] =	ssyncadd.s32 $0xFFFFF800  }
0xb5: {  	_ =	swait.ge [sflag:s26], $0x80  }
0xb6: {  	[sflag:s26] =	ssyncset.done $0x0  }
0xb7: {  	[sflag:s26] =	ssyncadd.s32 $0xFFFFFF80  }
0xb8: {  	_ =	swait.ge [sflag:s26], $0x800  }
0xb9: {  	[sflag:s26] =	ssyncset.done $0x0  }
0xba: {  	[sflag:s26] =	ssyncadd.s32 $0xFFFFF800  }
0xbb: {  	_ =	swait.ge [sflag:s26], $0x80  }
0xbc: {  	[sflag:s26] =	ssyncset.done $0x0  }
0xbd: {  	[sflag:s26] =	ssyncadd.s32 $0xFFFFFF80  }
0xbe: {  	_ =	swait.ge [sflag:s26], $0x800  }
0xbf: {  	[sflag:s26] =	ssyncset.done $0x0  }
0xc0: {  	[sflag:s26] =	ssyncadd.s32 $0xFFFFF800  }
0xc1: {  	_ =	swait.ge [sflag:s26], $0x80  }
0xc2: {  	[sflag:s26] =	ssyncset.done $0x0  }
0xc3: {  	[sflag:s26] =	ssyncadd.s32 $0xFFFFFF80  }
0xc4: {  	_ =	swait.ge [sflag:s26], $0x800  }
0xc5: {  	[sflag:s26] =	ssyncset.done $0x0  }
0xc6: {  	[sflag:s26] =	ssyncadd.s32 $0xFFFFF800  }
0xc7: {  	_ =	swait.ge [sflag:s26], $0x80  }
0xc8: {  	[sflag:s26] =	ssyncset.done $0x0  }
0xc9: {  	[sflag:s26] =	ssyncadd.s32 $0xFFFFFF80  }
0xca: {  	_ =	swait.ge [sflag:s26], $0x800  }
0xcb: {  	[sflag:s26] =	ssyncset.done $0x0  }
0xcc: {  	[sflag:s26] =	ssyncadd.s32 $0xFFFFF800  }
0xcd: {  	_ =	swait.ge [sflag:s26], $0x80  }
0xce: {  	[sflag:s26] =	ssyncset.done $0x0  }
0xcf: {  	[sflag:s26] =	ssyncadd.s32 $0xFFFFFF80  }
0xd0: {  	_ =	swait.ge [sflag:s26], $0x800  }
0xd1: {  	[sflag:s26] =	ssyncset.done $0x0  }
0xd2: {  	[sflag:s26] =	ssyncadd.s32 $0xFFFFF800  }
0xd3: {  	_ =	swait.ge [sflag:s26], $0x80  }
0xd4: {  	[sflag:s26] =	ssyncset.done $0x0  }
0xd5: {  	[sflag:s26] =	ssyncadd.s32 $0xFFFFFF80  }
0xd6: {  	_ =	swait.ge [sflag:s26], $0x800  }
0xd7: {  	[sflag:s26] =	ssyncset.done $0x0  }
0xd8: {  	[sflag:s26] =	ssyncadd.s32 $0xFFFFF800  }
0xd9: {  	_ =	swait.ge [sflag:s26], $0x80  }
0xda: {  	[sflag:s26] =	ssyncset.done $0x0  }
0xdb: {  	[sflag:s26] =	ssyncadd.s32 $0xFFFFFF80  }
0xdc: {  	_ =	swait.ge [sflag:s26], $0x800  }
0xdd: {  	[sflag:s26] =	ssyncset.done $0x0  }
0xde: {  	[sflag:s26] =	ssyncadd.s32 $0xFFFFF800  }
0xdf: {  	_ =	swait.ge [sflag:s26], $0x80  }
0xe0: {  	[sflag:s26] =	ssyncset.done $0x0  }
0xe1: {  	[sflag:s26] =	ssyncadd.s32 $0xFFFFFF80  }
0xe2: {  	_ =	swait.ge [sflag:s26], $0x800  }
0xe3: {  	[sflag:s26] =	ssyncset.done $0x0  }
0xe4: {  	[sflag:s26] =	ssyncadd.s32 $0xFFFFF800  }
0xe5: {  	_ =	swait.ge [sflag:s26], $0x80  }
0xe6: {  	[sflag:s26] =	ssyncset.done $0x0  }
0xe7: {  	[sflag:s26] =	ssyncadd.s32 $0xFFFFFF80  }
0xe8: {  	_ =	swait.ge [sflag:s26], $0x800  }
0xe9: {  	[sflag:s26] =	ssyncset.done $0x0  }
0xea: {  	[sflag:s26] =	ssyncadd.s32 $0xFFFFF800  }
0xeb: {  	_ =	swait.ge [sflag:s26], $0x80  }
0xec: {  	[sflag:s26] =	ssyncset.done $0x0  }
0xed: {  	[sflag:s26] =	ssyncadd.s32 $0xFFFFFF80  }
0xee: {  	_ =	swait.ge [sflag:s26], $0x800  }
0xef: {  	[sflag:s26] =	ssyncset.done $0x0  }
0xf0: {  	[sflag:s26] =	ssyncadd.s32 $0xFFFFF800  }
0xf1: {  	_ =	swait.ge [sflag:s26], $0x80  }
0xf2: {  	[sflag:s26] =	ssyncset.done $0x0  }
0xf3: {  	[sflag:s26] =	ssyncadd.s32 $0xFFFFFF80  }
0xf4: {  	_ =	swait.ge [sflag:s26], $0x800  }
0xf5: {  	[sflag:s26] =	ssyncset.done $0x0  }
0xf6: {  	[sflag:s26] =	ssyncadd.s32 $0xFFFFF800  }
0xf7: {  	_ =	swait.ge [sflag:s26], $0x80  }
0xf8: {  	[sflag:s26] =	ssyncset.done $0x0  }
0xf9: {  	[sflag:s26] =	ssyncadd.s32 $0xFFFFFF80  }
0xfa: {  	_ =	swait.ge [sflag:s26], $0x800  }
0xfb: {  	[sflag:s26] =	ssyncset.done $0x0  }
0xfc: {  	[sflag:s26] =	ssyncadd.s32 $0xFFFFF800  }
0xfd: {  	_ =	swait.ge [sflag:s26], $0x80  }
0xfe: {  	[sflag:s26] =	ssyncset.done $0x0  }
0xff: {  	[sflag:s26] =	ssyncadd.s32 $0xFFFFFF80  }
0x100: {  	_ =	swait.ge [sflag:s26], $0x800  }
0x101: {  	[sflag:s26] =	ssyncset.done $0x0  }
0x102: {  	[sflag:s26] =	ssyncadd.s32 $0xFFFFF800  }
0x103: {  	_ =	swait.ge [sflag:s26], $0x80  }
0x104: {  	[sflag:s26] =	ssyncset.done $0x0  }
0x105: {  	[sflag:s26] =	ssyncadd.s32 $0xFFFFFF80  }
0x106: {  	_ =	swait.ge [sflag:s26], $0x800  }
0x107: {  	[sflag:s26] =	ssyncset.done $0x0  }
0x108: {  	[sflag:s26] =	ssyncadd.s32 $0xFFFFF800  }
0x109: {  	_ =	swait.ge [sflag:s26], $0x80  }
0x10a: {  	[sflag:s26] =	ssyncset.done $0x0  }
0x10b: {  	[sflag:s26] =	ssyncadd.s32 $0xFFFFFF80  }
0x10c: {  	_ =	swait.ge [sflag:s26], $0x800  }
0x10d: {  	[sflag:s26] =	ssyncset.done $0x0  }
0x10e: {  	[sflag:s26] =	ssyncadd.s32 $0xFFFFF800  }
0x10f: {  	_ =	swait.ge [sflag:s26], $0x80  }
0x110: {  	[sflag:s26] =	ssyncset.done $0x0  }
0x111: {  	[sflag:s26] =	ssyncadd.s32 $0xFFFFFF80  }
0x112: {  	_ =	swait.ge [sflag:s26], $0x800  }
0x113: {  	[sflag:s26] =	ssyncset.done $0x0  }
0x114: {  	[sflag:s26] =	ssyncadd.s32 $0xFFFFF800  }
0x115: {  	_ =	swait.ge [sflag:s26], $0x80  }
0x116: {  	[sflag:s26] =	ssyncset.done $0x0  }
0x117: {  	[sflag:s26] =	ssyncadd.s32 $0xFFFFFF80  }
0x118: {  	_ =	swait.ge [sflag:s26], $0x800  }
0x119: {  	[sflag:s26] =	ssyncset.done $0x0  }
0x11a: {  	[sflag:s26] =	ssyncadd.s32 $0xFFFFF800  }
0x11b: {  	_ =	swait.ge [sflag:s26], $0x80  }
0x11c: {  	[sflag:s26] =	ssyncset.done $0x0  }
0x11d: {  	[sflag:s26] =	ssyncadd.s32 $0xFFFFFF80  }
0x11e: {  	_ =	swait.ge [sflag:s26], $0x800  }
0x11f: {  	[sflag:s26] =	ssyncset.done $0x0  }
0x120: {  	[sflag:s26] =	ssyncadd.s32 $0xFFFFF800  }
0x121: {  	_ =	swait.ge [sflag:s26], $0x80  }
0x122: {  	[sflag:s26] =	ssyncset.done $0x0  }
0x123: {  	[sflag:s26] =	ssyncadd.s32 $0xFFFFFF80  }
0x124: {  	_ =	swait.ge [sflag:s26], $0x800  }
0x125: {  	[sflag:s26] =	ssyncset.done $0x0  }
0x126: {  	[sflag:s26] =	ssyncadd.s32 $0xFFFFF800  }
0x127: {  	_ =	swait.ge [sflag:s26], $0x80  }
0x128: {  	[sflag:s26] =	ssyncset.done $0x0  }
0x129: {  	s2 =	simm.s32 $0x0;
	[sflag:s26] =	ssyncadd.s32 $0xFFFFFF80  }
0x12a: {  	v1 =	vld [tilespmem:s2+$0xF710]  }
0x12b: {  	v2 =	vld [tilespmem:s2+$0x1A10]  }
0x12c: {  	v3 =	vld [tilespmem:s2+$0xF790]  }
0x12d: {  	v4 =	vld [tilespmem:s2+$0x1A90]  }
0x12e: {  	v5 =	vld [tilespmem:s2+$0xF810]  }
0x12f: {  	v6 =	vld [tilespmem:s2+$0x1B10]  }
0x130: {  	v7 =	vld [tilespmem:s2+$0x1B90];
	v1 =	vmul.f32 v2, v1  }
0x131: {  	v2 =	vld [tilespmem:s2+$0xF890]  }
0x132: {  	v8 =	vld [tilespmem:s2+$0x1C10];
	v3 =	vmul.f32 v4, v3;
	v1 =	vadd.f32 $0.0e+00, v1  }
0x133: {  	v4 =	vld [tilespmem:s2+$0xF910]  }
0x134: {  	v1 =	vadd.f32 v3, v1;
	v3 =	vmul.f32 v6, v5;
	v5 =	vld [tilespmem:s2+$0xF990]  }
0x135: {  	v6 =	vld [tilespmem:s2+$0x1C90]  }
0x136: {  	v2 =	vmul.f32 v7, v2;
	v7 =	vld [tilespmem:s2+$0x1D10];
	v1 =	vadd.f32 v3, v1  }
0x137: {  	v3 =	vld [tilespmem:s2+$0xFA10]  }
0x138: {  	v1 =	vadd.f32 v2, v1;
	v2 =	vmul.f32 v8, v4;
	v4 =	vld [tilespmem:s2+$0xFA90]  }
0x139: {  	v8 =	vld [tilespmem:s2+$0x1D90]  }
0x13a: {  	v1 =	vadd.f32 v2, v1;
	v2 =	vmul.f32 v6, v5;
	v5 =	vld [tilespmem:s2+$0xFB10]  }
0x13b: {  	v6 =	vld [tilespmem:s2+$0x1E10]  }
0x13c: {  	v1 =	vadd.f32 v2, v1;
	v2 =	vmul.f32 v7, v3;
	v3 =	vld [tilespmem:s2+$0xFB90]  }
0x13d: {  	v7 =	vld [tilespmem:s2+$0x1E90]  }
0x13e: {  	v1 =	vadd.f32 v2, v1;
	v2 =	vmul.f32 v8, v4;
	v4 =	vld [tilespmem:s2+$0xFC10]  }
0x13f: {  	v8 =	vld [tilespmem:s2+$0x1F10]  }
0x140: {  	v1 =	vadd.f32 v2, v1;
	v2 =	vmul.f32 v6, v5;
	v5 =	vld [tilespmem:s2+$0xFC90]  }
0x141: {  	v6 =	vld [tilespmem:s2+$0x1F90]  }
0x142: {  	v1 =	vadd.f32 v2, v1;
	v2 =	vmul.f32 v7, v3;
	v3 =	vld [tilespmem:s2+$0xFD10]  }
0x143: {  	v7 =	vld [tilespmem:s2+$0x2010]  }
0x144: {  	v1 =	vadd.f32 v2, v1;
	v2 =	vmul.f32 v8, v4;
	v4 =	vld [tilespmem:s2+$0xFD90]  }
0x145: {  	v8 =	vld [tilespmem:s2+$0x2090]  }
0x146: {  	v1 =	vadd.f32 v2, v1;
	v2 =	vmul.f32 v6, v5;
	v5 =	vld [tilespmem:s2+$0xFE10]  }
0x147: {  	v6 =	vld [tilespmem:s2+$0x2110]  }
0x148: {  	v1 =	vadd.f32 v2, v1;
	v2 =	vmul.f32 v7, v3;
	v3 =	vld [tilespmem:s2+$0xFE90]  }
0x149: {  	v7 =	vld [tilespmem:s2+$0x2190]  }
0x14a: {  	v1 =	vadd.f32 v2, v1;
	v2 =	vmul.f32 v8, v4;
	v4 =	vld [tilespmem:s2+$0xFF10]  }
0x14b: {  	v8 =	vld [tilespmem:s2+$0x2210]  }
0x14c: {  	v1 =	vadd.f32 v2, v1;
	v2 =	vmul.f32 v6, v5;
	v5 =	vld [tilespmem:s2+$0xFF90]  }
0x14d: {  	v6 =	vld [tilespmem:s2+$0x2290]  }
0x14e: {  	v1 =	vadd.f32 v2, v1;
	v2 =	vmul.f32 v7, v3;
	v3 =	vld [tilespmem:s2+$0x10010]  }
0x14f: {  	v7 =	vld [tilespmem:s2+$0x2310]  }
0x150: {  	v1 =	vadd.f32 v2, v1;
	v2 =	vmul.f32 v8, v4;
	v4 =	vld [tilespmem:s2+$0x10090]  }
0x151: {  	v8 =	vld [tilespmem:s2+$0x2390]  }
0x152: {  	v1 =	vadd.f32 v2, v1;
	v2 =	vmul.f32 v6, v5;
	v5 =	vld [tilespmem:s2+$0x10110]  }
0x153: {  	v6 =	vld [tilespmem:s2+$0x2410]  }
0x154: {  	v1 =	vadd.f32 v2, v1;
	v2 =	vmul.f32 v7, v3;
	v3 =	vld [tilespmem:s2+$0x10190]  }
0x155: {  	v7 =	vld [tilespmem:s2+$0x2490]  }
0x156: {  	v9 =	vld [tilespmem:s2+$0x2510];
	v1 =	vadd.f32 v2, v1;
	v2 =	vmul.f32 v8, v4  }
0x157: {  	v8 =	vld [tilespmem:s2+$0x10210]  }
0x158: {  	v10 =	vld [tilespmem:s2+$0x10290];
	v1 =	vadd.f32 v2, v1;
	v2 =	vmul.f32 v6, v5  }
0x159: {  	v11 =	vld [tilespmem:s2+$0x2590]  }
0x15a: {  	v4 =	vld [tilespmem:s2+$0x2610];
	v3 =	vmul.f32 v7, v3;
	v2 =	vadd.f32 v2, v1  }
0x15b: {  	v1 =	vld [tilespmem:s2+$0x10310]  }
0x15c: {  	v5 =	vld [tilespmem:s2+$0x2690];
	v7 =	vmul.f32 v9, v8;
	v6 =	vadd.f32 v3, v2  }
0x15d: {  	s9 =	simm.s32 $0x10;
	v2 =	vld [tilespmem:s2+$0x10390]  }
0x15e: {  	s8 =	simm.s32 $0x80;
	v3 =	vld [tilespmem:s9+$0xF710];
	v6 =	vadd.f32 v7, v6;
	v7 =	vmul.f32 v11, v10  }
.LBB2_2:
0x15f: {  	p0 =	sne.s32 s8, $0x1C0;
	v8 =	vld [tilespmem:s9+$0x1A10]  }
0x160: {  	v9 =	vld [tilespmem:s9+$0xF790];
	v6 =	vadd.f32 v7, v6;
	v1 =	vmul.f32 v4, v1  }
0x161: {  	v4 =	vld [tilespmem:s9+$0x1A90]  }
0x162: {  	v7 =	vld [tilespmem:s9+$0xF810];
	v1 =	vadd.f32 v1, v6;
	v2 =	vmul.f32 v5, v2  }
0x163: {  	v5 =	vld [tilespmem:s9+$0x1B10]  }
0x164: {  	v3 =	vmul.f32 v8, v3;
	v6 =	vld [tilespmem:s9+$0xF890];
	v1 =	vadd.f32 v2, v1  }
0x165: {  	v2 =	vld [tilespmem:s9+$0x1B90]  }
0x166: {  	v3 =	vadd.f32 $0.0e+00, v3;
	v4 =	vmul.f32 v4, v9;
	v8 =	vld [tilespmem:s9+$0xF910];
	[tilespmem:s2+$0x105B0] =	vst v1;
	s2 =	smov.u32 s9  }
0x167: {  	v1 =	vld [tilespmem:s2+$0x1C10]  }
0x168: {  	v3 =	vadd.f32 v4, v3;
	v4 =	vmul.f32 v5, v7;
	v5 =	vld [tilespmem:s2+$0xF990]  }
0x169: {  	v7 =	vld [tilespmem:s2+$0x1C90]  }
0x16a: {  	v3 =	vadd.f32 v4, v3;
	v2 =	vmul.f32 v2, v6;
	v4 =	vld [tilespmem:s2+$0xFA10]  }
0x16b: {  	v6 =	vld [tilespmem:s2+$0x1D10]  }
0x16c: {  	v2 =	vadd.f32 v2, v3;
	v1 =	vmul.f32 v1, v8;
	v3 =	vld [tilespmem:s2+$0xFA90]  }
0x16d: {  	v8 =	vld [tilespmem:s2+$0x1D90]  }
0x16e: {  	v1 =	vadd.f32 v1, v2;
	v2 =	vmul.f32 v7, v5;
	v5 =	vld [tilespmem:s2+$0xFB10]  }
0x16f: {  	v7 =	vld [tilespmem:s2+$0x1E10]  }
0x170: {  	v1 =	vadd.f32 v2, v1;
	v2 =	vmul.f32 v6, v4;
	v4 =	vld [tilespmem:s2+$0xFB90]  }
0x171: {  	v6 =	vld [tilespmem:s2+$0x1E90]  }
0x172: {  	v1 =	vadd.f32 v2, v1;
	v2 =	vmul.f32 v8, v3;
	v3 =	vld [tilespmem:s2+$0xFC10]  }
0x173: {  	v8 =	vld [tilespmem:s2+$0x1F10]  }
0x174: {  	v1 =	vadd.f32 v2, v1;
	v2 =	vmul.f32 v7, v5;
	v5 =	vld [tilespmem:s2+$0xFC90]  }
0x175: {  	v7 =	vld [tilespmem:s2+$0x1F90]  }
0x176: {  	v1 =	vadd.f32 v2, v1;
	v2 =	vmul.f32 v6, v4;
	v4 =	vld [tilespmem:s2+$0xFD10]  }
0x177: {  	v6 =	vld [tilespmem:s2+$0x2010]  }
0x178: {  	v1 =	vadd.f32 v2, v1;
	v2 =	vmul.f32 v8, v3;
	v3 =	vld [tilespmem:s2+$0xFD90]  }
0x179: {  	v8 =	vld [tilespmem:s2+$0x2090]  }
0x17a: {  	v1 =	vadd.f32 v2, v1;
	v2 =	vmul.f32 v7, v5;
	v5 =	vld [tilespmem:s2+$0xFE10]  }
0x17b: {  	v7 =	vld [tilespmem:s2+$0x2110]  }
0x17c: {  	v1 =	vadd.f32 v2, v1;
	v2 =	vmul.f32 v6, v4;
	v4 =	vld [tilespmem:s2+$0xFE90]  }
0x17d: {  	v6 =	vld [tilespmem:s2+$0x2190]  }
0x17e: {  	v1 =	vadd.f32 v2, v1;
	v2 =	vmul.f32 v8, v3;
	v3 =	vld [tilespmem:s2+$0xFF10]  }
0x17f: {  	v8 =	vld [tilespmem:s2+$0x2210]  }
0x180: {  	v1 =	vadd.f32 v2, v1;
	v2 =	vmul.f32 v7, v5;
	v5 =	vld [tilespmem:s2+$0xFF90]  }
0x181: {  	v7 =	vld [tilespmem:s2+$0x2290]  }
0x182: {  	v1 =	vadd.f32 v2, v1;
	v2 =	vmul.f32 v6, v4;
	v4 =	vld [tilespmem:s2+$0x10010]  }
0x183: {  	v6 =	vld [tilespmem:s2+$0x2310]  }
0x184: {  	v1 =	vadd.f32 v2, v1;
	v2 =	vmul.f32 v8, v3;
	v3 =	vld [tilespmem:s2+$0x10090]  }
0x185: {  	v8 =	vld [tilespmem:s2+$0x2390]  }
0x186: {  	v1 =	vadd.f32 v2, v1;
	v2 =	vmul.f32 v7, v5;
	v5 =	vld [tilespmem:s2+$0x10110]  }
0x187: {  	v7 =	vld [tilespmem:s2+$0x2410]  }
0x188: {  	v1 =	vadd.f32 v2, v1;
	v2 =	vmul.f32 v6, v4;
	v4 =	vld [tilespmem:s2+$0x10190]  }
0x189: {  	v6 =	vld [tilespmem:s2+$0x2490]  }
0x18a: {  	v1 =	vadd.f32 v2, v1;
	v2 =	vmul.f32 v8, v3;
	v3 =	vld [tilespmem:s2+$0x10210]  }
0x18b: {  	v8 =	vld [tilespmem:s2+$0x2510]  }
0x18c: {  	v1 =	vadd.f32 v2, v1;
	v2 =	vmul.f32 v7, v5;
	v7 =	vld [tilespmem:s2+$0x10290]  }
0x18d: {  	v9 =	vld [tilespmem:s2+$0x2590]  }
.Ltmp0:
0x18e: {  	v2 =	vadd.f32 v2, v1;
	v5 =	vmul.f32 v6, v4;
	v1 =	vld [tilespmem:s2+$0x10310];
	(pc) =	sbr.rel @p0 .LBB2_2-.Ltmp0, $4  }
0x18f: {  	v4 =	vld [tilespmem:s2+$0x2610]  }
0x190: {  	v6 =	vadd.f32 v5, v2;
	v8 =	vmul.f32 v8, v3;
	v2 =	vld [tilespmem:s2+$0x10390]  }
0x191: {  	s9 =	sshra.s32 s8, $0x2;
	v5 =	vld [tilespmem:s2+$0x2690]  }
0x192: {  	s8 =	sadd.s32 $0x40, s8;
	v3 =	vld [tilespmem:s9+$0xF710];
	v6 =	vadd.f32 v8, v6;
	v7 =	vmul.f32 v9, v7  }
0x193: {  	v8 =	vld [tilespmem:s9+$0x1A10]  }
0x194: {  	v9 =	vld [tilespmem:s9+$0xF790];
	v6 =	vadd.f32 v7, v6;
	v1 =	vmul.f32 v4, v1  }
0x195: {  	v52 =	vld [tilespmem:s9+$0x1A90]  }
0x196: {  	v53 =	vld [tilespmem:s9+$0xF810];
	v1 =	vadd.f32 v1, v6;
	v2 =	vmul.f32 v5, v2  }
0x197: {  	v54 =	vld [tilespmem:s9+$0x1B10]  }
0x198: {  	v55 =	vld [tilespmem:s9+$0xF890];
	v3 =	vmul.f32 v8, v3;
	v1 =	vadd.f32 v2, v1  }
0x199: {  	v2 =	vld [tilespmem:s9+$0x1B90]  }
0x19a: {  	v56 =	vld [tilespmem:s9+$0xF910];
	v4 =	vmul.f32 v52, v9;
	v3 =	vadd.f32 $0.0e+00, v3;
	[tilespmem:s2+$0x105B0] =	vst v1  }
0x19b: {  	v1 =	vld [tilespmem:s9+$0x1C10]  }
0x19c: {  	v57 =	vmul.f32 v54, v53;
	v58 =	vld [tilespmem:s9+$0xF990];
	v3 =	vadd.f32 v4, v3  }
0x19d: {  	v59 =	vld [tilespmem:s9+$0x1C90]  }
0x19e: {  	v60 =	vld [tilespmem:s9+$0xFA10];
	v2 =	vmul.f32 v2, v55;
	v3 =	vadd.f32 v57, v3  }
0x19f: {  	v61 =	vld [tilespmem:s9+$0x1D10]  }
0x1a0: {  	v62 =	vld [tilespmem:s9+$0x1D90];
	v2 =	vadd.f32 v2, v3;
	v1 =	vmul.f32 v1, v56  }
0x1a1: {  	v3 =	vld [tilespmem:s9+$0xFA90]  }
0x1a2: {  	v63 =	vld [tilespmem:s9+$0xFB10];
	v1 =	vadd.f32 v1, v2;
	v2 =	vmul.f32 v59, v58  }
0x1a3: {  	v12 =	vld [tilespmem:s9+$0x1E10]  }
0x1a4: {  	v13 =	vld [tilespmem:s9+$0xFB90];
	v1 =	vadd.f32 v2, v1;
	v2 =	vmul.f32 v61, v60  }
0x1a5: {  	v14 =	vld [tilespmem:s9+$0x1E90]  }
0x1a6: {  	v15 =	vld [tilespmem:s9+$0x1F10];
	v1 =	vadd.f32 v2, v1;
	v2 =	vmul.f32 v62, v3  }
0x1a7: {  	v3 =	vld [tilespmem:s9+$0xFC10]  }
0x1a8: {  	v16 =	vld [tilespmem:s9+$0xFC90];
	v1 =	vadd.f32 v2, v1;
	v2 =	vmul.f32 v12, v63  }
0x1a9: {  	v17 =	vld [tilespmem:s9+$0x1F90]  }
0x1aa: {  	v18 =	vld [tilespmem:s9+$0xFD10];
	v1 =	vadd.f32 v2, v1;
	v2 =	vmul.f32 v14, v13  }
0x1ab: {  	v19 =	vld [tilespmem:s9+$0x2010]  }
0x1ac: {  	v20 =	vld [tilespmem:s9+$0x2090];
	v1 =	vadd.f32 v2, v1;
	v2 =	vmul.f32 v15, v3  }
0x1ad: {  	v3 =	vld [tilespmem:s9+$0xFD90]  }
0x1ae: {  	v21 =	vld [tilespmem:s9+$0xFE10];
	v1 =	vadd.f32 v2, v1;
	v2 =	vmul.f32 v17, v16  }
0x1af: {  	v22 =	vld [tilespmem:s9+$0x2110]  }
0x1b0: {  	v23 =	vld [tilespmem:s9+$0xFE90];
	v1 =	vadd.f32 v2, v1;
	v2 =	vmul.f32 v19, v18  }
0x1b1: {  	v24 =	vld [tilespmem:s9+$0x2190]  }
0x1b2: {  	v25 =	vld [tilespmem:s9+$0x2210];
	v1 =	vadd.f32 v2, v1;
	v2 =	vmul.f32 v20, v3  }
0x1b3: {  	v3 =	vld [tilespmem:s9+$0xFF10]  }
0x1b4: {  	v26 =	vld [tilespmem:s9+$0xFF90];
	v1 =	vadd.f32 v2, v1;
	v2 =	vmul.f32 v22, v21  }
0x1b5: {  	v27 =	vld [tilespmem:s9+$0x2290]  }
0x1b6: {  	v28 =	vld [tilespmem:s9+$0x10010];
	v1 =	vadd.f32 v2, v1;
	v2 =	vmul.f32 v24, v23  }
0x1b7: {  	v29 =	vld [tilespmem:s9+$0x2310]  }
0x1b8: {  	v30 =	vld [tilespmem:s9+$0x2390];
	v1 =	vadd.f32 v2, v1;
	v2 =	vmul.f32 v25, v3  }
0x1b9: {  	v3 =	vld [tilespmem:s9+$0x10090]  }
0x1ba: {  	v31 =	vld [tilespmem:s9+$0x10110];
	v1 =	vadd.f32 v2, v1;
	v2 =	vmul.f32 v27, v26  }
0x1bb: {  	v32 =	vld [tilespmem:s9+$0x2410]  }
0x1bc: {  	v33 =	vld [tilespmem:s9+$0x10190];
	v1 =	vadd.f32 v2, v1;
	v2 =	vmul.f32 v29, v28  }
0x1bd: {  	v34 =	vld [tilespmem:s9+$0x2490]  }
0x1be: {  	v35 =	vld [tilespmem:s9+$0x2510];
	v1 =	vadd.f32 v2, v1;
	v2 =	vmul.f32 v30, v3  }
0x1bf: {  	v3 =	vld [tilespmem:s9+$0x10210]  }
0x1c0: {  	v36 =	vld [tilespmem:s9+$0x10290];
	v1 =	vadd.f32 v2, v1;
	v2 =	vmul.f32 v32, v31  }
0x1c1: {  	v37 =	vld [tilespmem:s9+$0x2590]  }
0x1c2: {  	v38 =	vld [tilespmem:s9+$0x10310];
	v1 =	vadd.f32 v2, v1;
	v2 =	vmul.f32 v34, v33  }
0x1c3: {  	v39 =	vld [tilespmem:s9+$0x2610]  }
0x1c4: {  	v40 =	vld [tilespmem:s9+$0x2690];
	v1 =	vadd.f32 v2, v1;
	v2 =	vmul.f32 v35, v3  }
0x1c5: {  	v3 =	vld [tilespmem:s9+$0x10390]  }
0x1c6: {  	v1 =	vadd.f32 v2, v1;
	v2 =	vmul.f32 v37, v36;
	_ =	sdelay $0x1  }
0x1c7: {  	v1 =	vadd.f32 v2, v1;
	v2 =	vmul.f32 v39, v38;
	_ =	sdelay $0x1  }
0x1c8: {  	v1 =	vadd.f32 v2, v1;
	v2 =	vmul.f32 v40, v3;
	_ =	sdelay $0x1  }
0x1c9: {  	v1 =	vadd.f32 v2, v1;
	_ =	sdelay $0x1  }
0x1ca: {  	s21 =	simm.s32 $0xD00;
	[tilespmem:s9+$0x105B0] =	vst v1  }
0x1cb: {  	v1 =	vld [tilespmem:s21+$0x0]  }
0x1cc: {  	s25 =	simm.s32 $0x0  }
0x1cd: {  	v2 =	vld [tilespmem:s25+$0x2710]  }
0x1ce: {  	v43 =	vld [tilespmem:s25+$0x3710]  }
0x1cf: {  	v44 =	vld [tilespmem:s25+$0x2F10]  }
0x1d0: {  	v46 =	vld [tilespmem:s25+$0x3F10];
	v42 =	vbroadcast v1, $0x0  }
0x1d1: {  	v17 =	vld [tilespmem:s25+$0x4710];
	v6 =	vbroadcast v1, $0xE;
	v45 =	vbroadcast v1, $0x2  }
0x1d2: {  	v19 =	vld [tilespmem:s25+$0x4F10];
	v10 =	vbroadcast v1, $0x7;
	v11 =	vbroadcast v1, $0x5  }
0x1d3: {  	v22 =	vld [tilespmem:s25+$0x5710];
	v13 =	vbroadcast v1, $0x3;
	v14 =	vbroadcast v1, $0x6  }
0x1d4: {  	v51 =	vld [tilespmem:s25+$0x5F10];
	v16 =	vbroadcast v1, $0x1;
	v47 =	vbroadcast v1, $0x4  }
0x1d5: {  	v60 =	vld [tilespmem:s25+$0x6F10];
	v20 =	vbroadcast v1, $0xB;
	v59 =	vbroadcast v1, $0x8  }
0x1d6: {  	v63 =	vld [tilespmem:s25+$0x7710];
	v25 =	vbroadcast v1, $0x9;
	v27 =	vbroadcast v1, $0xA  }
0x1d7: {  	v30 =	vld [tilespmem:s25+$0x7F10];
	v2 =	vmul.f32 v2, v42;
	v7 =	vmul.f32 v43, v45  }
0x1d8: {  	v41 =	vld [tilespmem:$0x10410];
	v8 =	vmul.f32 v44, v16;
	v5 =	vmul.f32 v46, v13  }
0x1d9: {  	v3 =	vld [tilespmem:$0x10420];
	v9 =	vmul.f32 v17, v47;
	v11 =	vmul.f32 v19, v11  }
0x1da: {  	v12 =	vld [tilespmem:$0x10430];
	v56 =	vmul.f32 v22, v14;
	v10 =	vmul.f32 v51, v10  }
0x1db: {  	v18 =	vld [tilespmem:$0x10440];
	v29 =	vmul.f32 v60, v25;
	v34 =	vmul.f32 v63, v27  }
0x1dc: {  	v42 =	vmul.f32 v30, v20;
	v46 =	vbroadcast v1, $0xD  }
0x1dd: {  	v49 =	vld [tilespmem:$0x10450];
	v15 =	vmul.f32 v2, v2;
	v4 =	vmul.f32 v41, v2;
	v2 =	vadd.f32 $0.0e+00, v2  }
0x1de: {  	v24 =	vld [tilespmem:$0x10460];
	v48 =	vmul.f32 v7, v7;
	v21 =	vmul.f32 v8, v8  }
0x1df: {  	v55 =	vld [tilespmem:s25+$0x6710];
	v12 =	vmul.f32 v12, v7;
	v23 =	vmul.f32 v5, v5;
	v2 =	vadd.f32 v8, v2  }
0x1e0: {  	v50 =	vmul.f32 v18, v5;
	v3 =	vmul.f32 v3, v8  }
0x1e1: {  	v57 =	vld [tilespmem:$0x10480];
	v53 =	vmul.f32 v9, v9;
	v15 =	vadd.f32 v21, v15;
	v2 =	vadd.f32 v7, v2  }
0x1e2: {  	v26 =	vld [tilespmem:$0x104A0];
	v54 =	vmul.f32 v49, v9;
	v19 =	vmul.f32 v11, v11;
	v4 =	vadd.f32 $0.0e+00, v4  }
0x1e3: {  	v58 =	vmul.f32 v24, v11;
	v13 =	vadd.f32 v48, v15;
	v2 =	vadd.f32 v5, v2  }
0x1e4: {  	v31 =	vld [tilespmem:$0x104B0];
	v61 =	vmul.f32 v56, v56;
	v24 =	vmul.f32 v55, v59;
	v3 =	vadd.f32 v3, v4  }
0x1e5: {  	v38 =	vld [tilespmem:$0x104C0];
	v18 =	vmul.f32 v10, v10;
	v13 =	vadd.f32 v23, v13;
	v2 =	vadd.f32 v9, v2  }
0x1e6: {  	v52 =	vld [tilespmem:$0x10470];
	v28 =	vmul.f32 v57, v10;
	v36 =	vmul.f32 v29, v29;
	v3 =	vadd.f32 v12, v3  }
0x1e7: {  	v47 =	vld [tilespmem:s25+$0x9710];
	v37 =	vmul.f32 v26, v29;
	v8 =	vadd.f32 v53, v13;
	v2 =	vadd.f32 v11, v2  }
0x1e8: {  	v62 =	vld [tilespmem:$0x10490];
	v39 =	vmul.f32 v34, v34;
	v41 =	vbroadcast v1, $0xC;
	v3 =	vadd.f32 v50, v3  }
0x1e9: {  	v35 =	vld [tilespmem:s25+$0x8710];
	v43 =	vmul.f32 v31, v34;
	v8 =	vadd.f32 v19, v8;
	v2 =	vadd.f32 v56, v2  }
0x1ea: {  	v51 =	vmul.f32 v38, v42;
	v55 =	vld [tilespmem:s25+$0x9F10];
	v1 =	vbroadcast v1, $0xF;
	v3 =	vadd.f32 v54, v3  }
0x1eb: {  	v40 =	vld [tilespmem:s25+$0x8F10];
	v32 =	vmul.f32 v24, v24;
	v8 =	vadd.f32 v61, v8;
	v2 =	vadd.f32 v10, v2  }
0x1ec: {  	v6 =	vmul.f32 v47, v6;
	v7 =	vmul.f32 v52, v56;
	v3 =	vadd.f32 v58, v3  }
0x1ed: {  	v44 =	vld [tilespmem:$0x104D0];
	v33 =	vmul.f32 v62, v24;
	v8 =	vadd.f32 v18, v8;
	v2 =	vadd.f32 v24, v2  }
0x1ee: {  	s8 =	simm.s32 $0x0;
	v49 =	vld [tilespmem:$0x104E0];
	v48 =	vmul.f32 v42, v42;
	v60 =	vmul.f32 v6, v6;
	v3 =	vadd.f32 v7, v3  }
0x1ef: {  	s31 =	sand.u32 $0xFFE, s8;
	v52 =	vld [tilespmem:$0x104F0];
	v1 =	vmul.f32 v55, v1;
	v8 =	vadd.f32 v32, v8;
	v2 =	vadd.f32 v29, v2  }
0x1f0: {  	v13 =	vmul.f32 v35, v41;
	v53 =	vmul.f32 v40, v46;
	v10 =	vld [tilespmem:s31+$0xD10];
	v3 =	vadd.f32 v28, v3  }
0x1f1: {  	v14 =	vmul.f32 v1, v1;
	v45 =	vadd.f32 v36, v8;
	v2 =	vadd.f32 v34, v2  }
0x1f2: {  	v54 =	vmul.f32 v13, v13;
	v57 =	vmul.f32 v53, v53;
	v3 =	vadd.f32 v33, v3  }
0x1f3: {  	v56 =	vmul.f32 v44, v13;
	v50 =	vadd.f32 v39, v45;
	v2 =	vadd.f32 v42, v2  }
0x1f4: {  	v58 =	vmul.f32 v49, v53;
	v61 =	vmul.f32 v52, v6;
	v3 =	vadd.f32 v37, v3  }
0x1f5: {  	v63 =	vbroadcast v10, $0x3;
	v4 =	vadd.f32 v48, v50;
	v2 =	vadd.f32 v13, v2  }
0x1f6: {  	v59 =	vld [tilespmem:s25+$0xA710];
	v25 =	vbroadcast v10, $0x0;
	v27 =	vbroadcast v10, $0x5;
	v3 =	vadd.f32 v43, v3  }
0x1f7: {  	v62 =	vld [tilespmem:s25+$0xAF10];
	v28 =	vbroadcast v10, $0x1;
	v4 =	vadd.f32 v54, v4;
	v2 =	vadd.f32 v53, v2  }
0x1f8: {  	v26 =	vld [tilespmem:$0x10500];
	v30 =	vbroadcast v10, $0x2;
	v32 =	vbroadcast v10, $0x6;
	v3 =	vadd.f32 v51, v3  }
0x1f9: {  	v24 =	vld [tilespmem:s25+$0xB710];
	v35 =	vbroadcast v10, $0x7;
	v4 =	vadd.f32 v57, v4;
	v2 =	vadd.f32 v6, v2  }
0x1fa: {  	v31 =	vld [tilespmem:$0x10510];
	v38 =	vbroadcast v10, $0x4;
	v47 =	vbroadcast v10, $0x8;
	v3 =	vadd.f32 v56, v3  }
0x1fb: {  	v29 =	vld [tilespmem:s25+$0xBF10];
	v5 =	vmul.f32 v59, v25;
	v4 =	vadd.f32 v60, v4;
	v2 =	vadd.f32 v1, v2  }
0x1fc: {  	v10 =	vbroadcast v10, $0x9;
	v34 =	vld [tilespmem:s25+$0xC710];
	v33 =	vmul.f32 v62, v28;
	v3 =	vadd.f32 v58, v3  }
0x1fd: {  	v37 =	vld [tilespmem:$0x10520];
	v36 =	vmul.f32 v5, v5;
	v4 =	vadd.f32 v14, v4;
	v2 =	vadd.f32 v5, v2  }
0x1fe: {  	v40 =	vld [tilespmem:$0x10530];
	v7 =	vmul.f32 v24, v30;
	v3 =	vadd.f32 v61, v3;
	v1 =	vmul.f32 v26, v1  }
0x1ff: {  	v41 =	vld [tilespmem:$0x10540];
	v39 =	vmul.f32 v33, v33;
	v4 =	vadd.f32 v36, v4;
	v2 =	vadd.f32 v33, v2  }
0x200: {  	v43 =	vld [tilespmem:s25+$0xCF10];
	v42 =	vmul.f32 v7, v7;
	v1 =	vadd.f32 v1, v3;
	v5 =	vmul.f32 v31, v5  }
0x201: {  	v44 =	vld [tilespmem:s25+$0xD710];
	v3 =	vmul.f32 v29, v63;
	v4 =	vadd.f32 v39, v4;
	v2 =	vadd.f32 v7, v2  }
0x202: {  	v46 =	vld [tilespmem:s25+$0xDF10];
	v9 =	vmul.f32 v34, v38;
	v8 =	vmul.f32 v37, v33;
	v1 =	vadd.f32 v5, v1  }
0x203: {  	v48 =	vld [tilespmem:$0x10550];
	v45 =	vmul.f32 v3, v3;
	v4 =	vadd.f32 v42, v4;
	v2 =	vadd.f32 v3, v2  }
0x204: {  	v55 =	vld [tilespmem:s25+$0xEF10];
	v49 =	vmul.f32 v9, v9;
	v7 =	vmul.f32 v40, v7;
	v1 =	vadd.f32 v8, v1  }
0x205: {  	v50 =	vld [tilespmem:$0x10560];
	v6 =	vmul.f32 v43, v27;
	v4 =	vadd.f32 v45, v4;
	v2 =	vadd.f32 v9, v2  }
0x206: {  	v11 =	vmul.f32 v44, v32;
	v51 =	vld [tilespmem:s25+$0xE710];
	v3 =	vmul.f32 v41, v3;
	v1 =	vadd.f32 v7, v1  }
0x207: {  	v52 =	vld [tilespmem:$0x10570];
	v53 =	vmul.f32 v6, v6;
	v4 =	vadd.f32 v49, v4;
	v2 =	vadd.f32 v6, v2  }
0x208: {  	v13 =	vmul.f32 v46, v35;
	v1 =	vadd.f32 v3, v1;
	v3 =	vmul.f32 v48, v9  }
0x209: {  	v54 =	vmul.f32 v11, v11;
	v4 =	vadd.f32 v53, v4;
	v2 =	vadd.f32 v11, v2  }
0x20a: {  	v56 =	vld [tilespmem:$0x10580];
	v57 =	vmul.f32 v13, v13;
	v1 =	vadd.f32 v3, v1;
	v3 =	vmul.f32 v50, v6  }
0x20b: {  	v58 =	vld [tilespmem:$0x10590];
	v5 =	vmul.f32 v51, v47;
	v4 =	vadd.f32 v54, v4;
	v2 =	vadd.f32 v13, v2  }
0x20c: {  	v10 =	vmul.f32 v55, v10;
	v7 =	vmul.f32 v52, v11;
	v1 =	vadd.f32 v3, v1  }
0x20d: {  	v3 =	vmul.f32 v5, v5;
	v4 =	vadd.f32 v57, v4;
	v2 =	vadd.f32 v5, v2  }
0x20e: {  	v60 =	vld [tilespmem:$0x105A0];
	v61 =	vmul.f32 v10, v10;
	v1 =	vadd.f32 v7, v1  }
0x20f: {  	v59 =	vmul.f32 v56, v13;
	v3 =	vadd.f32 v3, v4;
	v2 =	vadd.f32 v10, v2  }
0x210: {  	v62 =	vmul.f32 v58, v5  }
0x211: {  	v1 =	vadd.f32 v59, v1;
	v3 =	vadd.f32 v61, v3;
	v2 =	vmul.f32 v2, v2;
	_ =	sdelay $0x1  }
0x212: {  	v63 =	vmul.f32 v60, v10;
	v1 =	vadd.f32 v62, v1;
	v2 =	vsub.f32 v2, v3;
	_ =	sdelay $0x1  }
0x213: {  	v1 =	vadd.f32 v63, v1;
	v2 =	vmul.f32 $5.000000000e-01, v2;
	_ =	sdelay $0x1  }
0x214: {  	v3 =	vadd.f32 v2, v1;
	_ =	sdelay $0x1  }
0x215: {  	(xrf2) =	vadd.scan.msk.f32 $0xffff, v3;
	_ =	sdelay $0x4  }
0x216: {  	s30 =	simm.s32 $0x10621;
	s2 =	sand.u32 $0xF, s8  }
0x217: {  	s10 =	simm.s32 $0x40;
	p0 =	sne.s32 s2, $0xF;
	s9 =	simm.s32 $0x105A1  }
0x218: {  	s13 =	simm.s32 $0x10622;
	s17 =	simm.s32 $0xD1A;
	s21 =	simm.s32 $0x1A;
	v1 =	vimm.f32 $0.0e+00;
	v2 =	vld @!p0 [tilespmem:s9+$0x0]  }
.LBB2_4:
0x219: {  	s8 =	sadd.s32 $0x1, s8  }
0x21a: {  	s9 =	sadd.s32 $0x1, s9;
	s25 =	smov.u32 s10;
	s10 =	sadd.s32 $0x40, s10  }
0x21b: {  	p1 =	sne.s32 s10, $0x2000;
	v3, _, _ =	vpop (xrf2)  }
0x21c: {  	v4 =	vmov s2;
	v3 =	vbroadcast v3, $0xF  }
0x21d: {  	vm0 =	veq.s32 v4, v0  }
0x21e: {  	v1 =	vsel vm0, v3, v1  }
0x21f: {  	v2 =	vadd.f32 @!p0 v2, v1  }
0x220: {  	s2 =	sand.u32 $0xF, s8  }
0x221: {  	[tilespmem:s30+$0x0] =	vst @!p0 v2;
	p0 =	sne.s32 s2, $0xF;
	s30 =	smov.u32 s13  }
0x222: {  	v2 =	vld @!p0 [tilespmem:s9+$0x0]  }
0x223: {  	v3 =	vld [tilespmem:s17+$0x0]  }
0x224: {  	s25 =	sshra.s32 s25, $0x2  }
0x225: {  	v5 =	vld [tilespmem:s25+$0x2710]  }
0x226: {  	v6 =	vld [tilespmem:$0x10420]  }
0x227: {  	v7 =	vld [tilespmem:s25+$0x2F10]  }
0x228: {  	v8 =	vbroadcast v3, $0x0;
	v9 =	vld [tilespmem:$0x10410];
	v4 =	vbroadcast v3, $0xE  }
0x229: {  	v11 =	vbroadcast v3, $0x2;
	v12 =	vbroadcast v3, $0x7;
	v10 =	vld [tilespmem:s25+$0x3710]  }
0x22a: {  	v13 =	vbroadcast v3, $0x5;
	v5 =	vmul.f32 v5, v8;
	v8 =	vld [tilespmem:s25+$0x3F10]  }
0x22b: {  	v15 =	vbroadcast v3, $0x3;
	v16 =	vbroadcast v3, $0x6;
	v14 =	vld [tilespmem:$0x10430]  }
0x22c: {  	v19 =	vbroadcast v3, $0x1;
	v17 =	vadd.f32 $0.0e+00, v5;
	v18 =	vmul.f32 v5, v5;
	v20 =	vld [tilespmem:s25+$0x4710]  }
0x22d: {  	v5 =	vmul.f32 v9, v5;
	v9 =	vld [tilespmem:$0x10440]  }
0x22e: {  	v10 =	vmul.f32 v10, v11;
	v11 =	vbroadcast v3, $0x4;
	v21 =	vld [tilespmem:s25+$0x4F10]  }
0x22f: {  	v7 =	vmul.f32 v7, v19;
	v5 =	vadd.f32 $0.0e+00, v5;
	v8 =	vmul.f32 v8, v15  }
0x230: {  	v22 =	vbroadcast v3, $0xB;
	v15 =	vmul.f32 v10, v10;
	v19 =	vld [tilespmem:$0x10450]  }
0x231: {  	v17 =	vadd.f32 v7, v17;
	v23 =	vmul.f32 v7, v7;
	v14 =	vmul.f32 v14, v10;
	v24 =	vld [tilespmem:s25+$0x5710]  }
0x232: {  	v25 =	vmul.f32 v8, v8;
	v11 =	vmul.f32 v20, v11;
	v20 =	vld [tilespmem:$0x10460]  }
0x233: {  	v18 =	vadd.f32 v23, v18;
	v9 =	vmul.f32 v9, v8;
	v13 =	vmul.f32 v21, v13;
	v21 =	vld [tilespmem:s25+$0x5F10]  }
0x234: {  	v6 =	vmul.f32 v6, v7;
	v7 =	vadd.f32 v10, v17;
	v10 =	vmul.f32 v11, v11;
	v17 =	vld [tilespmem:$0x10470]  }
0x235: {  	v15 =	vadd.f32 v15, v18;
	v18 =	vmul.f32 v19, v11;
	v19 =	vmul.f32 v13, v13;
	v23 =	vld [tilespmem:s25+$0x6710]  }
0x236: {  	v5 =	vadd.f32 v6, v5;
	v6 =	vadd.f32 v8, v7;
	v7 =	vmul.f32 v24, v16;
	v8 =	vld [tilespmem:$0x10480]  }
0x237: {  	v15 =	vadd.f32 v25, v15;
	v16 =	vmul.f32 v20, v13;
	v20 =	vbroadcast v3, $0x8;
	v24 =	vld [tilespmem:s25+$0x6F10]  }
0x238: {  	v5 =	vadd.f32 v14, v5;
	v6 =	vadd.f32 v11, v6;
	v11 =	vmul.f32 v7, v7;
	v14 =	vld [tilespmem:$0x10490]  }
0x239: {  	v10 =	vadd.f32 v10, v15;
	v12 =	vmul.f32 v21, v12;
	v15 =	vmul.f32 v17, v7;
	v17 =	vld [tilespmem:s25+$0x7710]  }
0x23a: {  	v6 =	vadd.f32 v13, v6;
	v13 =	vmul.f32 v23, v20;
	v20 =	vbroadcast v3, $0x9  }
0x23b: {  	v10 =	vadd.f32 v19, v10;
	v19 =	vmul.f32 v12, v12;
	v23 =	vbroadcast v3, $0xA;
	v21 =	vld [tilespmem:$0x104A0]  }
0x23c: {  	v6 =	vadd.f32 v7, v6;
	v7 =	vmul.f32 v8, v12;
	v8 =	vmul.f32 v24, v20;
	v20 =	vld [tilespmem:$0x104B0]  }
0x23d: {  	v5 =	vadd.f32 v9, v5;
	v9 =	vadd.f32 v11, v10;
	v10 =	vmul.f32 v13, v13;
	v11 =	vld [tilespmem:s25+$0x7F10]  }
0x23e: {  	v6 =	vadd.f32 v12, v6;
	v12 =	vmul.f32 v14, v13;
	v14 =	vmul.f32 v17, v23  }
0x23f: {  	v5 =	vadd.f32 v18, v5;
	v9 =	vadd.f32 v19, v9;
	v17 =	vmul.f32 v8, v8;
	v18 =	vld [tilespmem:s25+$0x8710]  }
0x240: {  	v6 =	vadd.f32 v13, v6;
	v13 =	vmul.f32 v21, v8;
	v19 =	vmul.f32 v14, v14;
	v21 =	vld [tilespmem:$0x104C0]  }
0x241: {  	v5 =	vadd.f32 v16, v5;
	v9 =	vadd.f32 v10, v9;
	v10 =	vbroadcast v3, $0xC;
	v16 =	vld [tilespmem:s25+$0x8F10]  }
0x242: {  	v6 =	vadd.f32 v8, v6;
	v8 =	vmul.f32 v20, v14;
	v11 =	vmul.f32 v11, v22;
	v20 =	vld [tilespmem:$0x104D0]  }
0x243: {  	v5 =	vadd.f32 v15, v5;
	v15 =	vbroadcast v3, $0xD;
	v9 =	vadd.f32 v17, v9;
	v17 =	vld [tilespmem:s25+$0x9710]  }
0x244: {  	v6 =	vadd.f32 v14, v6;
	v14 =	vmul.f32 v11, v11;
	v10 =	vmul.f32 v18, v10;
	v18 =	vld [tilespmem:$0x104E0]  }
0x245: {  	v5 =	vadd.f32 v7, v5;
	v7 =	vadd.f32 v19, v9;
	v9 =	vmul.f32 v21, v11;
	v19 =	vld [tilespmem:$0x104F0]  }
0x246: {  	s31 =	sand.u32 $0xFFE, s21;
	v6 =	vadd.f32 v11, v6;
	v11 =	vmul.f32 v10, v10;
	v15 =	vmul.f32 v16, v15;
	v16 =	vld [tilespmem:s25+$0x9F10]  }
0x247: {  	v5 =	vadd.f32 v12, v5;
	v7 =	vadd.f32 v14, v7;
	v21 =	vld [tilespmem:s31+$0xD10];
	v12 =	vmul.f32 v20, v10  }
0x248: {  	v6 =	vadd.f32 v10, v6;
	v10 =	vmul.f32 v15, v15;
	v4 =	vmul.f32 v17, v4  }
0x249: {  	v5 =	vadd.f32 v13, v5;
	v7 =	vadd.f32 v11, v7;
	v11 =	vmul.f32 v18, v15;
	v13 =	vld [tilespmem:s25+$0xA710]  }
0x24a: {  	v3 =	vbroadcast v3, $0xF;
	v6 =	vadd.f32 v15, v6;
	v14 =	vmul.f32 v4, v4  }
0x24b: {  	v5 =	vadd.f32 v8, v5;
	v7 =	vadd.f32 v10, v7;
	v8 =	vmul.f32 v19, v4;
	v10 =	vld [tilespmem:s25+$0xAF10]  }
0x24c: {  	v4 =	vadd.f32 v4, v6;
	v3 =	vmul.f32 v16, v3;
	v6 =	vbroadcast v21, $0x3  }
0x24d: {  	v5 =	vadd.f32 v9, v5;
	v7 =	vadd.f32 v14, v7;
	v9 =	vbroadcast v21, $0x0;
	v14 =	vld [tilespmem:s25+$0xB710]  }
0x24e: {  	v17 =	vbroadcast v21, $0x5;
	v4 =	vadd.f32 v3, v4;
	v15 =	vmul.f32 v3, v3;
	v16 =	vld [tilespmem:$0x10500]  }
0x24f: {  	v5 =	vadd.f32 v12, v5;
	v12 =	vbroadcast v21, $0x1;
	v18 =	vbroadcast v21, $0x2;
	v19 =	vld [tilespmem:s25+$0xBF10]  }
0x250: {  	v9 =	vmul.f32 v13, v9;
	v7 =	vadd.f32 v15, v7;
	v15 =	vbroadcast v21, $0x6;
	v13 =	vld [tilespmem:$0x10510]  }
0x251: {  	v5 =	vadd.f32 v11, v5;
	v10 =	vmul.f32 v10, v12;
	v12 =	vbroadcast v21, $0x7;
	v11 =	vld [tilespmem:s25+$0xC710]  }
0x252: {  	v4 =	vadd.f32 v9, v4;
	v20 =	vmul.f32 v9, v9;
	v22 =	vld [tilespmem:$0x10520];
	v14 =	vmul.f32 v14, v18  }
0x253: {  	v5 =	vadd.f32 v8, v5;
	v3 =	vmul.f32 v16, v3;
	v8 =	vld [tilespmem:$0x10540];
	v16 =	vbroadcast v21, $0x4  }
0x254: {  	v7 =	vadd.f32 v20, v7;
	v18 =	vmul.f32 v10, v10;
	v20 =	vmul.f32 v14, v14;
	v23 =	vld [tilespmem:$0x10530]  }
0x255: {  	v4 =	vadd.f32 v10, v4;
	v3 =	vadd.f32 v3, v5;
	v5 =	vmul.f32 v19, v6;
	v6 =	vld [tilespmem:s25+$0xCF10]  }
0x256: {  	v7 =	vadd.f32 v18, v7;
	v9 =	vmul.f32 v13, v9;
	v11 =	vmul.f32 v11, v16;
	v13 =	vld [tilespmem:s25+$0xD710]  }
0x257: {  	v4 =	vadd.f32 v14, v4;
	v10 =	vmul.f32 v22, v10;
	v16 =	vmul.f32 v5, v5;
	v18 =	vld [tilespmem:s25+$0xDF10]  }
0x258: {  	v7 =	vadd.f32 v20, v7;
	v3 =	vadd.f32 v9, v3;
	v9 =	vbroadcast v21, $0x8  }
0x259: {  	v4 =	vadd.f32 v5, v4;
	v19 =	vmul.f32 v11, v11;
	v14 =	vmul.f32 v23, v14;
	v20 =	vld [tilespmem:$0x10550]  }
0x25a: {  	v3 =	vadd.f32 v10, v3;
	v7 =	vadd.f32 v16, v7;
	v6 =	vmul.f32 v6, v17;
	v10 =	vld [tilespmem:$0x10560]  }
0x25b: {  	v5 =	vmul.f32 v8, v5;
	v4 =	vadd.f32 v11, v4;
	v8 =	vmul.f32 v13, v15;
	v13 =	vld [tilespmem:s25+$0xE710]  }
0x25c: {  	v3 =	vadd.f32 v14, v3;
	v7 =	vadd.f32 v19, v7;
	v14 =	vld [tilespmem:$0x10570];
	v12 =	vmul.f32 v18, v12  }
0x25d: {  	v4 =	vadd.f32 v6, v4;
	v15 =	vmul.f32 v6, v6;
	v16 =	vmul.f32 v8, v8;
	v17 =	vld [tilespmem:s25+$0xEF10]  }
0x25e: {  	v18 =	vbroadcast v21, $0x9;
	v3 =	vadd.f32 v5, v3;
	v5 =	vmul.f32 v20, v11;
	v11 =	vld [tilespmem:$0x10580]  }
0x25f: {  	v7 =	vadd.f32 v15, v7;
	v4 =	vadd.f32 v8, v4;
	v15 =	vmul.f32 v12, v12  }
0x260: {  	v3 =	vadd.f32 v5, v3;
	v5 =	vmul.f32 v10, v6;
	v6 =	vmul.f32 v13, v9;
	v9 =	vld [tilespmem:$0x10590]  }
0x261: {  	v7 =	vadd.f32 v16, v7;
	v4 =	vadd.f32 v12, v4;
	v8 =	vmul.f32 v14, v8  }
0x262: {  	v3 =	vadd.f32 v5, v3;
	v5 =	vmul.f32 v6, v6;
	v10 =	vmul.f32 v17, v18  }
0x263: {  	v7 =	vadd.f32 v15, v7;
	v4 =	vadd.f32 v6, v4;
	v11 =	vmul.f32 v11, v12  }
0x264: {  	v3 =	vadd.f32 v8, v3;
	v8 =	vmul.f32 v10, v10;
	v12 =	vld [tilespmem:$0x105A0]  }
0x265: {  	v5 =	vadd.f32 v5, v7;
	v4 =	vadd.f32 v10, v4;
	v6 =	vmul.f32 v9, v6  }
0x266: {  	v3 =	vadd.f32 v11, v3  }
0x267: {  	v5 =	vadd.f32 v8, v5;
	v4 =	vmul.f32 v4, v4  }
0x268: {  	v3 =	vadd.f32 v6, v3  }
0x269: {  	v4 =	vsub.f32 v4, v5;
	v6 =	vmul.f32 v12, v10;
	_ =	sdelay $0x1  }
0x26a: {  	v4 =	vmul.f32 $5.000000000e-01, v4;
	v3 =	vadd.f32 v6, v3;
	_ =	sdelay $0x1  }
0x26b: {  	v3 =	vadd.f32 v4, v3;
	_ =	sdelay $0x1  }
0x26c: {  	(xrf2) =	vadd.scan.msk.f32 $0xffff, v3;
	_ =	sdelay $0x3  }
.Ltmp1:
0x26d: {  	(pc) =	sbr.rel @p1 .LBB2_4-.Ltmp1, $2  }
0x26e: {  	_ =	sdelay $0x2  }
0x26f: {  	s21 =	sadd.s32 $0x1A, s21;
	s13 =	sadd.s32 $0x1, s13;
	s17 =	sadd.s32 $0x1A, s17  }
0x270: {  	_ = 	snop  }
0x271: {  	v3, _, _ =	vpop (xrf2)  }
0x272: {  	v4 =	vmov s2;
	v3 =	vbroadcast v3, $0xF  }
0x273: {  	vm0 =	veq.s32 v4, v0  }
0x274: {  	v1 =	vsel vm0, v3, v1  }
0x275: {  	v1 =	vadd.f32 @!p0 v2, v1;
	_ =	sdelay $0x1  }
0x276: {  	s8 =	simm.s32 $0x10630;
	[tilespmem:s30+$0x0] =	vst @!p0 v1;
	s30 =	rddreg [dreg:$0xb]  }
0x277: {  	[hbm4b:s30+s4] =	stream.linear.scatter [tilespmem:s8], [sflag:$0x2], $0x80, $0x38;
	[tilespmem:$0x106B0] =	vst v63  }
0x278: {  	_ =	swait.ge [sflag:s11], $0x80  }
0x279: {  	s7 =	sadd.s32 $0x1, s7;
	s31 =	rddreg [dreg:$0xc]  }
0x27a: {  	p0 =	sne.s32 s7, s31  }
.Ltmp2:
0x27b: {  	_ = 	snop;
	(pc) =	sbr.rel @p0 .LBB2_1-.Ltmp2, $3  }
0x27c: {  	_ =	sdelay $0x1  }
0x27d: {  	[sflag:s11] =	ssyncset.done $0x0  }
0x27e: {  	[sflag:s11] =	ssyncadd.s32 $0xFFFFFF80  }
0x27f: {  	_ =	sfence.sel $0x180000  }
0x280: {  	[bflag:$0x0] =	sbarrier.arrive $0xFFFF  }
0x281: {  	_ =	strace $0x90000047  }
0x282: {  	s0 =	stileid.u32;
	[bflag:$0x2] =	sbarrier.arrive $0xFFFF  }
0x283: {  	p0 =	sne.s32 s0, $0x0;
	s0 =	rddreg [dreg:$0x7]  }
0x284: {  	s0 =	sadd.s32 @!p0 $0x100000, s0  }
0x285: {  	[sflag:s0] =	ssyncadd.tile.s32 @!p0 $0x1;
	_ =	shalt  }
.Lfunc_end2:
_tile_overlayer_lowered:
.L_overlay_start_2:
0x286: {  	(tag) =	ssettag $0x2  }
0x287: {  	s0 =	rddreg [dreg:$0x0];
	s2 =	stileid.u32  }
0x288: {  	s1 =	rddreg [dreg:$0x1];
	p0 =	sne.s32 s2, $0x0  }
0x289: {  	s3 =	rddreg [dreg:$0x2];
	[bflag:$0x3] =	sbarrier.arrive $0xFFFF;
	s2 =	simm.s32 @!p0 $0x1C02  }
0x28a: {  	[timem:s3], [sflag:s2] =	dma.local @!p0 [hbm:s0], s1  }
0x28b: {  	s0 =	simm.s32 @!p0 $0x2  }
0x28c: {  	_ =	swait.ge @!p0 [sflag:s0], s1  }
0x28d: {  	s1 =	ssub.s32 @!p0 $0x0, s1;
	[sflag:s0] =	ssyncset.done @!p0 $0x0  }
0x28e: {  	[sflag:s0] =	ssyncadd.s32 @!p0 s1  }
0x28f: {  	[bflag:$0x3] =	sbarrier.arrive $0xFFFF  }
0x290: {  	_ =	shalt  }

</sc_bundles>
